<compile_context>
chip_gen: v7x
topology: tpu7x:2x2x1
jax: 0.10.2.dev20260603
libtpu: 0.0.44.dev20260713+nightly
codegen_flags: <defaults>
</compile_context>

<pallas_src>
import jax
import jax.numpy as jnp
from jax import lax
from jax.experimental import pallas as pl
from jax.experimental.pallas import tpu as pltpu
from jax.experimental.pallas import tpu_sc as plsc

N = 131072
C = 190
NC = 2
NS = 16
NW = NC * NS
L = 16
TILE = 128

KTC = 128
TPW = (N // TILE - KTC) // NW
RPW = TPW * TILE
SC_BASE = KTC * TILE
VPT = TILE // L
NBUF = 3
AHEAD = NBUF - 1

TC_COLS = KTC * TILE
TC_BLK = 4096
TC_GRID = TC_COLS // TC_BLK
TC_SUB = TC_BLK // 512


def _sc_body(lt_hbm, tgt_hbm, out_hbm, tgt_v, fidx_v, vals_v, acc_v, sem):
    c = lax.axis_index("c")
    s = lax.axis_index("s")
    wid = s * NC + c
    base = SC_BASE + wid * RPW

    pltpu.sync_copy(tgt_hbm.at[pl.ds(base, RPW)], tgt_v)

    iot = lax.iota(jnp.int32, L)

    def build(g):
        def one(o, _):
            j = g * VPT + o
            t = tgt_v[pl.ds(j * L, L)]
            fidx_v[pl.ds(j * L, L)] = jnp.where(t != -1, t, 0)
            return 0
        lax.fori_loop(0, VPT, one, 0)

    def fire(g):
        slot = lax.rem(g, NBUF)
        cb = pl.multiple_of(base + g * TILE, TILE)
        pltpu.async_copy(
            lt_hbm.at[fidx_v.at[pl.ds(g * TILE, TILE)], pl.ds(cb, TILE)],
            vals_v.at[slot],
            sem,
        )

    for g0 in range(AHEAD):
        build(g0)
        fire(g0)

    def tile_body(g, carry):
        acc_sq, acc_ct = carry

        @pl.when(g + AHEAD < TPW)
        def _():
            build(g + AHEAD)
            fire(g + AHEAD)

        slot = lax.rem(g, NBUF)
        cb = pl.multiple_of(base + g * TILE, TILE)
        pltpu.make_async_copy(
            lt_hbm.at[fidx_v.at[pl.ds(g * TILE, TILE)], pl.ds(cb, TILE)],
            vals_v.at[slot],
            sem,
        ).wait()

        slot_vec = jnp.full((L,), slot, jnp.int32)
        for o in range(VPT):
            diag = o * L + iot
            v = plsc.load_gather(vals_v, [slot_vec, diag, diag])
            t = tgt_v[pl.ds(g * TILE + o * L, L)]
            mf = jnp.where(t != -1, 1.0, 0.0).astype(jnp.float32)
            d = 1.0 - v
            acc_sq = acc_sq + d * d * mf
            acc_ct = acc_ct + mf
        return acc_sq, acc_ct

    acc_sq, acc_ct = lax.fori_loop(
        0, TPW, tile_body,
        (jnp.zeros((L,), jnp.float32), jnp.zeros((L,), jnp.float32)),
    )

    acc_v[0, :] = acc_sq
    acc_v[1, :] = acc_ct
    pltpu.sync_copy(acc_v.at[0], out_hbm.at[wid])
    pltpu.sync_copy(acc_v.at[1], out_hbm.at[NW + wid])


def _tc_body(lt_ref, tgt_ref, sq_ref, ct_ref):
    b = pl.program_id(0)

    @pl.when(b == 0)
    def _():
        sq_ref[...] = jnp.zeros_like(sq_ref)
        ct_ref[...] = jnp.zeros_like(ct_ref)

    x = lt_ref[...]
    iota2d = lax.broadcasted_iota(jnp.int32, (C, 512), 0)
    for sub in range(TC_SUB):
        t = tgt_ref[sub, :]
        xs = x[:, sub * 512:(sub + 1) * 512]
        valid = (t != -1)
        m = (iota2d == t[None, :]) & valid[None, :]
        d = 1.0 - xs
        contrib = jnp.sum(jnp.where(m, d * d, 0.0), axis=0)
        sq_ref[sub, :] += contrib
        ct_ref[sub, :] += valid.astype(jnp.float32)


def _finish_body(p_ref, tsq_ref, tct_ref, o_ref):
    p = p_ref[...]
    total_sq = jnp.sum(p[0:NW, :]) + jnp.sum(tsq_ref[...])
    total_ct = jnp.sum(p[NW:2 * NW, :]) + jnp.sum(tct_ref[...])
    o_ref[...] = jnp.full((1, 1), total_sq / total_ct, jnp.float32)


@jax.jit
def kernel(contrast_logits, contrast_target):
    lt = contrast_logits.T
    tgt = contrast_target.astype(jnp.int32)

    mesh = plsc.VectorSubcoreMesh(core_axis_name="c", subcore_axis_name="s")
    sc_partials = pl.kernel(
        _sc_body,
        out_type=jax.ShapeDtypeStruct((2 * NW, L), jnp.float32),
        mesh=mesh,
        compiler_params=pltpu.CompilerParams(needs_layout_passes=False),
        scratch_types=[
            pltpu.VMEM((RPW,), jnp.int32),
            pltpu.VMEM((RPW,), jnp.int32),
            pltpu.VMEM((NBUF, TILE, TILE), jnp.float32),
            pltpu.VMEM((2, L), jnp.float32),
            pltpu.SemaphoreType.DMA,
        ],
    )(lt, tgt)

    tgt2d = tgt.reshape(N // 512, 512)
    tc_sq, tc_ct = pl.pallas_call(
        _tc_body,
        grid=(TC_GRID,),
        in_specs=[
            pl.BlockSpec((C, TC_BLK), lambda b: (0, b)),
            pl.BlockSpec((TC_SUB, 512), lambda b: (b, 0)),
        ],
        out_specs=[
            pl.BlockSpec((TC_SUB, 512), lambda b: (0, 0)),
            pl.BlockSpec((TC_SUB, 512), lambda b: (0, 0)),
        ],
        out_shape=[
            jax.ShapeDtypeStruct((TC_SUB, 512), jnp.float32),
            jax.ShapeDtypeStruct((TC_SUB, 512), jnp.float32),
        ],
    )(lt, tgt2d)

    loss = pl.pallas_call(
        _finish_body,
        out_shape=jax.ShapeDtypeStruct((1, 1), jnp.float32),
    )(sc_partials, tc_sq, tc_ct)
    return loss[0, 0]

# --- scband reference (transcript-rebuilt; emitter-appended) ---
"""Pipeline reference for scband-ppd-2791728743037 (READ-ONLY COPY).

The authoritative reference and input builder live on the scoring server;
editing this copy changes nothing except your own understanding.
"""

import jax, jax.numpy as jnp
import numpy as np

N = 131072
C = 190

def setup_inputs(seed: int = 0) -> dict:
    key = jax.random.key(seed)
    k1, k2 = jax.random.split(key)
    contrast_logits = jax.random.normal(k1, (N, C), dtype=jnp.float32)
    contrast_target = jax.random.randint(k2, (N,), 0, C, dtype=jnp.int64)
    return {"contrast_logits": contrast_logits, "contrast_target": contrast_target}

def reference(contrast_logits, contrast_target):
    ignore_label = -1
    # mask-weighted formulation equivalent to boolean-index-then-mean
    mask = (contrast_target != ignore_label)
    safe_tgt = jnp.where(mask, contrast_target, 0)
    # torch.gather(contrast_logits, 1, target[:, None]) -> per-row gather
    logits = jnp.take_along_axis(contrast_logits, safe_tgt[:, None], axis=1)[:, 0]
    sq = (1.0 - logits) ** 2
    maskf = mask.astype(jnp.float32)
    loss_ppd = jnp.sum(sq * maskf) / jnp.sum(maskf)
    return loss_ppd

if __name__ == "__main__":
    import jax
    _d = setup_inputs()
    print(jax.jit(kernel)(*tuple(_d.values())))

</pallas_src>

<mosaic_0001>
#map = affine_map<(d0, d1) -> (0, 0)>
#map1 = affine_map<(d0, d1) -> (0)>
module attributes {stable_mosaic.version = 14 : i64} {
  func.func @_sc_body(%arg0: i32, %arg1: i32, %arg2: memref<190x131072xf32, #tpu.memory_space<hbm>>, %arg3: memref<131072xi32, #tpu.memory_space<hbm>>, %arg4: memref<64x16xf32, #tpu.memory_space<hbm>>, %arg5: memref<3584xi32, #tpu.memory_space<vmem>>, %arg6: memref<3584xi32, #tpu.memory_space<vmem>>, %arg7: memref<3x128x128xf32, #tpu.memory_space<vmem>>, %arg8: memref<2x16xf32, #tpu.memory_space<vmem>>, %arg9: memref<!tpu.dma_semaphore, #tpu.memory_space<semaphore_mem>>) attributes {dimension_semantics = [#tpu.dimension_semantics<core_parallel>, #tpu.dimension_semantics<subcore_parallel>], iteration_bounds = array<i64: 2, 16>, scalar_prefetch = 0 : i64, scratch_operands = 5 : i64, tpu.core_type = #tpu.core_type<sc_vector_subcore>, window_params = [{transform_indices = #map}, {transform_indices = #map1}, {transform_indices = #map}]} {
    %mul3A = arith.constant 2 : i32
    %mul3A_0 = arith.muli %arg1, %mul3A : i32
    %add3A = arith.addi %mul3A_0, %arg0 : i32
    %mul3A_1 = arith.constant 3584 : i32
    %mul3A_2 = arith.muli %add3A, %mul3A_1 : i32
    %add3A_3 = arith.constant 16384 : i32
    %add3A_4 = arith.addi %add3A_3, %mul3A_2 : i32
    "tpu.region"() ({
      %run_scoped3A_62 = tpu.sem_alloc : memref<!tpu.dma_semaphore, #tpu.memory_space<semaphore_mem>>
      %dma_start3A_63 = tpu.memref_slice %arg3[%add3A_4] : memref<131072xi32, #tpu.memory_space<hbm>> -> memref<3584xi32, #tpu.memory_space<hbm>>
      %dma_start3A_64 = tpu.memref_slice %arg3[%add3A_4] : memref<131072xi32, #tpu.memory_space<hbm>> -> memref<3584xi32, #tpu.memory_space<hbm>>
      tpu.enqueue_dma source(%dma_start3A_64 : memref<3584xi32, #tpu.memory_space<hbm>>) target(%arg5 : memref<3584xi32, #tpu.memory_space<vmem>>) target_semaphore(%run_scoped3A_62 : memref<!tpu.dma_semaphore, #tpu.memory_space<semaphore_mem>>)
      %dma_wait3A = tpu.memref_slice %arg3[%add3A_4] : memref<131072xi32, #tpu.memory_space<hbm>> -> memref<3584xi32, #tpu.memory_space<hbm>>
      %dma_wait3A_65 = tpu.memref_slice %arg3[%add3A_4] : memref<131072xi32, #tpu.memory_space<hbm>> -> memref<3584xi32, #tpu.memory_space<hbm>>
      tpu.wait_dma2 semaphore(%run_scoped3A_62 : memref<!tpu.dma_semaphore, #tpu.memory_space<semaphore_mem>>) src(%dma_wait3A_65 : memref<3584xi32, #tpu.memory_space<hbm>>) dst(%arg5 : memref<3584xi32, #tpu.memory_space<vmem>>)
      tpu.yield
    }) : () -> ()
    %iota3A = tpu.iota {dimensions = array<i32: 0>} : vector<16xi32>
    %scan3A = arith.constant 0 : i32
    %scan3A_5 = arith.constant 0 : i32
    %scan3A_6 = arith.constant 8 : i32
    %scan3A_7 = arith.addi %scan3A_5, %scan3A_6 : i32
    %scan3A_8 = arith.constant 1 : i32
    %scan3A_9 = scf.for %scan3A_62 = %scan3A_5 to %scan3A_7 step %scan3A_8 iter_args(%scan3A_63 = %scan3A) -> (i32)  : i32 {
      %add3A_64 = arith.constant 0 : i32
      %add3A_65 = arith.addi %add3A_64, %scan3A_62 : i32
      %mul3A_66 = arith.constant 16 : i32
      %mul3A_67 = arith.muli %add3A_65, %mul3A_66 : i32
      %get3A = arith.index_cast %mul3A_67 : i32 to index
      %get3A_68 = tpu.vector_load %arg5[%get3A] {strides = array<i32>} : memref<3584xi32, #tpu.memory_space<vmem>>, vector<16xi32>,
      %ne3A = arith.constant -1 : i32
      %ne3A_69 = vector.broadcast %ne3A : i32 to vector<16xi32>
      %ne3A_70 = arith.cmpi ne, %get3A_68, %ne3A_69 : vector<16xi32>
      %jit3A = arith.constant 0 : i32
      %broadcast_in_dim3A_71 = vector.broadcast %jit3A : i32 to vector<16xi32>
      %select_n3A = arith.select %ne3A_70, %get3A_68, %broadcast_in_dim3A_71 : vector<16xi1>, vector<16xi32>
      %mul3A_72 = arith.constant 16 : i32
      %mul3A_73 = arith.muli %add3A_65, %mul3A_72 : i32
      %swap3A_74 = arith.index_cast %mul3A_73 : i32 to index
      %swap3A_75 = tpu.vector_load %arg6[%swap3A_74] {strides = array<i32>} : memref<3584xi32, #tpu.memory_space<vmem>>, vector<16xi32>,
      tpu.vector_store %arg6[%swap3A_74], %select_n3A {strides = array<i32>} : memref<3584xi32, #tpu.memory_space<vmem>>, vector<16xi32>,
      %scan3A_76 = arith.constant 0 : i32
      scf.yield %scan3A_76 : i32
    }
    %scan3A_10 = arith.constant 8 : i32
    %rem3A = arith.constant 0 : i32
    %rem3A_11 = arith.constant 3 : i32
    %rem3A_12 = arith.remsi %rem3A, %rem3A_11 : i32
    %add3A_13 = arith.constant 0 : i32
    %add3A_14 = arith.addi %add3A_4, %add3A_13 : i32
    %multiple_of3A = tpu.assume_multiple %add3A_14, 128 : i32
    %dma_start3A = arith.constant 0 : i32
    %dma_start3A_15 = arith.constant 0 : i32
    %dma_start3A_16 = tpu.memref_slice %arg7[%rem3A_12, %dma_start3A, %dma_start3A_15] : memref<3x128x128xf32, #tpu.memory_space<vmem>> -> memref<1x128x128xf32, #tpu.memory_space<vmem>>
    %dma_start3A_17 = tpu.memref_squeeze %dma_start3A_16 : memref<1x128x128xf32, #tpu.memory_space<vmem>> -> memref<128x128xf32, #tpu.memory_space<vmem>>
    %dma_start3A_18 = arith.constant 0 : i32
    %dma_start3A_19 = tpu.memref_slice %arg6[%dma_start3A_18] : memref<3584xi32, #tpu.memory_space<vmem>> -> memref<128xi32, #tpu.memory_space<vmem>>
    %dma_start3A_20 = arith.constant 0 : i32
    %dma_start3A_21 = tpu.memref_slice %arg2[%dma_start3A_20, %multiple_of3A] : memref<190x131072xf32, #tpu.memory_space<hbm>> -> memref<190x128xf32, #tpu.memory_space<hbm>>
    tpu.enqueue_indirect_dma source(%dma_start3A_21 : memref<190x128xf32, #tpu.memory_space<hbm>>) target(%dma_start3A_17 : memref<128x128xf32, #tpu.memory_space<vmem>>) offsets(%dma_start3A_19 : memref<128xi32, #tpu.memory_space<vmem>>) semaphore(%arg9 : memref<!tpu.dma_semaphore, #tpu.memory_space<semaphore_mem>>)
    %scan3A_22 = arith.constant 0 : i32
    %scan3A_23 = arith.constant 0 : i32
    %scan3A_24 = arith.constant 8 : i32
    %scan3A_25 = arith.addi %scan3A_23, %scan3A_24 : i32
    %scan3A_26 = arith.constant 1 : i32
    %scan3A_27 = scf.for %scan3A_62 = %scan3A_23 to %scan3A_25 step %scan3A_26 iter_args(%scan3A_63 = %scan3A_22) -> (i32)  : i32 {
      %add3A_64 = arith.constant 8 : i32
      %add3A_65 = arith.addi %add3A_64, %scan3A_62 : i32
      %mul3A_66 = arith.constant 16 : i32
      %mul3A_67 = arith.muli %add3A_65, %mul3A_66 : i32
      %get3A = arith.index_cast %mul3A_67 : i32 to index
      %get3A_68 = tpu.vector_load %arg5[%get3A] {strides = array<i32>} : memref<3584xi32, #tpu.memory_space<vmem>>, vector<16xi32>,
      %ne3A = arith.constant -1 : i32
      %ne3A_69 = vector.broadcast %ne3A : i32 to vector<16xi32>
      %ne3A_70 = arith.cmpi ne, %get3A_68, %ne3A_69 : vector<16xi32>
      %jit3A = arith.constant 0 : i32
      %broadcast_in_dim3A_71 = vector.broadcast %jit3A : i32 to vector<16xi32>
      %select_n3A = arith.select %ne3A_70, %get3A_68, %broadcast_in_dim3A_71 : vector<16xi1>, vector<16xi32>
      %mul3A_72 = arith.constant 16 : i32
      %mul3A_73 = arith.muli %add3A_65, %mul3A_72 : i32
      %swap3A_74 = arith.index_cast %mul3A_73 : i32 to index
      %swap3A_75 = tpu.vector_load %arg6[%swap3A_74] {strides = array<i32>} : memref<3584xi32, #tpu.memory_space<vmem>>, vector<16xi32>,
      tpu.vector_store %arg6[%swap3A_74], %select_n3A {strides = array<i32>} : memref<3584xi32, #tpu.memory_space<vmem>>, vector<16xi32>,
      %scan3A_76 = arith.constant 0 : i32
      scf.yield %scan3A_76 : i32
    }
    %scan3A_28 = arith.constant 8 : i32
    %rem3A_29 = arith.constant 1 : i32
    %rem3A_30 = arith.constant 3 : i32
    %rem3A_31 = arith.remsi %rem3A_29, %rem3A_30 : i32
    %add3A_32 = arith.constant 128 : i32
    %add3A_33 = arith.addi %add3A_4, %add3A_32 : i32
    %multiple_of3A_34 = tpu.assume_multiple %add3A_33, 128 : i32
    %dma_start3A_35 = arith.constant 0 : i32
    %dma_start3A_36 = arith.constant 0 : i32
    %dma_start3A_37 = tpu.memref_slice %arg7[%rem3A_31, %dma_start3A_35, %dma_start3A_36] : memref<3x128x128xf32, #tpu.memory_space<vmem>> -> memref<1x128x128xf32, #tpu.memory_space<vmem>>
    %dma_start3A_38 = tpu.memref_squeeze %dma_start3A_37 : memref<1x128x128xf32, #tpu.memory_space<vmem>> -> memref<128x128xf32, #tpu.memory_space<vmem>>
    %dma_start3A_39 = arith.constant 128 : i32
    %dma_start3A_40 = tpu.memref_slice %arg6[%dma_start3A_39] : memref<3584xi32, #tpu.memory_space<vmem>> -> memref<128xi32, #tpu.memory_space<vmem>>
    %dma_start3A_41 = arith.constant 0 : i32
    %dma_start3A_42 = tpu.memref_slice %arg2[%dma_start3A_41, %multiple_of3A_34] : memref<190x131072xf32, #tpu.memory_space<hbm>> -> memref<190x128xf32, #tpu.memory_space<hbm>>
    tpu.enqueue_indirect_dma source(%dma_start3A_42 : memref<190x128xf32, #tpu.memory_space<hbm>>) target(%dma_start3A_38 : memref<128x128xf32, #tpu.memory_space<vmem>>) offsets(%dma_start3A_40 : memref<128xi32, #tpu.memory_space<vmem>>) semaphore(%arg9 : memref<!tpu.dma_semaphore, #tpu.memory_space<semaphore_mem>>)
    %broadcast_in_dim3A = arith.constant 0.000000e+00 : f32
    %broadcast_in_dim3A_43 = vector.broadcast %broadcast_in_dim3A : f32 to vector<16xf32>
    %broadcast_in_dim3A_44 = arith.constant 0.000000e+00 : f32
    %broadcast_in_dim3A_45 = vector.broadcast %broadcast_in_dim3A_44 : f32 to vector<16xf32>
    %scan3A_46 = arith.constant 0 : i32
    %scan3A_47 = arith.constant 28 : i32
    %scan3A_48 = arith.addi %scan3A_46, %scan3A_47 : i32
    %scan3A_49 = arith.constant 1 : i32
    %scan3A_50:2 = scf.for %scan3A_62 = %scan3A_46 to %scan3A_48 step %scan3A_49 iter_args(%scan3A_63 = %broadcast_in_dim3A_43, %scan3A_64 = %broadcast_in_dim3A_45) -> (vector<16xf32>, vector<16xf32>)  : i32 {
      %add3A_65 = arith.constant 2 : i32
      %add3A_66 = arith.addi %scan3A_62, %add3A_65 : i32
      %lt3A = arith.constant 28 : i32
      %lt3A_67 = arith.cmpi slt, %add3A_66, %lt3A : i32
      %convert_element_type3A = arith.extui %lt3A_67 : i1 to i32
      %cond3A = arith.constant 0 : i32
      %cond3A_68 = arith.cmpi ne, %convert_element_type3A, %cond3A : i32
      scf.if %cond3A_68 {
        %add3A_278 = arith.constant 2 : i32
        %add3A_279 = arith.addi %scan3A_62, %add3A_278 : i32
        %scan3A_280 = arith.constant 0 : i32
        %scan3A_281 = arith.constant 0 : i32
        %scan3A_282 = arith.constant 8 : i32
        %scan3A_283 = arith.addi %scan3A_281, %scan3A_282 : i32
        %scan3A_284 = arith.constant 1 : i32
        %scan3A_285 = scf.for %scan3A_304 = %scan3A_281 to %scan3A_283 step %scan3A_284 iter_args(%scan3A_305 = %scan3A_280) -> (i32)  : i32 {
          %mul3A_306 = arith.constant 8 : i32
          %mul3A_307 = arith.muli %add3A_279, %mul3A_306 : i32
          %add3A_308 = arith.addi %mul3A_307, %scan3A_304 : i32
          %mul3A_309 = arith.constant 16 : i32
          %mul3A_310 = arith.muli %add3A_308, %mul3A_309 : i32
          %get3A_311 = arith.index_cast %mul3A_310 : i32 to index
          %get3A_312 = tpu.vector_load %arg5[%get3A_311] {strides = array<i32>} : memref<3584xi32, #tpu.memory_space<vmem>>, vector<16xi32>,
          %ne3A_313 = arith.constant -1 : i32
          %ne3A_314 = vector.broadcast %ne3A_313 : i32 to vector<16xi32>
          %ne3A_315 = arith.cmpi ne, %get3A_312, %ne3A_314 : vector<16xi32>
          %jit3A_316 = arith.constant 0 : i32
          %broadcast_in_dim3A_317 = vector.broadcast %jit3A_316 : i32 to vector<16xi32>
          %select_n3A_318 = arith.select %ne3A_315, %get3A_312, %broadcast_in_dim3A_317 : vector<16xi1>, vector<16xi32>
          %mul3A_319 = arith.constant 16 : i32
          %mul3A_320 = arith.muli %add3A_308, %mul3A_319 : i32
          %swap3A_321 = arith.index_cast %mul3A_320 : i32 to index
          %swap3A_322 = tpu.vector_load %arg6[%swap3A_321] {strides = array<i32>} : memref<3584xi32, #tpu.memory_space<vmem>>, vector<16xi32>,
          tpu.vector_store %arg6[%swap3A_321], %select_n3A_318 {strides = array<i32>} : memref<3584xi32, #tpu.memory_space<vmem>>, vector<16xi32>,
          %scan3A_323 = arith.constant 0 : i32
          scf.yield %scan3A_323 : i32
        }
        %scan3A_286 = arith.constant 8 : i32
        %add3A_287 = arith.constant 2 : i32
        %add3A_288 = arith.addi %scan3A_62, %add3A_287 : i32
        %rem3A_289 = arith.constant 3 : i32
        %rem3A_290 = arith.remsi %add3A_288, %rem3A_289 : i32
        %mul3A_291 = arith.constant 128 : i32
        %mul3A_292 = arith.muli %add3A_288, %mul3A_291 : i32
        %add3A_293 = arith.addi %add3A_4, %mul3A_292 : i32
        %multiple_of3A_294 = tpu.assume_multiple %add3A_293, 128 : i32
        %mul3A_295 = arith.constant 128 : i32
        %mul3A_296 = arith.muli %add3A_288, %mul3A_295 : i32
        %dma_start3A_297 = arith.constant 0 : i32
        %dma_start3A_298 = arith.constant 0 : i32
        %dma_start3A_299 = tpu.memref_slice %arg7[%rem3A_290, %dma_start3A_297, %dma_start3A_298] : memref<3x128x128xf32, #tpu.memory_space<vmem>> -> memref<1x128x128xf32, #tpu.memory_space<vmem>>
        %dma_start3A_300 = tpu.memref_squeeze %dma_start3A_299 : memref<1x128x128xf32, #tpu.memory_space<vmem>> -> memref<128x128xf32, #tpu.memory_space<vmem>>
        %dma_start3A_301 = tpu.memref_slice %arg6[%mul3A_296] : memref<3584xi32, #tpu.memory_space<vmem>> -> memref<128xi32, #tpu.memory_space<vmem>>
        %dma_start3A_302 = arith.constant 0 : i32
        %dma_start3A_303 = tpu.memref_slice %arg2[%dma_start3A_302, %multiple_of3A_294] : memref<190x131072xf32, #tpu.memory_space<hbm>> -> memref<190x128xf32, #tpu.memory_space<hbm>>
        tpu.enqueue_indirect_dma source(%dma_start3A_303 : memref<190x128xf32, #tpu.memory_space<hbm>>) target(%dma_start3A_300 : memref<128x128xf32, #tpu.memory_space<vmem>>) offsets(%dma_start3A_301 : memref<128xi32, #tpu.memory_space<vmem>>) semaphore(%arg9 : memref<!tpu.dma_semaphore, #tpu.memory_space<semaphore_mem>>)
      } else {
      }
      %rem3A_69 = arith.constant 3 : i32
      %rem3A_70 = arith.remsi %scan3A_62, %rem3A_69 : i32
      %mul3A_71 = arith.constant 128 : i32
      %mul3A_72 = arith.muli %scan3A_62, %mul3A_71 : i32
      %add3A_73 = arith.addi %add3A_4, %mul3A_72 : i32
      %multiple_of3A_74 = tpu.assume_multiple %add3A_73, 128 : i32
      %mul3A_75 = arith.constant 128 : i32
      %mul3A_76 = arith.muli %scan3A_62, %mul3A_75 : i32
      %dma_wait3A = arith.constant 0 : i32
      %dma_wait3A_77 = arith.constant 0 : i32
      %dma_wait3A_78 = tpu.memref_slice %arg7[%rem3A_70, %dma_wait3A, %dma_wait3A_77] : memref<3x128x128xf32, #tpu.memory_space<vmem>> -> memref<1x128x128xf32, #tpu.memory_space<vmem>>
      %dma_wait3A_79 = tpu.memref_squeeze %dma_wait3A_78 : memref<1x128x128xf32, #tpu.memory_space<vmem>> -> memref<128x128xf32, #tpu.memory_space<vmem>>
      %dma_wait3A_80 = tpu.memref_slice %arg6[%mul3A_76] : memref<3584xi32, #tpu.memory_space<vmem>> -> memref<128xi32, #tpu.memory_space<vmem>>
      %dma_wait3A_81 = arith.constant 0 : i32
      %dma_wait3A_82 = tpu.memref_slice %arg2[%dma_wait3A_81, %multiple_of3A_74] : memref<190x131072xf32, #tpu.memory_space<hbm>> -> memref<190x128xf32, #tpu.memory_space<hbm>>
      tpu.wait_indirect_dma semaphore(%arg9 : memref<!tpu.dma_semaphore, #tpu.memory_space<semaphore_mem>>) src(%dma_wait3A_82 : memref<190x128xf32, #tpu.memory_space<hbm>>) dst(%dma_wait3A_79 : memref<128x128xf32, #tpu.memory_space<vmem>>)
      %broadcast_in_dim3A_83 = vector.broadcast %rem3A_70 : i32 to vector<16xi32>
      %add3A_84 = arith.constant 0 : i32
      %add3A_85 = vector.broadcast %add3A_84 : i32 to vector<16xi32>
      %add3A_86 = arith.addi %add3A_85, %iota3A : vector<16xi32>
      %gather3A = tpu.vector_load_idx %arg7[%broadcast_in_dim3A_83, %add3A_86, %add3A_86] : memref<3x128x128xf32, #tpu.memory_space<vmem>>[vector<16xi32>, vector<16xi32>, vector<16xi32>], vector<16xf32>,
      %mul3A_87 = arith.constant 128 : i32
      %mul3A_88 = arith.muli %scan3A_62, %mul3A_87 : i32
      %add3A_89 = arith.constant 0 : i32
      %add3A_90 = arith.addi %mul3A_88, %add3A_89 : i32
      %get3A = arith.index_cast %add3A_90 : i32 to index
      %get3A_91 = tpu.vector_load %arg5[%get3A] {strides = array<i32>} : memref<3584xi32, #tpu.memory_space<vmem>>, vector<16xi32>,
      %ne3A = arith.constant -1 : i32
      %ne3A_92 = vector.broadcast %ne3A : i32 to vector<16xi32>
      %ne3A_93 = arith.cmpi ne, %get3A_91, %ne3A_92 : vector<16xi32>
      %jit3A = arith.constant 1.000000e+00 : f32
      %jit3A_94 = arith.constant 0.000000e+00 : f32
      %broadcast_in_dim3A_95 = vector.broadcast %jit3A : f32 to vector<16xf32>
      %broadcast_in_dim3A_96 = vector.broadcast %jit3A_94 : f32 to vector<16xf32>
      %select_n3A = arith.select %ne3A_93, %broadcast_in_dim3A_95, %broadcast_in_dim3A_96 : vector<16xi1>, vector<16xf32>
      %sub3A = arith.constant 1.000000e+00 : f32
      %sub3A_97 = vector.broadcast %sub3A : f32 to vector<16xf32>
      %sub3A_98 = arith.subf %sub3A_97, %gather3A : vector<16xf32>
      %mul3A_99 = arith.mulf %sub3A_98, %sub3A_98 : vector<16xf32>
      %mul3A_100 = arith.mulf %mul3A_99, %select_n3A : vector<16xf32>
      %add3A_101 = arith.addf %scan3A_63, %mul3A_100 : vector<16xf32>
      %add3A_102 = arith.addf %scan3A_64, %select_n3A : vector<16xf32>
      %add3A_103 = arith.constant 16 : i32
      %add3A_104 = vector.broadcast %add3A_103 : i32 to vector<16xi32>
      %add3A_105 = arith.addi %add3A_104, %iota3A : vector<16xi32>
      %gather3A_106 = tpu.vector_load_idx %arg7[%broadcast_in_dim3A_83, %add3A_105, %add3A_105] : memref<3x128x128xf32, #tpu.memory_space<vmem>>[vector<16xi32>, vector<16xi32>, vector<16xi32>], vector<16xf32>,
      %mul3A_107 = arith.constant 128 : i32
      %mul3A_108 = arith.muli %scan3A_62, %mul3A_107 : i32
      %add3A_109 = arith.constant 16 : i32
      %add3A_110 = arith.addi %mul3A_108, %add3A_109 : i32
      %get3A_111 = arith.index_cast %add3A_110 : i32 to index
      %get3A_112 = tpu.vector_load %arg5[%get3A_111] {strides = array<i32>} : memref<3584xi32, #tpu.memory_space<vmem>>, vector<16xi32>,
      %ne3A_113 = arith.constant -1 : i32
      %ne3A_114 = vector.broadcast %ne3A_113 : i32 to vector<16xi32>
      %ne3A_115 = arith.cmpi ne, %get3A_112, %ne3A_114 : vector<16xi32>
      %jit3A_116 = arith.constant 1.000000e+00 : f32
      %jit3A_117 = arith.constant 0.000000e+00 : f32
      %broadcast_in_dim3A_118 = vector.broadcast %jit3A_116 : f32 to vector<16xf32>
      %broadcast_in_dim3A_119 = vector.broadcast %jit3A_117 : f32 to vector<16xf32>
      %select_n3A_120 = arith.select %ne3A_115, %broadcast_in_dim3A_118, %broadcast_in_dim3A_119 : vector<16xi1>, vector<16xf32>
      %sub3A_121 = arith.constant 1.000000e+00 : f32
      %sub3A_122 = vector.broadcast %sub3A_121 : f32 to vector<16xf32>
      %sub3A_123 = arith.subf %sub3A_122, %gather3A_106 : vector<16xf32>
      %mul3A_124 = arith.mulf %sub3A_123, %sub3A_123 : vector<16xf32>
      %mul3A_125 = arith.mulf %mul3A_124, %select_n3A_120 : vector<16xf32>
      %add3A_126 = arith.addf %add3A_101, %mul3A_125 : vector<16xf32>
      %add3A_127 = arith.addf %add3A_102, %select_n3A_120 : vector<16xf32>
      %add3A_128 = arith.constant 32 : i32
      %add3A_129 = vector.broadcast %add3A_128 : i32 to vector<16xi32>
      %add3A_130 = arith.addi %add3A_129, %iota3A : vector<16xi32>
      %gather3A_131 = tpu.vector_load_idx %arg7[%broadcast_in_dim3A_83, %add3A_130, %add3A_130] : memref<3x128x128xf32, #tpu.memory_space<vmem>>[vector<16xi32>, vector<16xi32>, vector<16xi32>], vector<16xf32>,
      %mul3A_132 = arith.constant 128 : i32
      %mul3A_133 = arith.muli %scan3A_62, %mul3A_132 : i32
      %add3A_134 = arith.constant 32 : i32
      %add3A_135 = arith.addi %mul3A_133, %add3A_134 : i32
      %get3A_136 = arith.index_cast %add3A_135 : i32 to index
      %get3A_137 = tpu.vector_load %arg5[%get3A_136] {strides = array<i32>} : memref<3584xi32, #tpu.memory_space<vmem>>, vector<16xi32>,
      %ne3A_138 = arith.constant -1 : i32
      %ne3A_139 = vector.broadcast %ne3A_138 : i32 to vector<16xi32>
      %ne3A_140 = arith.cmpi ne, %get3A_137, %ne3A_139 : vector<16xi32>
      %jit3A_141 = arith.constant 1.000000e+00 : f32
      %jit3A_142 = arith.constant 0.000000e+00 : f32
      %broadcast_in_dim3A_143 = vector.broadcast %jit3A_141 : f32 to vector<16xf32>
      %broadcast_in_dim3A_144 = vector.broadcast %jit3A_142 : f32 to vector<16xf32>
      %select_n3A_145 = arith.select %ne3A_140, %broadcast_in_dim3A_143, %broadcast_in_dim3A_144 : vector<16xi1>, vector<16xf32>
      %sub3A_146 = arith.constant 1.000000e+00 : f32
      %sub3A_147 = vector.broadcast %sub3A_146 : f32 to vector<16xf32>
      %sub3A_148 = arith.subf %sub3A_147, %gather3A_131 : vector<16xf32>
      %mul3A_149 = arith.mulf %sub3A_148, %sub3A_148 : vector<16xf32>
      %mul3A_150 = arith.mulf %mul3A_149, %select_n3A_145 : vector<16xf32>
      %add3A_151 = arith.addf %add3A_126, %mul3A_150 : vector<16xf32>
      %add3A_152 = arith.addf %add3A_127, %select_n3A_145 : vector<16xf32>
      %add3A_153 = arith.constant 48 : i32
      %add3A_154 = vector.broadcast %add3A_153 : i32 to vector<16xi32>
      %add3A_155 = arith.addi %add3A_154, %iota3A : vector<16xi32>
      %gather3A_156 = tpu.vector_load_idx %arg7[%broadcast_in_dim3A_83, %add3A_155, %add3A_155] : memref<3x128x128xf32, #tpu.memory_space<vmem>>[vector<16xi32>, vector<16xi32>, vector<16xi32>], vector<16xf32>,
      %mul3A_157 = arith.constant 128 : i32
      %mul3A_158 = arith.muli %scan3A_62, %mul3A_157 : i32
      %add3A_159 = arith.constant 48 : i32
      %add3A_160 = arith.addi %mul3A_158, %add3A_159 : i32
      %get3A_161 = arith.index_cast %add3A_160 : i32 to index
      %get3A_162 = tpu.vector_load %arg5[%get3A_161] {strides = array<i32>} : memref<3584xi32, #tpu.memory_space<vmem>>, vector<16xi32>,
      %ne3A_163 = arith.constant -1 : i32
      %ne3A_164 = vector.broadcast %ne3A_163 : i32 to vector<16xi32>
      %ne3A_165 = arith.cmpi ne, %get3A_162, %ne3A_164 : vector<16xi32>
      %jit3A_166 = arith.constant 1.000000e+00 : f32
      %jit3A_167 = arith.constant 0.000000e+00 : f32
      %broadcast_in_dim3A_168 = vector.broadcast %jit3A_166 : f32 to vector<16xf32>
      %broadcast_in_dim3A_169 = vector.broadcast %jit3A_167 : f32 to vector<16xf32>
      %select_n3A_170 = arith.select %ne3A_165, %broadcast_in_dim3A_168, %broadcast_in_dim3A_169 : vector<16xi1>, vector<16xf32>
      %sub3A_171 = arith.constant 1.000000e+00 : f32
      %sub3A_172 = vector.broadcast %sub3A_171 : f32 to vector<16xf32>
      %sub3A_173 = arith.subf %sub3A_172, %gather3A_156 : vector<16xf32>
      %mul3A_174 = arith.mulf %sub3A_173, %sub3A_173 : vector<16xf32>
      %mul3A_175 = arith.mulf %mul3A_174, %select_n3A_170 : vector<16xf32>
      %add3A_176 = arith.addf %add3A_151, %mul3A_175 : vector<16xf32>
      %add3A_177 = arith.addf %add3A_152, %select_n3A_170 : vector<16xf32>
      %add3A_178 = arith.constant 64 : i32
      %add3A_179 = vector.broadcast %add3A_178 : i32 to vector<16xi32>
      %add3A_180 = arith.addi %add3A_179, %iota3A : vector<16xi32>
      %gather3A_181 = tpu.vector_load_idx %arg7[%broadcast_in_dim3A_83, %add3A_180, %add3A_180] : memref<3x128x128xf32, #tpu.memory_space<vmem>>[vector<16xi32>, vector<16xi32>, vector<16xi32>], vector<16xf32>,
      %mul3A_182 = arith.constant 128 : i32
      %mul3A_183 = arith.muli %scan3A_62, %mul3A_182 : i32
      %add3A_184 = arith.constant 64 : i32
      %add3A_185 = arith.addi %mul3A_183, %add3A_184 : i32
      %get3A_186 = arith.index_cast %add3A_185 : i32 to index
      %get3A_187 = tpu.vector_load %arg5[%get3A_186] {strides = array<i32>} : memref<3584xi32, #tpu.memory_space<vmem>>, vector<16xi32>,
      %ne3A_188 = arith.constant -1 : i32
      %ne3A_189 = vector.broadcast %ne3A_188 : i32 to vector<16xi32>
      %ne3A_190 = arith.cmpi ne, %get3A_187, %ne3A_189 : vector<16xi32>
      %jit3A_191 = arith.constant 1.000000e+00 : f32
      %jit3A_192 = arith.constant 0.000000e+00 : f32
      %broadcast_in_dim3A_193 = vector.broadcast %jit3A_191 : f32 to vector<16xf32>
      %broadcast_in_dim3A_194 = vector.broadcast %jit3A_192 : f32 to vector<16xf32>
      %select_n3A_195 = arith.select %ne3A_190, %broadcast_in_dim3A_193, %broadcast_in_dim3A_194 : vector<16xi1>, vector<16xf32>
      %sub3A_196 = arith.constant 1.000000e+00 : f32
      %sub3A_197 = vector.broadcast %sub3A_196 : f32 to vector<16xf32>
      %sub3A_198 = arith.subf %sub3A_197, %gather3A_181 : vector<16xf32>
      %mul3A_199 = arith.mulf %sub3A_198, %sub3A_198 : vector<16xf32>
      %mul3A_200 = arith.mulf %mul3A_199, %select_n3A_195 : vector<16xf32>
      %add3A_201 = arith.addf %add3A_176, %mul3A_200 : vector<16xf32>
      %add3A_202 = arith.addf %add3A_177, %select_n3A_195 : vector<16xf32>
      %add3A_203 = arith.constant 80 : i32
      %add3A_204 = vector.broadcast %add3A_203 : i32 to vector<16xi32>
      %add3A_205 = arith.addi %add3A_204, %iota3A : vector<16xi32>
      %gather3A_206 = tpu.vector_load_idx %arg7[%broadcast_in_dim3A_83, %add3A_205, %add3A_205] : memref<3x128x128xf32, #tpu.memory_space<vmem>>[vector<16xi32>, vector<16xi32>, vector<16xi32>], vector<16xf32>,
      %mul3A_207 = arith.constant 128 : i32
      %mul3A_208 = arith.muli %scan3A_62, %mul3A_207 : i32
      %add3A_209 = arith.constant 80 : i32
      %add3A_210 = arith.addi %mul3A_208, %add3A_209 : i32
      %get3A_211 = arith.index_cast %add3A_210 : i32 to index
      %get3A_212 = tpu.vector_load %arg5[%get3A_211] {strides = array<i32>} : memref<3584xi32, #tpu.memory_space<vmem>>, vector<16xi32>,
      %ne3A_213 = arith.constant -1 : i32
      %ne3A_214 = vector.broadcast %ne3A_213 : i32 to vector<16xi32>
      %ne3A_215 = arith.cmpi ne, %get3A_212, %ne3A_214 : vector<16xi32>
      %jit3A_216 = arith.constant 1.000000e+00 : f32
      %jit3A_217 = arith.constant 0.000000e+00 : f32
      %broadcast_in_dim3A_218 = vector.broadcast %jit3A_216 : f32 to vector<16xf32>
      %broadcast_in_dim3A_219 = vector.broadcast %jit3A_217 : f32 to vector<16xf32>
      %select_n3A_220 = arith.select %ne3A_215, %broadcast_in_dim3A_218, %broadcast_in_dim3A_219 : vector<16xi1>, vector<16xf32>
      %sub3A_221 = arith.constant 1.000000e+00 : f32
      %sub3A_222 = vector.broadcast %sub3A_221 : f32 to vector<16xf32>
      %sub3A_223 = arith.subf %sub3A_222, %gather3A_206 : vector<16xf32>
      %mul3A_224 = arith.mulf %sub3A_223, %sub3A_223 : vector<16xf32>
      %mul3A_225 = arith.mulf %mul3A_224, %select_n3A_220 : vector<16xf32>
      %add3A_226 = arith.addf %add3A_201, %mul3A_225 : vector<16xf32>
      %add3A_227 = arith.addf %add3A_202, %select_n3A_220 : vector<16xf32>
      %add3A_228 = arith.constant 96 : i32
      %add3A_229 = vector.broadcast %add3A_228 : i32 to vector<16xi32>
      %add3A_230 = arith.addi %add3A_229, %iota3A : vector<16xi32>
      %gather3A_231 = tpu.vector_load_idx %arg7[%broadcast_in_dim3A_83, %add3A_230, %add3A_230] : memref<3x128x128xf32, #tpu.memory_space<vmem>>[vector<16xi32>, vector<16xi32>, vector<16xi32>], vector<16xf32>,
      %mul3A_232 = arith.constant 128 : i32
      %mul3A_233 = arith.muli %scan3A_62, %mul3A_232 : i32
      %add3A_234 = arith.constant 96 : i32
      %add3A_235 = arith.addi %mul3A_233, %add3A_234 : i32
      %get3A_236 = arith.index_cast %add3A_235 : i32 to index
      %get3A_237 = tpu.vector_load %arg5[%get3A_236] {strides = array<i32>} : memref<3584xi32, #tpu.memory_space<vmem>>, vector<16xi32>,
      %ne3A_238 = arith.constant -1 : i32
      %ne3A_239 = vector.broadcast %ne3A_238 : i32 to vector<16xi32>
      %ne3A_240 = arith.cmpi ne, %get3A_237, %ne3A_239 : vector<16xi32>
      %jit3A_241 = arith.constant 1.000000e+00 : f32
      %jit3A_242 = arith.constant 0.000000e+00 : f32
      %broadcast_in_dim3A_243 = vector.broadcast %jit3A_241 : f32 to vector<16xf32>
      %broadcast_in_dim3A_244 = vector.broadcast %jit3A_242 : f32 to vector<16xf32>
      %select_n3A_245 = arith.select %ne3A_240, %broadcast_in_dim3A_243, %broadcast_in_dim3A_244 : vector<16xi1>, vector<16xf32>
      %sub3A_246 = arith.constant 1.000000e+00 : f32
      %sub3A_247 = vector.broadcast %sub3A_246 : f32 to vector<16xf32>
      %sub3A_248 = arith.subf %sub3A_247, %gather3A_231 : vector<16xf32>
      %mul3A_249 = arith.mulf %sub3A_248, %sub3A_248 : vector<16xf32>
      %mul3A_250 = arith.mulf %mul3A_249, %select_n3A_245 : vector<16xf32>
      %add3A_251 = arith.addf %add3A_226, %mul3A_250 : vector<16xf32>
      %add3A_252 = arith.addf %add3A_227, %select_n3A_245 : vector<16xf32>
      %add3A_253 = arith.constant 112 : i32
      %add3A_254 = vector.broadcast %add3A_253 : i32 to vector<16xi32>
      %add3A_255 = arith.addi %add3A_254, %iota3A : vector<16xi32>
      %gather3A_256 = tpu.vector_load_idx %arg7[%broadcast_in_dim3A_83, %add3A_255, %add3A_255] : memref<3x128x128xf32, #tpu.memory_space<vmem>>[vector<16xi32>, vector<16xi32>, vector<16xi32>], vector<16xf32>,
      %mul3A_257 = arith.constant 128 : i32
      %mul3A_258 = arith.muli %scan3A_62, %mul3A_257 : i32
      %add3A_259 = arith.constant 112 : i32
      %add3A_260 = arith.addi %mul3A_258, %add3A_259 : i32
      %get3A_261 = arith.index_cast %add3A_260 : i32 to index
      %get3A_262 = tpu.vector_load %arg5[%get3A_261] {strides = array<i32>} : memref<3584xi32, #tpu.memory_space<vmem>>, vector<16xi32>,
      %ne3A_263 = arith.constant -1 : i32
      %ne3A_264 = vector.broadcast %ne3A_263 : i32 to vector<16xi32>
      %ne3A_265 = arith.cmpi ne, %get3A_262, %ne3A_264 : vector<16xi32>
      %jit3A_266 = arith.constant 1.000000e+00 : f32
      %jit3A_267 = arith.constant 0.000000e+00 : f32
      %broadcast_in_dim3A_268 = vector.broadcast %jit3A_266 : f32 to vector<16xf32>
      %broadcast_in_dim3A_269 = vector.broadcast %jit3A_267 : f32 to vector<16xf32>
      %select_n3A_270 = arith.select %ne3A_265, %broadcast_in_dim3A_268, %broadcast_in_dim3A_269 : vector<16xi1>, vector<16xf32>
      %sub3A_271 = arith.constant 1.000000e+00 : f32
      %sub3A_272 = vector.broadcast %sub3A_271 : f32 to vector<16xf32>
      %sub3A_273 = arith.subf %sub3A_272, %gather3A_256 : vector<16xf32>
      %mul3A_274 = arith.mulf %sub3A_273, %sub3A_273 : vector<16xf32>
      %mul3A_275 = arith.mulf %mul3A_274, %select_n3A_270 : vector<16xf32>
      %add3A_276 = arith.addf %add3A_251, %mul3A_275 : vector<16xf32>
      %add3A_277 = arith.addf %add3A_252, %select_n3A_270 : vector<16xf32>
      scf.yield %add3A_276, %add3A_277 : vector<16xf32>, vector<16xf32>
    }
    %scan3A_51 = arith.constant 28 : i32
    %swap3A = arith.constant 0 : i32
    %swap3A_52 = arith.index_cast %swap3A : i32 to index
    %swap3A_53 = arith.constant 0 : index
    %swap3A_54 = tpu.vector_load %arg8[%swap3A_52, %swap3A_53] {strides = array<i32>} : memref<2x16xf32, #tpu.memory_space<vmem>>, vector<16xf32>,
    tpu.vector_store %arg8[%swap3A_52, %swap3A_53], %scan3A_50#0 {strides = array<i32>} : memref<2x16xf32, #tpu.memory_space<vmem>>, vector<16xf32>,
    %swap3A_55 = arith.constant 1 : i32
    %swap3A_56 = arith.index_cast %swap3A_55 : i32 to index
    %swap3A_57 = arith.constant 0 : index
    %swap3A_58 = tpu.vector_load %arg8[%swap3A_56, %swap3A_57] {strides = array<i32>} : memref<2x16xf32, #tpu.memory_space<vmem>>, vector<16xf32>,
    tpu.vector_store %arg8[%swap3A_56, %swap3A_57], %scan3A_50#1 {strides = array<i32>} : memref<2x16xf32, #tpu.memory_space<vmem>>, vector<16xf32>,
    %run_scoped3A = arith.constant 0 : i32
    "tpu.region"() ({
      %run_scoped3A_62 = tpu.sem_alloc : memref<!tpu.dma_semaphore, #tpu.memory_space<semaphore_mem>>
      %dma_start3A_63 = arith.constant 0 : i32
      %dma_start3A_64 = tpu.memref_slice %arg8[%run_scoped3A, %dma_start3A_63] : memref<2x16xf32, #tpu.memory_space<vmem>> -> memref<1x16xf32, #tpu.memory_space<vmem>>
      %dma_start3A_65 = tpu.memref_squeeze %dma_start3A_64 : memref<1x16xf32, #tpu.memory_space<vmem>> -> memref<16xf32, #tpu.memory_space<vmem>>
      %dma_start3A_66 = arith.constant 0 : i32
      %dma_start3A_67 = tpu.memref_slice %arg4[%add3A, %dma_start3A_66] : memref<64x16xf32, #tpu.memory_space<hbm>> -> memref<1x16xf32, #tpu.memory_space<hbm>>
      %dma_start3A_68 = tpu.memref_squeeze %dma_start3A_67 : memref<1x16xf32, #tpu.memory_space<hbm>> -> memref<16xf32, #tpu.memory_space<hbm>>
      %dma_start3A_69 = arith.constant 0 : i32
      %dma_start3A_70 = tpu.memref_slice %arg4[%add3A, %dma_start3A_69] : memref<64x16xf32, #tpu.memory_space<hbm>> -> memref<1x16xf32, #tpu.memory_space<hbm>>
      %dma_start3A_71 = tpu.memref_squeeze %dma_start3A_70 : memref<1x16xf32, #tpu.memory_space<hbm>> -> memref<16xf32, #tpu.memory_space<hbm>>
      %dma_start3A_72 = arith.constant 0 : i32
      %dma_start3A_73 = tpu.memref_slice %arg8[%run_scoped3A, %dma_start3A_72] : memref<2x16xf32, #tpu.memory_space<vmem>> -> memref<1x16xf32, #tpu.memory_space<vmem>>
      %dma_start3A_74 = tpu.memref_squeeze %dma_start3A_73 : memref<1x16xf32, #tpu.memory_space<vmem>> -> memref<16xf32, #tpu.memory_space<vmem>>
      tpu.enqueue_dma source(%dma_start3A_74 : memref<16xf32, #tpu.memory_space<vmem>>) target(%dma_start3A_71 : memref<16xf32, #tpu.memory_space<hbm>>) target_semaphore(%run_scoped3A_62 : memref<!tpu.dma_semaphore, #tpu.memory_space<semaphore_mem>>)
      %dma_wait3A = arith.constant 0 : i32
      %dma_wait3A_75 = tpu.memref_slice %arg8[%run_scoped3A, %dma_wait3A] : memref<2x16xf32, #tpu.memory_space<vmem>> -> memref<1x16xf32, #tpu.memory_space<vmem>>
      %dma_wait3A_76 = tpu.memref_squeeze %dma_wait3A_75 : memref<1x16xf32, #tpu.memory_space<vmem>> -> memref<16xf32, #tpu.memory_space<vmem>>
      %dma_wait3A_77 = arith.constant 0 : i32
      %dma_wait3A_78 = tpu.memref_slice %arg4[%add3A, %dma_wait3A_77] : memref<64x16xf32, #tpu.memory_space<hbm>> -> memref<1x16xf32, #tpu.memory_space<hbm>>
      %dma_wait3A_79 = tpu.memref_squeeze %dma_wait3A_78 : memref<1x16xf32, #tpu.memory_space<hbm>> -> memref<16xf32, #tpu.memory_space<hbm>>
      %dma_wait3A_80 = arith.constant 0 : i32
      %dma_wait3A_81 = tpu.memref_slice %arg4[%add3A, %dma_wait3A_80] : memref<64x16xf32, #tpu.memory_space<hbm>> -> memref<1x16xf32, #tpu.memory_space<hbm>>
      %dma_wait3A_82 = tpu.memref_squeeze %dma_wait3A_81 : memref<1x16xf32, #tpu.memory_space<hbm>> -> memref<16xf32, #tpu.memory_space<hbm>>
      %dma_wait3A_83 = arith.constant 0 : i32
      %dma_wait3A_84 = tpu.memref_slice %arg8[%run_scoped3A, %dma_wait3A_83] : memref<2x16xf32, #tpu.memory_space<vmem>> -> memref<1x16xf32, #tpu.memory_space<vmem>>
      %dma_wait3A_85 = tpu.memref_squeeze %dma_wait3A_84 : memref<1x16xf32, #tpu.memory_space<vmem>> -> memref<16xf32, #tpu.memory_space<vmem>>
      tpu.wait_dma2 semaphore(%run_scoped3A_62 : memref<!tpu.dma_semaphore, #tpu.memory_space<semaphore_mem>>) src(%dma_wait3A_85 : memref<16xf32, #tpu.memory_space<vmem>>) dst(%dma_wait3A_82 : memref<16xf32, #tpu.memory_space<hbm>>)
      tpu.yield
    }) : () -> ()
    %add3A_59 = arith.constant 32 : i32
    %add3A_60 = arith.addi %add3A_59, %add3A : i32
    %run_scoped3A_61 = arith.constant 1 : i32
    "tpu.region"() ({
      %run_scoped3A_62 = tpu.sem_alloc : memref<!tpu.dma_semaphore, #tpu.memory_space<semaphore_mem>>
      %dma_start3A_63 = arith.constant 0 : i32
      %dma_start3A_64 = tpu.memref_slice %arg8[%run_scoped3A_61, %dma_start3A_63] : memref<2x16xf32, #tpu.memory_space<vmem>> -> memref<1x16xf32, #tpu.memory_space<vmem>>
      %dma_start3A_65 = tpu.memref_squeeze %dma_start3A_64 : memref<1x16xf32, #tpu.memory_space<vmem>> -> memref<16xf32, #tpu.memory_space<vmem>>
      %dma_start3A_66 = arith.constant 0 : i32
      %dma_start3A_67 = tpu.memref_slice %arg4[%add3A_60, %dma_start3A_66] : memref<64x16xf32, #tpu.memory_space<hbm>> -> memref<1x16xf32, #tpu.memory_space<hbm>>
      %dma_start3A_68 = tpu.memref_squeeze %dma_start3A_67 : memref<1x16xf32, #tpu.memory_space<hbm>> -> memref<16xf32, #tpu.memory_space<hbm>>
      %dma_start3A_69 = arith.constant 0 : i32
      %dma_start3A_70 = tpu.memref_slice %arg4[%add3A_60, %dma_start3A_69] : memref<64x16xf32, #tpu.memory_space<hbm>> -> memref<1x16xf32, #tpu.memory_space<hbm>>
      %dma_start3A_71 = tpu.memref_squeeze %dma_start3A_70 : memref<1x16xf32, #tpu.memory_space<hbm>> -> memref<16xf32, #tpu.memory_space<hbm>>
      %dma_start3A_72 = arith.constant 0 : i32
      %dma_start3A_73 = tpu.memref_slice %arg8[%run_scoped3A_61, %dma_start3A_72] : memref<2x16xf32, #tpu.memory_space<vmem>> -> memref<1x16xf32, #tpu.memory_space<vmem>>
      %dma_start3A_74 = tpu.memref_squeeze %dma_start3A_73 : memref<1x16xf32, #tpu.memory_space<vmem>> -> memref<16xf32, #tpu.memory_space<vmem>>
      tpu.enqueue_dma source(%dma_start3A_74 : memref<16xf32, #tpu.memory_space<vmem>>) target(%dma_start3A_71 : memref<16xf32, #tpu.memory_space<hbm>>) target_semaphore(%run_scoped3A_62 : memref<!tpu.dma_semaphore, #tpu.memory_space<semaphore_mem>>)
      %dma_wait3A = arith.constant 0 : i32
      %dma_wait3A_75 = tpu.memref_slice %arg8[%run_scoped3A_61, %dma_wait3A] : memref<2x16xf32, #tpu.memory_space<vmem>> -> memref<1x16xf32, #tpu.memory_space<vmem>>
      %dma_wait3A_76 = tpu.memref_squeeze %dma_wait3A_75 : memref<1x16xf32, #tpu.memory_space<vmem>> -> memref<16xf32, #tpu.memory_space<vmem>>
      %dma_wait3A_77 = arith.constant 0 : i32
      %dma_wait3A_78 = tpu.memref_slice %arg4[%add3A_60, %dma_wait3A_77] : memref<64x16xf32, #tpu.memory_space<hbm>> -> memref<1x16xf32, #tpu.memory_space<hbm>>
      %dma_wait3A_79 = tpu.memref_squeeze %dma_wait3A_78 : memref<1x16xf32, #tpu.memory_space<hbm>> -> memref<16xf32, #tpu.memory_space<hbm>>
      %dma_wait3A_80 = arith.constant 0 : i32
      %dma_wait3A_81 = tpu.memref_slice %arg4[%add3A_60, %dma_wait3A_80] : memref<64x16xf32, #tpu.memory_space<hbm>> -> memref<1x16xf32, #tpu.memory_space<hbm>>
      %dma_wait3A_82 = tpu.memref_squeeze %dma_wait3A_81 : memref<1x16xf32, #tpu.memory_space<hbm>> -> memref<16xf32, #tpu.memory_space<hbm>>
      %dma_wait3A_83 = arith.constant 0 : i32
      %dma_wait3A_84 = tpu.memref_slice %arg8[%run_scoped3A_61, %dma_wait3A_83] : memref<2x16xf32, #tpu.memory_space<vmem>> -> memref<1x16xf32, #tpu.memory_space<vmem>>
      %dma_wait3A_85 = tpu.memref_squeeze %dma_wait3A_84 : memref<1x16xf32, #tpu.memory_space<vmem>> -> memref<16xf32, #tpu.memory_space<vmem>>
      tpu.wait_dma2 semaphore(%run_scoped3A_62 : memref<!tpu.dma_semaphore, #tpu.memory_space<semaphore_mem>>) src(%dma_wait3A_85 : memref<16xf32, #tpu.memory_space<vmem>>) dst(%dma_wait3A_82 : memref<16xf32, #tpu.memory_space<hbm>>)
      tpu.yield
    }) : () -> ()
    return
  }
}

module attributes {stable_mosaic.version = 14 : i64} {
  func.func @_finish_body(%arg0: memref<64x16xf32, #tpu.memory_space<vmem>>, %arg1: memref<8x512xf32, #tpu.memory_space<vmem>>, %arg2: memref<8x512xf32, #tpu.memory_space<vmem>>, %arg3: memref<1x1xf32, #tpu.memory_space<vmem>>) attributes {dimension_semantics = [], scalar_prefetch = 0 : i64, scratch_operands = 0 : i64, tpu.core_type = #tpu.core_type<tc>} {
    %get3A = arith.constant 0 : index
    %get3A_0 = arith.constant 0 : index
    %get3A_1 = vector.load %arg0[%get3A, %get3A_0] : memref<64x16xf32, #tpu.memory_space<vmem>>, vector<64x16xf32>
    %slice3A = vector.extract_strided_slice %get3A_1 {offsets = [0, 0], sizes = [32, 16], strides = [1, 1]} : vector<64x16xf32> to vector<32x16xf32>
    %reduce_sum3A = vector.shape_cast %slice3A : vector<32x16xf32> to vector<1x32x16xf32>
    %reduce_sum3A_2 = arith.constant dense<0.000000e+00> : vector<1xf32>
    %reduce_sum3A_3 = vector.multi_reduction <add>, %reduce_sum3A, %reduce_sum3A_2 [1, 2] : vector<1x32x16xf32> to vector<1xf32>
    %reduce_sum3A_4 = vector.shape_cast %reduce_sum3A_3 : vector<1xf32> to vector<1x1x1xf32>
    %reduce_sum3A_5 = vector.extract %reduce_sum3A_4[0, 0, 0] : f32 from vector<1x1x1xf32>
    %get3A_6 = arith.constant 0 : index
    %get3A_7 = arith.constant 0 : index
    %get3A_8 = vector.load %arg1[%get3A_6, %get3A_7] : memref<8x512xf32, #tpu.memory_space<vmem>>, vector<8x512xf32>
    %reduce_sum3A_9 = vector.shape_cast %get3A_8 : vector<8x512xf32> to vector<1x8x512xf32>
    %reduce_sum3A_10 = arith.constant dense<0.000000e+00> : vector<1xf32>
    %reduce_sum3A_11 = vector.multi_reduction <add>, %reduce_sum3A_9, %reduce_sum3A_10 [1, 2] : vector<1x8x512xf32> to vector<1xf32>
    %reduce_sum3A_12 = vector.shape_cast %reduce_sum3A_11 : vector<1xf32> to vector<1x1x1xf32>
    %reduce_sum3A_13 = vector.extract %reduce_sum3A_12[0, 0, 0] : f32 from vector<1x1x1xf32>
    %add3A = arith.addf %reduce_sum3A_5, %reduce_sum3A_13 : f32
    %slice3A_14 = vector.extract_strided_slice %get3A_1 {offsets = [32, 0], sizes = [32, 16], strides = [1, 1]} : vector<64x16xf32> to vector<32x16xf32>
    %reduce_sum3A_15 = vector.shape_cast %slice3A_14 : vector<32x16xf32> to vector<1x32x16xf32>
    %reduce_sum3A_16 = arith.constant dense<0.000000e+00> : vector<1xf32>
    %reduce_sum3A_17 = vector.multi_reduction <add>, %reduce_sum3A_15, %reduce_sum3A_16 [1, 2] : vector<1x32x16xf32> to vector<1xf32>
    %reduce_sum3A_18 = vector.shape_cast %reduce_sum3A_17 : vector<1xf32> to vector<1x1x1xf32>
    %reduce_sum3A_19 = vector.extract %reduce_sum3A_18[0, 0, 0] : f32 from vector<1x1x1xf32>
    %get3A_20 = arith.constant 0 : index
    %get3A_21 = arith.constant 0 : index
    %get3A_22 = vector.load %arg2[%get3A_20, %get3A_21] : memref<8x512xf32, #tpu.memory_space<vmem>>, vector<8x512xf32>
    %reduce_sum3A_23 = vector.shape_cast %get3A_22 : vector<8x512xf32> to vector<1x8x512xf32>
    %reduce_sum3A_24 = arith.constant dense<0.000000e+00> : vector<1xf32>
    %reduce_sum3A_25 = vector.multi_reduction <add>, %reduce_sum3A_23, %reduce_sum3A_24 [1, 2] : vector<1x8x512xf32> to vector<1xf32>
    %reduce_sum3A_26 = vector.shape_cast %reduce_sum3A_25 : vector<1xf32> to vector<1x1x1xf32>
    %reduce_sum3A_27 = vector.extract %reduce_sum3A_26[0, 0, 0] : f32 from vector<1x1x1xf32>
    %add3A_28 = arith.addf %reduce_sum3A_19, %reduce_sum3A_27 : f32
    %div3A = arith.divf %add3A, %add3A_28 : f32
    %broadcast_in_dim3A = vector.broadcast %div3A : f32 to vector<1x1xf32>
    %swap3A = arith.constant 0 : index
    %swap3A_29 = arith.constant 0 : index
    %swap3A_30 = vector.load %arg3[%swap3A, %swap3A_29] : memref<1x1xf32, #tpu.memory_space<vmem>>, vector<1x1xf32>
    tpu.vector_store %arg3[%swap3A, %swap3A_29], %broadcast_in_dim3A {strides = array<i32>} : memref<1x1xf32, #tpu.memory_space<vmem>>, vector<1x1xf32>,
    return
  }
}

module attributes {stable_mosaic.version = 14 : i64} {
  func.func @_tc_body(%arg0: i32, %arg1: memref<190x4096xf32, #tpu.memory_space<vmem>>, %arg2: memref<8x512xi32, #tpu.memory_space<vmem>>, %arg3: memref<8x512xf32, #tpu.memory_space<vmem>>, %arg4: memref<8x512xf32, #tpu.memory_space<vmem>>) attributes {dimension_semantics = [#tpu.dimension_semantics<arbitrary>], iteration_bounds = array<i64: 4>, scalar_prefetch = 0 : i64, scratch_operands = 0 : i64, tpu.core_type = #tpu.core_type<tc>, window_params = [{transform_indices = @transform_0, window_bounds = array<i64: 190, 4096>}, {transform_indices = @transform_1, window_bounds = array<i64: 8, 512>}, {pipeline_mode = #tpu.pipeline_mode<synchronous>, transform_indices = @transform_2, window_bounds = array<i64: 8, 512>}, {pipeline_mode = #tpu.pipeline_mode<synchronous>, transform_indices = @transform_3, window_bounds = array<i64: 8, 512>}]} {
    %eq3A = arith.constant 0 : i32
    %eq3A_0 = arith.cmpi eq, %arg0, %eq3A : i32
    %convert_element_type3A = arith.extui %eq3A_0 : i1 to i32
    %cond3A = arith.constant 0 : i32
    %cond3A_1 = arith.cmpi ne, %convert_element_type3A, %cond3A : i32
    scf.if %cond3A_1 {
      %broadcast_in_dim3A_353 = arith.constant 0.000000e+00 : f32
      %broadcast_in_dim3A_354 = vector.broadcast %broadcast_in_dim3A_353 : f32 to vector<8x512xf32>
      %swap3A_355 = arith.constant 0 : index
      %swap3A_356 = arith.constant 0 : index
      %swap3A_357 = vector.load %arg3[%swap3A_355, %swap3A_356] : memref<8x512xf32, #tpu.memory_space<vmem>>, vector<8x512xf32>
      tpu.vector_store %arg3[%swap3A_355, %swap3A_356], %broadcast_in_dim3A_354 {strides = array<i32>} : memref<8x512xf32, #tpu.memory_space<vmem>>, vector<8x512xf32>,
      %broadcast_in_dim3A_358 = arith.constant 0.000000e+00 : f32
      %broadcast_in_dim3A_359 = vector.broadcast %broadcast_in_dim3A_358 : f32 to vector<8x512xf32>
      %swap3A_360 = arith.constant 0 : index
      %swap3A_361 = arith.constant 0 : index
      %swap3A_362 = vector.load %arg4[%swap3A_360, %swap3A_361] : memref<8x512xf32, #tpu.memory_space<vmem>>, vector<8x512xf32>
      tpu.vector_store %arg4[%swap3A_360, %swap3A_361], %broadcast_in_dim3A_359 {strides = array<i32>} : memref<8x512xf32, #tpu.memory_space<vmem>>, vector<8x512xf32>,
    } else {
    }
    %get3A = arith.constant 0 : index
    %get3A_2 = arith.constant 0 : index
    %get3A_3 = vector.load %arg1[%get3A, %get3A_2] : memref<190x4096xf32, #tpu.memory_space<vmem>>, vector<190x4096xf32>
    %iota3A = tpu.iota {dimensions = array<i32: 0>} : vector<190x512xi32>
    %get3A_4 = arith.constant 0 : index
    %get3A_5 = arith.constant 0 : index
    %get3A_6 = vector.load %arg2[%get3A_4, %get3A_5] : memref<8x512xi32, #tpu.memory_space<vmem>>, vector<1x512xi32>
    %get3A_7 = vector.shape_cast %get3A_6 : vector<1x512xi32> to vector<512xi32>
    %slice3A = vector.extract_strided_slice %get3A_3 {offsets = [0, 0], sizes = [190, 512], strides = [1, 1]} : vector<190x4096xf32> to vector<190x512xf32>
    %ne3A = arith.constant -1 : i32
    %ne3A_8 = vector.broadcast %ne3A : i32 to vector<512xi32>
    %ne3A_9 = arith.cmpi ne, %get3A_7, %ne3A_8 : vector<512xi32>
    %broadcast_in_dim3A = vector.shape_cast %get3A_7 : vector<512xi32> to vector<1x512xi32>
    %eq3A_10 = vector.broadcast %broadcast_in_dim3A : vector<1x512xi32> to vector<190x512xi32>
    %eq3A_11 = arith.cmpi eq, %iota3A, %eq3A_10 : vector<190x512xi32>
    %broadcast_in_dim3A_12 = vector.shape_cast %ne3A_9 : vector<512xi1> to vector<1x512xi1>
    %and3A = vector.broadcast %broadcast_in_dim3A_12 : vector<1x512xi1> to vector<190x512xi1>
    %and3A_13 = arith.andi %eq3A_11, %and3A : vector<190x512xi1>
    %sub3A = arith.constant 1.000000e+00 : f32
    %sub3A_14 = vector.broadcast %sub3A : f32 to vector<190x512xf32>
    %sub3A_15 = arith.subf %sub3A_14, %slice3A : vector<190x512xf32>
    %mul3A = arith.mulf %sub3A_15, %sub3A_15 : vector<190x512xf32>
    %jit3A = arith.constant 0.000000e+00 : f32
    %broadcast_in_dim3A_16 = vector.broadcast %jit3A : f32 to vector<190x512xf32>
    %select_n3A = arith.select %and3A_13, %mul3A, %broadcast_in_dim3A_16 : vector<190x512xi1>, vector<190x512xf32>
    %reduce_sum3A = arith.constant dense<0.000000e+00> : vector<512xf32>
    %reduce_sum3A_17 = vector.multi_reduction <add>, %select_n3A, %reduce_sum3A [0] : vector<190x512xf32> to vector<512xf32>
    %get3A_18 = arith.constant 0 : index
    %get3A_19 = arith.constant 0 : index
    %get3A_20 = vector.load %arg3[%get3A_18, %get3A_19] : memref<8x512xf32, #tpu.memory_space<vmem>>, vector<1x512xf32>
    %get3A_21 = vector.shape_cast %get3A_20 : vector<1x512xf32> to vector<512xf32>
    %add3A = arith.addf %get3A_21, %reduce_sum3A_17 : vector<512xf32>
    %swap3A = arith.constant 0 : index
    %swap3A_22 = arith.constant 0 : index
    %swap3A_23 = vector.load %arg3[%swap3A, %swap3A_22] : memref<8x512xf32, #tpu.memory_space<vmem>>, vector<1x512xf32>
    %swap3A_24 = vector.shape_cast %swap3A_23 : vector<1x512xf32> to vector<512xf32>
    %swap3A_25 = vector.shape_cast %add3A : vector<512xf32> to vector<1x512xf32>
    tpu.vector_store %arg3[%swap3A, %swap3A_22], %swap3A_25 {strides = array<i32>} : memref<8x512xf32, #tpu.memory_space<vmem>>, vector<1x512xf32>,
    %get3A_26 = arith.constant 0 : index
    %get3A_27 = arith.constant 0 : index
    %get3A_28 = vector.load %arg4[%get3A_26, %get3A_27] : memref<8x512xf32, #tpu.memory_space<vmem>>, vector<1x512xf32>
    %get3A_29 = vector.shape_cast %get3A_28 : vector<1x512xf32> to vector<512xf32>
    %convert_element_type3A_30 = arith.extui %ne3A_9 : vector<512xi1> to vector<512xi32>
    %convert_element_type3A_31 = arith.sitofp %convert_element_type3A_30 : vector<512xi32> to vector<512xf32>
    %add3A_32 = arith.addf %get3A_29, %convert_element_type3A_31 : vector<512xf32>
    %swap3A_33 = arith.constant 0 : index
    %swap3A_34 = arith.constant 0 : index
    %swap3A_35 = vector.load %arg4[%swap3A_33, %swap3A_34] : memref<8x512xf32, #tpu.memory_space<vmem>>, vector<1x512xf32>
    %swap3A_36 = vector.shape_cast %swap3A_35 : vector<1x512xf32> to vector<512xf32>
    %swap3A_37 = vector.shape_cast %add3A_32 : vector<512xf32> to vector<1x512xf32>
    tpu.vector_store %arg4[%swap3A_33, %swap3A_34], %swap3A_37 {strides = array<i32>} : memref<8x512xf32, #tpu.memory_space<vmem>>, vector<1x512xf32>,
    %get3A_38 = arith.constant 1 : index
    %get3A_39 = arith.constant 0 : index
    %get3A_40 = vector.load %arg2[%get3A_38, %get3A_39] : memref<8x512xi32, #tpu.memory_space<vmem>>, vector<1x512xi32>
    %get3A_41 = vector.shape_cast %get3A_40 : vector<1x512xi32> to vector<512xi32>
    %slice3A_42 = vector.extract_strided_slice %get3A_3 {offsets = [0, 512], sizes = [190, 512], strides = [1, 1]} : vector<190x4096xf32> to vector<190x512xf32>
    %ne3A_43 = arith.constant -1 : i32
    %ne3A_44 = vector.broadcast %ne3A_43 : i32 to vector<512xi32>
    %ne3A_45 = arith.cmpi ne, %get3A_41, %ne3A_44 : vector<512xi32>
    %broadcast_in_dim3A_46 = vector.shape_cast %get3A_41 : vector<512xi32> to vector<1x512xi32>
    %eq3A_47 = vector.broadcast %broadcast_in_dim3A_46 : vector<1x512xi32> to vector<190x512xi32>
    %eq3A_48 = arith.cmpi eq, %iota3A, %eq3A_47 : vector<190x512xi32>
    %broadcast_in_dim3A_49 = vector.shape_cast %ne3A_45 : vector<512xi1> to vector<1x512xi1>
    %and3A_50 = vector.broadcast %broadcast_in_dim3A_49 : vector<1x512xi1> to vector<190x512xi1>
    %and3A_51 = arith.andi %eq3A_48, %and3A_50 : vector<190x512xi1>
    %sub3A_52 = arith.constant 1.000000e+00 : f32
    %sub3A_53 = vector.broadcast %sub3A_52 : f32 to vector<190x512xf32>
    %sub3A_54 = arith.subf %sub3A_53, %slice3A_42 : vector<190x512xf32>
    %mul3A_55 = arith.mulf %sub3A_54, %sub3A_54 : vector<190x512xf32>
    %jit3A_56 = arith.constant 0.000000e+00 : f32
    %broadcast_in_dim3A_57 = vector.broadcast %jit3A_56 : f32 to vector<190x512xf32>
    %select_n3A_58 = arith.select %and3A_51, %mul3A_55, %broadcast_in_dim3A_57 : vector<190x512xi1>, vector<190x512xf32>
    %reduce_sum3A_59 = arith.constant dense<0.000000e+00> : vector<512xf32>
    %reduce_sum3A_60 = vector.multi_reduction <add>, %select_n3A_58, %reduce_sum3A_59 [0] : vector<190x512xf32> to vector<512xf32>
    %get3A_61 = arith.constant 1 : index
    %get3A_62 = arith.constant 0 : index
    %get3A_63 = vector.load %arg3[%get3A_61, %get3A_62] : memref<8x512xf32, #tpu.memory_space<vmem>>, vector<1x512xf32>
    %get3A_64 = vector.shape_cast %get3A_63 : vector<1x512xf32> to vector<512xf32>
    %add3A_65 = arith.addf %get3A_64, %reduce_sum3A_60 : vector<512xf32>
    %swap3A_66 = arith.constant 1 : index
    %swap3A_67 = arith.constant 0 : index
    %swap3A_68 = vector.load %arg3[%swap3A_66, %swap3A_67] : memref<8x512xf32, #tpu.memory_space<vmem>>, vector<1x512xf32>
    %swap3A_69 = vector.shape_cast %swap3A_68 : vector<1x512xf32> to vector<512xf32>
    %swap3A_70 = vector.shape_cast %add3A_65 : vector<512xf32> to vector<1x512xf32>
    tpu.vector_store %arg3[%swap3A_66, %swap3A_67], %swap3A_70 {strides = array<i32>} : memref<8x512xf32, #tpu.memory_space<vmem>>, vector<1x512xf32>,
    %get3A_71 = arith.constant 1 : index
    %get3A_72 = arith.constant 0 : index
    %get3A_73 = vector.load %arg4[%get3A_71, %get3A_72] : memref<8x512xf32, #tpu.memory_space<vmem>>, vector<1x512xf32>
    %get3A_74 = vector.shape_cast %get3A_73 : vector<1x512xf32> to vector<512xf32>
    %convert_element_type3A_75 = arith.extui %ne3A_45 : vector<512xi1> to vector<512xi32>
    %convert_element_type3A_76 = arith.sitofp %convert_element_type3A_75 : vector<512xi32> to vector<512xf32>
    %add3A_77 = arith.addf %get3A_74, %convert_element_type3A_76 : vector<512xf32>
    %swap3A_78 = arith.constant 1 : index
    %swap3A_79 = arith.constant 0 : index
    %swap3A_80 = vector.load %arg4[%swap3A_78, %swap3A_79] : memref<8x512xf32, #tpu.memory_space<vmem>>, vector<1x512xf32>
    %swap3A_81 = vector.shape_cast %swap3A_80 : vector<1x512xf32> to vector<512xf32>
    %swap3A_82 = vector.shape_cast %add3A_77 : vector<512xf32> to vector<1x512xf32>
    tpu.vector_store %arg4[%swap3A_78, %swap3A_79], %swap3A_82 {strides = array<i32>} : memref<8x512xf32, #tpu.memory_space<vmem>>, vector<1x512xf32>,
    %get3A_83 = arith.constant 2 : index
    %get3A_84 = arith.constant 0 : index
    %get3A_85 = vector.load %arg2[%get3A_83, %get3A_84] : memref<8x512xi32, #tpu.memory_space<vmem>>, vector<1x512xi32>
    %get3A_86 = vector.shape_cast %get3A_85 : vector<1x512xi32> to vector<512xi32>
    %slice3A_87 = vector.extract_strided_slice %get3A_3 {offsets = [0, 1024], sizes = [190, 512], strides = [1, 1]} : vector<190x4096xf32> to vector<190x512xf32>
    %ne3A_88 = arith.constant -1 : i32
    %ne3A_89 = vector.broadcast %ne3A_88 : i32 to vector<512xi32>
    %ne3A_90 = arith.cmpi ne, %get3A_86, %ne3A_89 : vector<512xi32>
    %broadcast_in_dim3A_91 = vector.shape_cast %get3A_86 : vector<512xi32> to vector<1x512xi32>
    %eq3A_92 = vector.broadcast %broadcast_in_dim3A_91 : vector<1x512xi32> to vector<190x512xi32>
    %eq3A_93 = arith.cmpi eq, %iota3A, %eq3A_92 : vector<190x512xi32>
    %broadcast_in_dim3A_94 = vector.shape_cast %ne3A_90 : vector<512xi1> to vector<1x512xi1>
    %and3A_95 = vector.broadcast %broadcast_in_dim3A_94 : vector<1x512xi1> to vector<190x512xi1>
    %and3A_96 = arith.andi %eq3A_93, %and3A_95 : vector<190x512xi1>
    %sub3A_97 = arith.constant 1.000000e+00 : f32
    %sub3A_98 = vector.broadcast %sub3A_97 : f32 to vector<190x512xf32>
    %sub3A_99 = arith.subf %sub3A_98, %slice3A_87 : vector<190x512xf32>
    %mul3A_100 = arith.mulf %sub3A_99, %sub3A_99 : vector<190x512xf32>
    %jit3A_101 = arith.constant 0.000000e+00 : f32
    %broadcast_in_dim3A_102 = vector.broadcast %jit3A_101 : f32 to vector<190x512xf32>
    %select_n3A_103 = arith.select %and3A_96, %mul3A_100, %broadcast_in_dim3A_102 : vector<190x512xi1>, vector<190x512xf32>
    %reduce_sum3A_104 = arith.constant dense<0.000000e+00> : vector<512xf32>
    %reduce_sum3A_105 = vector.multi_reduction <add>, %select_n3A_103, %reduce_sum3A_104 [0] : vector<190x512xf32> to vector<512xf32>
    %get3A_106 = arith.constant 2 : index
    %get3A_107 = arith.constant 0 : index
    %get3A_108 = vector.load %arg3[%get3A_106, %get3A_107] : memref<8x512xf32, #tpu.memory_space<vmem>>, vector<1x512xf32>
    %get3A_109 = vector.shape_cast %get3A_108 : vector<1x512xf32> to vector<512xf32>
    %add3A_110 = arith.addf %get3A_109, %reduce_sum3A_105 : vector<512xf32>
    %swap3A_111 = arith.constant 2 : index
    %swap3A_112 = arith.constant 0 : index
    %swap3A_113 = vector.load %arg3[%swap3A_111, %swap3A_112] : memref<8x512xf32, #tpu.memory_space<vmem>>, vector<1x512xf32>
    %swap3A_114 = vector.shape_cast %swap3A_113 : vector<1x512xf32> to vector<512xf32>
    %swap3A_115 = vector.shape_cast %add3A_110 : vector<512xf32> to vector<1x512xf32>
    tpu.vector_store %arg3[%swap3A_111, %swap3A_112], %swap3A_115 {strides = array<i32>} : memref<8x512xf32, #tpu.memory_space<vmem>>, vector<1x512xf32>,
    %get3A_116 = arith.constant 2 : index
    %get3A_117 = arith.constant 0 : index
    %get3A_118 = vector.load %arg4[%get3A_116, %get3A_117] : memref<8x512xf32, #tpu.memory_space<vmem>>, vector<1x512xf32>
    %get3A_119 = vector.shape_cast %get3A_118 : vector<1x512xf32> to vector<512xf32>
    %convert_element_type3A_120 = arith.extui %ne3A_90 : vector<512xi1> to vector<512xi32>
    %convert_element_type3A_121 = arith.sitofp %convert_element_type3A_120 : vector<512xi32> to vector<512xf32>
    %add3A_122 = arith.addf %get3A_119, %convert_element_type3A_121 : vector<512xf32>
    %swap3A_123 = arith.constant 2 : index
    %swap3A_124 = arith.constant 0 : index
    %swap3A_125 = vector.load %arg4[%swap3A_123, %swap3A_124] : memref<8x512xf32, #tpu.memory_space<vmem>>, vector<1x512xf32>
    %swap3A_126 = vector.shape_cast %swap3A_125 : vector<1x512xf32> to vector<512xf32>
    %swap3A_127 = vector.shape_cast %add3A_122 : vector<512xf32> to vector<1x512xf32>
    tpu.vector_store %arg4[%swap3A_123, %swap3A_124], %swap3A_127 {strides = array<i32>} : memref<8x512xf32, #tpu.memory_space<vmem>>, vector<1x512xf32>,
    %get3A_128 = arith.constant 3 : index
    %get3A_129 = arith.constant 0 : index
    %get3A_130 = vector.load %arg2[%get3A_128, %get3A_129] : memref<8x512xi32, #tpu.memory_space<vmem>>, vector<1x512xi32>
    %get3A_131 = vector.shape_cast %get3A_130 : vector<1x512xi32> to vector<512xi32>
    %slice3A_132 = vector.extract_strided_slice %get3A_3 {offsets = [0, 1536], sizes = [190, 512], strides = [1, 1]} : vector<190x4096xf32> to vector<190x512xf32>
    %ne3A_133 = arith.constant -1 : i32
    %ne3A_134 = vector.broadcast %ne3A_133 : i32 to vector<512xi32>
    %ne3A_135 = arith.cmpi ne, %get3A_131, %ne3A_134 : vector<512xi32>
    %broadcast_in_dim3A_136 = vector.shape_cast %get3A_131 : vector<512xi32> to vector<1x512xi32>
    %eq3A_137 = vector.broadcast %broadcast_in_dim3A_136 : vector<1x512xi32> to vector<190x512xi32>
    %eq3A_138 = arith.cmpi eq, %iota3A, %eq3A_137 : vector<190x512xi32>
    %broadcast_in_dim3A_139 = vector.shape_cast %ne3A_135 : vector<512xi1> to vector<1x512xi1>
    %and3A_140 = vector.broadcast %broadcast_in_dim3A_139 : vector<1x512xi1> to vector<190x512xi1>
    %and3A_141 = arith.andi %eq3A_138, %and3A_140 : vector<190x512xi1>
    %sub3A_142 = arith.constant 1.000000e+00 : f32
    %sub3A_143 = vector.broadcast %sub3A_142 : f32 to vector<190x512xf32>
    %sub3A_144 = arith.subf %sub3A_143, %slice3A_132 : vector<190x512xf32>
    %mul3A_145 = arith.mulf %sub3A_144, %sub3A_144 : vector<190x512xf32>
    %jit3A_146 = arith.constant 0.000000e+00 : f32
    %broadcast_in_dim3A_147 = vector.broadcast %jit3A_146 : f32 to vector<190x512xf32>
    %select_n3A_148 = arith.select %and3A_141, %mul3A_145, %broadcast_in_dim3A_147 : vector<190x512xi1>, vector<190x512xf32>
    %reduce_sum3A_149 = arith.constant dense<0.000000e+00> : vector<512xf32>
    %reduce_sum3A_150 = vector.multi_reduction <add>, %select_n3A_148, %reduce_sum3A_149 [0] : vector<190x512xf32> to vector<512xf32>
    %get3A_151 = arith.constant 3 : index
    %get3A_152 = arith.constant 0 : index
    %get3A_153 = vector.load %arg3[%get3A_151, %get3A_152] : memref<8x512xf32, #tpu.memory_space<vmem>>, vector<1x512xf32>
    %get3A_154 = vector.shape_cast %get3A_153 : vector<1x512xf32> to vector<512xf32>
    %add3A_155 = arith.addf %get3A_154, %reduce_sum3A_150 : vector<512xf32>
    %swap3A_156 = arith.constant 3 : index
    %swap3A_157 = arith.constant 0 : index
    %swap3A_158 = vector.load %arg3[%swap3A_156, %swap3A_157] : memref<8x512xf32, #tpu.memory_space<vmem>>, vector<1x512xf32>
    %swap3A_159 = vector.shape_cast %swap3A_158 : vector<1x512xf32> to vector<512xf32>
    %swap3A_160 = vector.shape_cast %add3A_155 : vector<512xf32> to vector<1x512xf32>
    tpu.vector_store %arg3[%swap3A_156, %swap3A_157], %swap3A_160 {strides = array<i32>} : memref<8x512xf32, #tpu.memory_space<vmem>>, vector<1x512xf32>,
    %get3A_161 = arith.constant 3 : index
    %get3A_162 = arith.constant 0 : index
    %get3A_163 = vector.load %arg4[%get3A_161, %get3A_162] : memref<8x512xf32, #tpu.memory_space<vmem>>, vector<1x512xf32>
    %get3A_164 = vector.shape_cast %get3A_163 : vector<1x512xf32> to vector<512xf32>
    %convert_element_type3A_165 = arith.extui %ne3A_135 : vector<512xi1> to vector<512xi32>
    %convert_element_type3A_166 = arith.sitofp %convert_element_type3A_165 : vector<512xi32> to vector<512xf32>
    %add3A_167 = arith.addf %get3A_164, %convert_element_type3A_166 : vector<512xf32>
    %swap3A_168 = arith.constant 3 : index
    %swap3A_169 = arith.constant 0 : index
    %swap3A_170 = vector.load %arg4[%swap3A_168, %swap3A_169] : memref<8x512xf32, #tpu.memory_space<vmem>>, vector<1x512xf32>
    %swap3A_171 = vector.shape_cast %swap3A_170 : vector<1x512xf32> to vector<512xf32>
    %swap3A_172 = vector.shape_cast %add3A_167 : vector<512xf32> to vector<1x512xf32>
    tpu.vector_store %arg4[%swap3A_168, %swap3A_169], %swap3A_172 {strides = array<i32>} : memref<8x512xf32, #tpu.memory_space<vmem>>, vector<1x512xf32>,
    %get3A_173 = arith.constant 4 : index
    %get3A_174 = arith.constant 0 : index
    %get3A_175 = vector.load %arg2[%get3A_173, %get3A_174] : memref<8x512xi32, #tpu.memory_space<vmem>>, vector<1x512xi32>
    %get3A_176 = vector.shape_cast %get3A_175 : vector<1x512xi32> to vector<512xi32>
    %slice3A_177 = vector.extract_strided_slice %get3A_3 {offsets = [0, 2048], sizes = [190, 512], strides = [1, 1]} : vector<190x4096xf32> to vector<190x512xf32>
    %ne3A_178 = arith.constant -1 : i32
    %ne3A_179 = vector.broadcast %ne3A_178 : i32 to vector<512xi32>
    %ne3A_180 = arith.cmpi ne, %get3A_176, %ne3A_179 : vector<512xi32>
    %broadcast_in_dim3A_181 = vector.shape_cast %get3A_176 : vector<512xi32> to vector<1x512xi32>
    %eq3A_182 = vector.broadcast %broadcast_in_dim3A_181 : vector<1x512xi32> to vector<190x512xi32>
    %eq3A_183 = arith.cmpi eq, %iota3A, %eq3A_182 : vector<190x512xi32>
    %broadcast_in_dim3A_184 = vector.shape_cast %ne3A_180 : vector<512xi1> to vector<1x512xi1>
    %and3A_185 = vector.broadcast %broadcast_in_dim3A_184 : vector<1x512xi1> to vector<190x512xi1>
    %and3A_186 = arith.andi %eq3A_183, %and3A_185 : vector<190x512xi1>
    %sub3A_187 = arith.constant 1.000000e+00 : f32
    %sub3A_188 = vector.broadcast %sub3A_187 : f32 to vector<190x512xf32>
    %sub3A_189 = arith.subf %sub3A_188, %slice3A_177 : vector<190x512xf32>
    %mul3A_190 = arith.mulf %sub3A_189, %sub3A_189 : vector<190x512xf32>
    %jit3A_191 = arith.constant 0.000000e+00 : f32
    %broadcast_in_dim3A_192 = vector.broadcast %jit3A_191 : f32 to vector<190x512xf32>
    %select_n3A_193 = arith.select %and3A_186, %mul3A_190, %broadcast_in_dim3A_192 : vector<190x512xi1>, vector<190x512xf32>
    %reduce_sum3A_194 = arith.constant dense<0.000000e+00> : vector<512xf32>
    %reduce_sum3A_195 = vector.multi_reduction <add>, %select_n3A_193, %reduce_sum3A_194 [0] : vector<190x512xf32> to vector<512xf32>
    %get3A_196 = arith.constant 4 : index
    %get3A_197 = arith.constant 0 : index
    %get3A_198 = vector.load %arg3[%get3A_196, %get3A_197] : memref<8x512xf32, #tpu.memory_space<vmem>>, vector<1x512xf32>
    %get3A_199 = vector.shape_cast %get3A_198 : vector<1x512xf32> to vector<512xf32>
    %add3A_200 = arith.addf %get3A_199, %reduce_sum3A_195 : vector<512xf32>
    %swap3A_201 = arith.constant 4 : index
    %swap3A_202 = arith.constant 0 : index
    %swap3A_203 = vector.load %arg3[%swap3A_201, %swap3A_202] : memref<8x512xf32, #tpu.memory_space<vmem>>, vector<1x512xf32>
    %swap3A_204 = vector.shape_cast %swap3A_203 : vector<1x512xf32> to vector<512xf32>
    %swap3A_205 = vector.shape_cast %add3A_200 : vector<512xf32> to vector<1x512xf32>
    tpu.vector_store %arg3[%swap3A_201, %swap3A_202], %swap3A_205 {strides = array<i32>} : memref<8x512xf32, #tpu.memory_space<vmem>>, vector<1x512xf32>,
    %get3A_206 = arith.constant 4 : index
    %get3A_207 = arith.constant 0 : index
    %get3A_208 = vector.load %arg4[%get3A_206, %get3A_207] : memref<8x512xf32, #tpu.memory_space<vmem>>, vector<1x512xf32>
    %get3A_209 = vector.shape_cast %get3A_208 : vector<1x512xf32> to vector<512xf32>
    %convert_element_type3A_210 = arith.extui %ne3A_180 : vector<512xi1> to vector<512xi32>
    %convert_element_type3A_211 = arith.sitofp %convert_element_type3A_210 : vector<512xi32> to vector<512xf32>
    %add3A_212 = arith.addf %get3A_209, %convert_element_type3A_211 : vector<512xf32>
    %swap3A_213 = arith.constant 4 : index
    %swap3A_214 = arith.constant 0 : index
    %swap3A_215 = vector.load %arg4[%swap3A_213, %swap3A_214] : memref<8x512xf32, #tpu.memory_space<vmem>>, vector<1x512xf32>
    %swap3A_216 = vector.shape_cast %swap3A_215 : vector<1x512xf32> to vector<512xf32>
    %swap3A_217 = vector.shape_cast %add3A_212 : vector<512xf32> to vector<1x512xf32>
    tpu.vector_store %arg4[%swap3A_213, %swap3A_214], %swap3A_217 {strides = array<i32>} : memref<8x512xf32, #tpu.memory_space<vmem>>, vector<1x512xf32>,
    %get3A_218 = arith.constant 5 : index
    %get3A_219 = arith.constant 0 : index
    %get3A_220 = vector.load %arg2[%get3A_218, %get3A_219] : memref<8x512xi32, #tpu.memory_space<vmem>>, vector<1x512xi32>
    %get3A_221 = vector.shape_cast %get3A_220 : vector<1x512xi32> to vector<512xi32>
    %slice3A_222 = vector.extract_strided_slice %get3A_3 {offsets = [0, 2560], sizes = [190, 512], strides = [1, 1]} : vector<190x4096xf32> to vector<190x512xf32>
    %ne3A_223 = arith.constant -1 : i32
    %ne3A_224 = vector.broadcast %ne3A_223 : i32 to vector<512xi32>
    %ne3A_225 = arith.cmpi ne, %get3A_221, %ne3A_224 : vector<512xi32>
    %broadcast_in_dim3A_226 = vector.shape_cast %get3A_221 : vector<512xi32> to vector<1x512xi32>
    %eq3A_227 = vector.broadcast %broadcast_in_dim3A_226 : vector<1x512xi32> to vector<190x512xi32>
    %eq3A_228 = arith.cmpi eq, %iota3A, %eq3A_227 : vector<190x512xi32>
    %broadcast_in_dim3A_229 = vector.shape_cast %ne3A_225 : vector<512xi1> to vector<1x512xi1>
    %and3A_230 = vector.broadcast %broadcast_in_dim3A_229 : vector<1x512xi1> to vector<190x512xi1>
    %and3A_231 = arith.andi %eq3A_228, %and3A_230 : vector<190x512xi1>
    %sub3A_232 = arith.constant 1.000000e+00 : f32
    %sub3A_233 = vector.broadcast %sub3A_232 : f32 to vector<190x512xf32>
    %sub3A_234 = arith.subf %sub3A_233, %slice3A_222 : vector<190x512xf32>
    %mul3A_235 = arith.mulf %sub3A_234, %sub3A_234 : vector<190x512xf32>
    %jit3A_236 = arith.constant 0.000000e+00 : f32
    %broadcast_in_dim3A_237 = vector.broadcast %jit3A_236 : f32 to vector<190x512xf32>
    %select_n3A_238 = arith.select %and3A_231, %mul3A_235, %broadcast_in_dim3A_237 : vector<190x512xi1>, vector<190x512xf32>
    %reduce_sum3A_239 = arith.constant dense<0.000000e+00> : vector<512xf32>
    %reduce_sum3A_240 = vector.multi_reduction <add>, %select_n3A_238, %reduce_sum3A_239 [0] : vector<190x512xf32> to vector<512xf32>
    %get3A_241 = arith.constant 5 : index
    %get3A_242 = arith.constant 0 : index
    %get3A_243 = vector.load %arg3[%get3A_241, %get3A_242] : memref<8x512xf32, #tpu.memory_space<vmem>>, vector<1x512xf32>
    %get3A_244 = vector.shape_cast %get3A_243 : vector<1x512xf32> to vector<512xf32>
    %add3A_245 = arith.addf %get3A_244, %reduce_sum3A_240 : vector<512xf32>
    %swap3A_246 = arith.constant 5 : index
    %swap3A_247 = arith.constant 0 : index
    %swap3A_248 = vector.load %arg3[%swap3A_246, %swap3A_247] : memref<8x512xf32, #tpu.memory_space<vmem>>, vector<1x512xf32>
    %swap3A_249 = vector.shape_cast %swap3A_248 : vector<1x512xf32> to vector<512xf32>
    %swap3A_250 = vector.shape_cast %add3A_245 : vector<512xf32> to vector<1x512xf32>
    tpu.vector_store %arg3[%swap3A_246, %swap3A_247], %swap3A_250 {strides = array<i32>} : memref<8x512xf32, #tpu.memory_space<vmem>>, vector<1x512xf32>,
    %get3A_251 = arith.constant 5 : index
    %get3A_252 = arith.constant 0 : index
    %get3A_253 = vector.load %arg4[%get3A_251, %get3A_252] : memref<8x512xf32, #tpu.memory_space<vmem>>, vector<1x512xf32>
    %get3A_254 = vector.shape_cast %get3A_253 : vector<1x512xf32> to vector<512xf32>
    %convert_element_type3A_255 = arith.extui %ne3A_225 : vector<512xi1> to vector<512xi32>
    %convert_element_type3A_256 = arith.sitofp %convert_element_type3A_255 : vector<512xi32> to vector<512xf32>
    %add3A_257 = arith.addf %get3A_254, %convert_element_type3A_256 : vector<512xf32>
    %swap3A_258 = arith.constant 5 : index
    %swap3A_259 = arith.constant 0 : index
    %swap3A_260 = vector.load %arg4[%swap3A_258, %swap3A_259] : memref<8x512xf32, #tpu.memory_space<vmem>>, vector<1x512xf32>
    %swap3A_261 = vector.shape_cast %swap3A_260 : vector<1x512xf32> to vector<512xf32>
    %swap3A_262 = vector.shape_cast %add3A_257 : vector<512xf32> to vector<1x512xf32>
    tpu.vector_store %arg4[%swap3A_258, %swap3A_259], %swap3A_262 {strides = array<i32>} : memref<8x512xf32, #tpu.memory_space<vmem>>, vector<1x512xf32>,
    %get3A_263 = arith.constant 6 : index
    %get3A_264 = arith.constant 0 : index
    %get3A_265 = vector.load %arg2[%get3A_263, %get3A_264] : memref<8x512xi32, #tpu.memory_space<vmem>>, vector<1x512xi32>
    %get3A_266 = vector.shape_cast %get3A_265 : vector<1x512xi32> to vector<512xi32>
    %slice3A_267 = vector.extract_strided_slice %get3A_3 {offsets = [0, 3072], sizes = [190, 512], strides = [1, 1]} : vector<190x4096xf32> to vector<190x512xf32>
    %ne3A_268 = arith.constant -1 : i32
    %ne3A_269 = vector.broadcast %ne3A_268 : i32 to vector<512xi32>
    %ne3A_270 = arith.cmpi ne, %get3A_266, %ne3A_269 : vector<512xi32>
    %broadcast_in_dim3A_271 = vector.shape_cast %get3A_266 : vector<512xi32> to vector<1x512xi32>
    %eq3A_272 = vector.broadcast %broadcast_in_dim3A_271 : vector<1x512xi32> to vector<190x512xi32>
    %eq3A_273 = arith.cmpi eq, %iota3A, %eq3A_272 : vector<190x512xi32>
    %broadcast_in_dim3A_274 = vector.shape_cast %ne3A_270 : vector<512xi1> to vector<1x512xi1>
    %and3A_275 = vector.broadcast %broadcast_in_dim3A_274 : vector<1x512xi1> to vector<190x512xi1>
    %and3A_276 = arith.andi %eq3A_273, %and3A_275 : vector<190x512xi1>
    %sub3A_277 = arith.constant 1.000000e+00 : f32
    %sub3A_278 = vector.broadcast %sub3A_277 : f32 to vector<190x512xf32>
    %sub3A_279 = arith.subf %sub3A_278, %slice3A_267 : vector<190x512xf32>
    %mul3A_280 = arith.mulf %sub3A_279, %sub3A_279 : vector<190x512xf32>
    %jit3A_281 = arith.constant 0.000000e+00 : f32
    %broadcast_in_dim3A_282 = vector.broadcast %jit3A_281 : f32 to vector<190x512xf32>
    %select_n3A_283 = arith.select %and3A_276, %mul3A_280, %broadcast_in_dim3A_282 : vector<190x512xi1>, vector<190x512xf32>
    %reduce_sum3A_284 = arith.constant dense<0.000000e+00> : vector<512xf32>
    %reduce_sum3A_285 = vector.multi_reduction <add>, %select_n3A_283, %reduce_sum3A_284 [0] : vector<190x512xf32> to vector<512xf32>
    %get3A_286 = arith.constant 6 : index
    %get3A_287 = arith.constant 0 : index
    %get3A_288 = vector.load %arg3[%get3A_286, %get3A_287] : memref<8x512xf32, #tpu.memory_space<vmem>>, vector<1x512xf32>
    %get3A_289 = vector.shape_cast %get3A_288 : vector<1x512xf32> to vector<512xf32>
    %add3A_290 = arith.addf %get3A_289, %reduce_sum3A_285 : vector<512xf32>
    %swap3A_291 = arith.constant 6 : index
    %swap3A_292 = arith.constant 0 : index
    %swap3A_293 = vector.load %arg3[%swap3A_291, %swap3A_292] : memref<8x512xf32, #tpu.memory_space<vmem>>, vector<1x512xf32>
    %swap3A_294 = vector.shape_cast %swap3A_293 : vector<1x512xf32> to vector<512xf32>
    %swap3A_295 = vector.shape_cast %add3A_290 : vector<512xf32> to vector<1x512xf32>
    tpu.vector_store %arg3[%swap3A_291, %swap3A_292], %swap3A_295 {strides = array<i32>} : memref<8x512xf32, #tpu.memory_space<vmem>>, vector<1x512xf32>,
    %get3A_296 = arith.constant 6 : index
    %get3A_297 = arith.constant 0 : index
    %get3A_298 = vector.load %arg4[%get3A_296, %get3A_297] : memref<8x512xf32, #tpu.memory_space<vmem>>, vector<1x512xf32>
    %get3A_299 = vector.shape_cast %get3A_298 : vector<1x512xf32> to vector<512xf32>
    %convert_element_type3A_300 = arith.extui %ne3A_270 : vector<512xi1> to vector<512xi32>
    %convert_element_type3A_301 = arith.sitofp %convert_element_type3A_300 : vector<512xi32> to vector<512xf32>
    %add3A_302 = arith.addf %get3A_299, %convert_element_type3A_301 : vector<512xf32>
    %swap3A_303 = arith.constant 6 : index
    %swap3A_304 = arith.constant 0 : index
    %swap3A_305 = vector.load %arg4[%swap3A_303, %swap3A_304] : memref<8x512xf32, #tpu.memory_space<vmem>>, vector<1x512xf32>
    %swap3A_306 = vector.shape_cast %swap3A_305 : vector<1x512xf32> to vector<512xf32>
    %swap3A_307 = vector.shape_cast %add3A_302 : vector<512xf32> to vector<1x512xf32>
    tpu.vector_store %arg4[%swap3A_303, %swap3A_304], %swap3A_307 {strides = array<i32>} : memref<8x512xf32, #tpu.memory_space<vmem>>, vector<1x512xf32>,
    %get3A_308 = arith.constant 7 : index
    %get3A_309 = arith.constant 0 : index
    %get3A_310 = vector.load %arg2[%get3A_308, %get3A_309] : memref<8x512xi32, #tpu.memory_space<vmem>>, vector<1x512xi32>
    %get3A_311 = vector.shape_cast %get3A_310 : vector<1x512xi32> to vector<512xi32>
    %slice3A_312 = vector.extract_strided_slice %get3A_3 {offsets = [0, 3584], sizes = [190, 512], strides = [1, 1]} : vector<190x4096xf32> to vector<190x512xf32>
    %ne3A_313 = arith.constant -1 : i32
    %ne3A_314 = vector.broadcast %ne3A_313 : i32 to vector<512xi32>
    %ne3A_315 = arith.cmpi ne, %get3A_311, %ne3A_314 : vector<512xi32>
    %broadcast_in_dim3A_316 = vector.shape_cast %get3A_311 : vector<512xi32> to vector<1x512xi32>
    %eq3A_317 = vector.broadcast %broadcast_in_dim3A_316 : vector<1x512xi32> to vector<190x512xi32>
    %eq3A_318 = arith.cmpi eq, %iota3A, %eq3A_317 : vector<190x512xi32>
    %broadcast_in_dim3A_319 = vector.shape_cast %ne3A_315 : vector<512xi1> to vector<1x512xi1>
    %and3A_320 = vector.broadcast %broadcast_in_dim3A_319 : vector<1x512xi1> to vector<190x512xi1>
    %and3A_321 = arith.andi %eq3A_318, %and3A_320 : vector<190x512xi1>
    %sub3A_322 = arith.constant 1.000000e+00 : f32
    %sub3A_323 = vector.broadcast %sub3A_322 : f32 to vector<190x512xf32>
    %sub3A_324 = arith.subf %sub3A_323, %slice3A_312 : vector<190x512xf32>
    %mul3A_325 = arith.mulf %sub3A_324, %sub3A_324 : vector<190x512xf32>
    %jit3A_326 = arith.constant 0.000000e+00 : f32
    %broadcast_in_dim3A_327 = vector.broadcast %jit3A_326 : f32 to vector<190x512xf32>
    %select_n3A_328 = arith.select %and3A_321, %mul3A_325, %broadcast_in_dim3A_327 : vector<190x512xi1>, vector<190x512xf32>
    %reduce_sum3A_329 = arith.constant dense<0.000000e+00> : vector<512xf32>
    %reduce_sum3A_330 = vector.multi_reduction <add>, %select_n3A_328, %reduce_sum3A_329 [0] : vector<190x512xf32> to vector<512xf32>
    %get3A_331 = arith.constant 7 : index
    %get3A_332 = arith.constant 0 : index
    %get3A_333 = vector.load %arg3[%get3A_331, %get3A_332] : memref<8x512xf32, #tpu.memory_space<vmem>>, vector<1x512xf32>
    %get3A_334 = vector.shape_cast %get3A_333 : vector<1x512xf32> to vector<512xf32>
    %add3A_335 = arith.addf %get3A_334, %reduce_sum3A_330 : vector<512xf32>
    %swap3A_336 = arith.constant 7 : index
    %swap3A_337 = arith.constant 0 : index
    %swap3A_338 = vector.load %arg3[%swap3A_336, %swap3A_337] : memref<8x512xf32, #tpu.memory_space<vmem>>, vector<1x512xf32>
    %swap3A_339 = vector.shape_cast %swap3A_338 : vector<1x512xf32> to vector<512xf32>
    %swap3A_340 = vector.shape_cast %add3A_335 : vector<512xf32> to vector<1x512xf32>
    tpu.vector_store %arg3[%swap3A_336, %swap3A_337], %swap3A_340 {strides = array<i32>} : memref<8x512xf32, #tpu.memory_space<vmem>>, vector<1x512xf32>,
    %get3A_341 = arith.constant 7 : index
    %get3A_342 = arith.constant 0 : index
    %get3A_343 = vector.load %arg4[%get3A_341, %get3A_342] : memref<8x512xf32, #tpu.memory_space<vmem>>, vector<1x512xf32>
    %get3A_344 = vector.shape_cast %get3A_343 : vector<1x512xf32> to vector<512xf32>
    %convert_element_type3A_345 = arith.extui %ne3A_315 : vector<512xi1> to vector<512xi32>
    %convert_element_type3A_346 = arith.sitofp %convert_element_type3A_345 : vector<512xi32> to vector<512xf32>
    %add3A_347 = arith.addf %get3A_344, %convert_element_type3A_346 : vector<512xf32>
    %swap3A_348 = arith.constant 7 : index
    %swap3A_349 = arith.constant 0 : index
    %swap3A_350 = vector.load %arg4[%swap3A_348, %swap3A_349] : memref<8x512xf32, #tpu.memory_space<vmem>>, vector<1x512xf32>
    %swap3A_351 = vector.shape_cast %swap3A_350 : vector<1x512xf32> to vector<512xf32>
    %swap3A_352 = vector.shape_cast %add3A_347 : vector<512xf32> to vector<1x512xf32>
    tpu.vector_store %arg4[%swap3A_348, %swap3A_349], %swap3A_352 {strides = array<i32>} : memref<8x512xf32, #tpu.memory_space<vmem>>, vector<1x512xf32>,
    return
  }
  func.func @transform_0(%arg0: i32) -> (i32, i32) {
    %c0_i32 = arith.constant 0 : i32
    %c0_i32_0 = arith.constant 0 : i32
    return %c0_i32, %arg0 : i32, i32
  }
  func.func @transform_1(%arg0: i32) -> (i32, i32) {
    %c0_i32 = arith.constant 0 : i32
    %c0_i32_0 = arith.constant 0 : i32
    return %arg0, %c0_i32 : i32, i32
  }
  func.func @transform_2(%arg0: i32) -> (i32, i32) {
    %c0_i32 = arith.constant 0 : i32
    %c0_i32_0 = arith.constant 0 : i32
    %c0_i32_1 = arith.constant 0 : i32
    return %c0_i32, %c0_i32_0 : i32, i32
  }
  func.func @transform_3(%arg0: i32) -> (i32, i32) {
    %c0_i32 = arith.constant 0 : i32
    %c0_i32_0 = arith.constant 0 : i32
    %c0_i32_1 = arith.constant 0 : i32
    return %c0_i32, %c0_i32_0 : i32, i32
  }
}

</mosaic_0001>

<sc_bundles>
// kernel: kernel.5.cloned.1.call-start
scs
__scs_entry_jumppad:
0x0: {  	(pc) =	sbr.rel $0x88, $3  }
0x1: {  	(tag) =	ssettag $0x0;
	lr =	simm.s32 $0x1  }
0x2: {  	[smem:$0x3F9F] =	sst lr;
	_ =	strace $0xD0000000  }
0x3: {  	_ = 	snop  }
0x4: {  	_ = 	snop  }
0x5: {  	_ = 	snop  }
0x6: {  	_ = 	snop  }
0x7: {  	_ = 	snop  }
__scs_overlays_trampoline_lowered:
0x8: {  	[smem:$0x3FAE] =	sst s0  }
0x9: {  	[smem:$0x3FAF] =	sst s1  }
0xa: {  	[smem:$0x3FB0] =	sst s2  }
0xb: {  	[smem:$0x3FB1] =	sst s3  }
0xc: {  	[smem:$0x3FB2] =	sst s4  }
0xd: {  	[smem:$0x3FB3] =	sst s5  }
0xe: {  	[smem:$0x3FB4] =	sst s6  }
0xf: {  	[smem:$0x3FB5] =	sst s7  }
0x10: {  	[smem:$0x3FB6] =	sst s8  }
0x11: {  	[smem:$0x3FB7] =	sst s9;
	s0 =	simm.s32 @!p0 $0x0  }
0x12: {  	s1 =	sld [smem:$0x3F9D];
	s0 =	simm.s32 @p0 $0x1  }
0x13: {  	[smem:$0x3FB8] =	sst s0;
	s0 =	simm.s32 @!p1 $0x0  }
0x14: {  	s2 =	sld [smem:$0x3F9C];
	s0 =	simm.s32 @p1 $0x1  }
0x15: {  	[smem:$0x3FB9] =	sst s0;
	s0 =	simm.s32 @!p2 $0x0  }
0x16: {  	s3 =	sld [smem:$0x3FDB];
	s0 =	simm.s32 @p2 $0x1  }
0x17: {  	s4 =	simm.s32 $0x1BF5;
	[smem:$0x3FBB] =	sst s0  }
0x18: {  	s0 =	sld [smem:$0x3F9E];
	_ =	swait.ge [sflag:s4], $0x0  }
0x19: {  	s7 =	sld [smem:$0x3F9F]  }
0x1a: {  	s8 =	sadd.s32 $0xFFFFE003, lr  }
0x1b: {  	s9 =	sadd.s32 $0xFFFFFEF7, lr;
	s5 =	simm.s32 $0xFFFFFFFF;
	p2 =	slt.u32 s8, $0xFFFFF086  }
0x1c: {  	p1 =	slt.u32 s9, $0xF7A;
	s5 =	simm.s32 @!p2 $0x0  }
0x1d: {  	s5 =	simm.s32 @p1 $0x1;
	p0 =	seq.s32 s7, s2  }
0x1e: {  	s7 =	smul.u32 @!p0 $0xF7A, s2;
	p2 =	seq.s32 @!p0 s5, $0x0  }
0x1f: {  	s9 =	smul.u32 $0xF7A, s1;
	s8 =	simm.s32 @!p0 $0x1BF5;
	p2 =	por !p2, p0  }
0x20: {  	[sflag:s8] =	ssyncset.s32 @!p0 $0xFFFFF086;
	s6 =	sadd.s32 @!p0 s3, s7;
	s7 =	simm.s32 @!p0 $0x108  }
0x21: {  	s3 =	sadd.s32 s3, s9;
	s6 =	sadd.s32 @!p0 $0x88, s6;
	s7 =	simm.s32 @p2 $0x1082  }
0x22: {  	[simem:s7], [sflag:s8] =	dma.local @!p0 [hbm:s6], $0xF7A  }
0x23: {  	s9 =	sor.u32 $0xD0000000, s2;
	s6 =	simm.s32 $0x108;
	_ =	swait.ge @!p0 [sflag:s8], $0x0  }
0x24: {  	s3 =	sadd.s32 $0x88, s3;
	s6 =	simm.s32 @!p1 $0x1082;
	[sflag:s4] =	ssyncset.s32 $0xFFFFF086  }
0x25: {  	[simem:s6], [sflag:s4] =	dma.local [hbm:s3], $0xF7A  }
0x26: {  	[smem:$0x3F9F] =	sst s1;
	(tag) =	ssettag s2;
	_ =	strace s9  }
0x27: {  	s1 =	sld [smem:$0x3FAF]  }
0x28: {  	s2 =	sld [smem:$0x3FB0]  }
0x29: {  	s4 =	sld [smem:$0x3FB2]  }
0x2a: {  	p0 =	seq.s32 s5, $0x0;
	s5 =	sld [smem:$0x3FB3]  }
0x2b: {  	s6 =	sld [smem:$0x3FB4]  }
0x2c: {  	s7 =	sld [smem:$0x3FB5]  }
0x2d: {  	s3 =	simm.s32 $0x108;
	s8 =	sld [smem:$0x3FB6]  }
0x2e: {  	s3 =	simm.s32 @!p0 $0x1082;
	s9 =	sld [smem:$0x3FB7]  }
0x2f: {  	lr =	sadd.s32 s0, s3;
	s0 =	sld [smem:$0x3FAE]  }
0x30: {  	s3 =	sld [smem:$0x3FB1]  }
0x31: {  	[smem:$0x3FBA] =	sst s10  }
0x32: {  	s10 =	sld [smem:$0x3FB8];
	_ =	sdelay $0x3  }
0x33: {  	p0 =	seq.s32 s10, $0x1;
	s10 =	sld [smem:$0x3FBA];
	_ =	sdelay $0x3  }
0x34: {  	[smem:$0x3FBA] =	sst s10  }
0x35: {  	s10 =	sld [smem:$0x3FB9];
	_ =	sdelay $0x3  }
0x36: {  	p1 =	seq.s32 s10, $0x1;
	s10 =	sld [smem:$0x3FBA];
	_ =	sdelay $0x3  }
0x37: {  	[smem:$0x3FBA] =	sst s10  }
0x38: {  	s10 =	sld [smem:$0x3FBB]  }
0x39: {  	_ = 	snop;
	(pc) =	sbr.ind lr, $3  }
0x3a: {  	_ = 	snop  }
0x3b: {  	_ = 	snop  }
0x3c: {  	p2 =	seq.s32 s10, $0x1;
	s10 =	sld [smem:$0x3FBA]  }
0x3d: {  	_ =	shalt  }
0x3e: {  	_ =	shalt  }
0x3f: {  	_ =	shalt  }
0x40: {  	_ =	shalt  }
0x41: {  	_ =	shalt  }
0x42: {  	_ =	shalt  }
0x43: {  	_ =	shalt  }
0x44: {  	_ =	shalt  }
0x45: {  	_ =	shalt  }
0x46: {  	_ =	shalt  }
0x47: {  	_ =	shalt  }
0x48: {  	_ =	shalt  }
0x49: {  	_ =	shalt  }
0x4a: {  	_ =	shalt  }
0x4b: {  	_ =	shalt  }
0x4c: {  	_ =	shalt  }
0x4d: {  	_ =	shalt  }
0x4e: {  	_ =	shalt  }
0x4f: {  	_ =	shalt  }
0x50: {  	_ =	shalt  }
0x51: {  	_ =	shalt  }
0x52: {  	_ =	shalt  }
0x53: {  	_ =	shalt  }
0x54: {  	_ =	shalt  }
0x55: {  	_ =	shalt  }
0x56: {  	_ =	shalt  }
0x57: {  	_ =	shalt  }
0x58: {  	_ =	shalt  }
0x59: {  	_ =	shalt  }
0x5a: {  	_ =	shalt  }
0x5b: {  	_ =	shalt  }
0x5c: {  	_ =	shalt  }
0x5d: {  	_ =	shalt  }
0x5e: {  	_ =	shalt  }
0x5f: {  	_ =	shalt  }
0x60: {  	_ =	shalt  }
0x61: {  	_ =	shalt  }
0x62: {  	_ =	shalt  }
0x63: {  	_ =	shalt  }
0x64: {  	_ =	shalt  }
0x65: {  	_ =	shalt  }
0x66: {  	_ =	shalt  }
0x67: {  	_ =	shalt  }
0x68: {  	_ =	shalt  }
0x69: {  	_ =	shalt  }
0x6a: {  	_ =	shalt  }
0x6b: {  	_ =	shalt  }
0x6c: {  	_ =	shalt  }
0x6d: {  	_ =	shalt  }
0x6e: {  	_ =	shalt  }
0x6f: {  	_ =	shalt  }
0x70: {  	_ =	shalt  }
0x71: {  	_ =	shalt  }
0x72: {  	_ =	shalt  }
0x73: {  	_ =	shalt  }
0x74: {  	_ =	shalt  }
0x75: {  	_ =	shalt  }
0x76: {  	_ =	shalt  }
0x77: {  	_ =	shalt  }
0x78: {  	_ =	shalt  }
0x79: {  	_ =	shalt  }
0x7a: {  	_ =	shalt  }
0x7b: {  	_ =	shalt  }
0x7c: {  	_ =	shalt  }
0x7d: {  	_ =	shalt  }
0x7e: {  	_ =	shalt  }
0x7f: {  	_ =	shalt  }
0x80: {  	_ =	shalt  }
0x81: {  	_ =	shalt  }
0x82: {  	_ =	shalt  }
0x83: {  	_ =	shalt  }
0x84: {  	_ =	shalt  }
0x85: {  	_ =	shalt  }
0x86: {  	_ =	shalt  }
0x87: {  	_ =	shalt  }
.Lfunc_end0:
.L_simem_size_0:
called_computation_lowered:
.L_overlay_start_0:
0x88: {  	s2 =	sld [smem:$0x3FD9]  }
0x89: {  	s3 =	sld [smem:$0x3FFE];
	_ =	sdelay $0x1  }
0x8a: {  	s1 =	srdreg.scid  }
0x8b: {  	s0 =	sand.u32 $0x1, s1  }
0x8c: {  	s17 =	sshll.u32 s0, $0xA;
	s2 =	sadd.s32 s3, s2  }
0x8d: {  	s2 =	sadd.s32 s2, s17  }
0x8e: {  	[smem:$0x3FC6] =	sst s2  }
0x8f: {  	_ = 	snop  }
0x90: {  	s2 =	sld [smem:$0x3FC9]  }
0x91: {  	s18 =	sld [smem:$0x3FC8];
	(tm) =	ssettm $0x1  }
0x92: {  	s4 =	sld [smem:$0x3FFB];
	_ =	sdelay $0x3  }
0x93: {  	_ =	strace s4  }
0x94: {  	s4 =	sld [smem:$0x3FFC];
	_ =	sdelay $0x3  }
0x95: {  	_ =	strace s4  }
0x96: {  	s4 =	sld [smem:$0x3FFD];
	_ =	sdelay $0x3  }
0x97: {  	_ =	strace s4  }
0x98: {  	_ =	strace $0x8FFFFFFF  }
0x99: {  	s19 =	sld [smem:$0x3FDB];
	_ =	sdelay $0x1  }
0x9a: {  	s5 =	simm.s32 $_scs_section_size  }
0x9b: {  	s6 =	simm.s32 $_size__tile_overlayer_lowered;
	s7 =	simm.s32 $_tile_overlayer_lowered  }
0x9c: {  	s22 =	simm.s32 $0x1BFF;
	s21 =	sshll.u32 s7, $0x1;
	s4 =	sadd.s32 s5, s19  }
0x9d: {  	s8 =	simm.s32 $0x0;
	s20 =	sshll.u32 s6, $0x1;
	s6 =	sadd.s32 s21, s4  }
0x9e: {  	[timem:s8], [sflag:s22] =	dma.local [hbm:s6], s20  }
0x9f: {  	_ =	swait.ge [sflag:s22], s20  }
0xa0: {  	s5 =	ssub.s32 $0x0, s20;
	[sflag:s22] =	ssyncset.done $0x0  }
0xa1: {  	[sflag:s22] =	ssyncadd.s32 s5;
	_ =	sdelay $0x1  }
0xa2: {  	s23 =	simm.s32 $0x1B8B  }
0xa3: {  	_ =	swait.ge [sflag:s23], $0x1  }
0xa4: {  	[sflag:s23] =	ssyncset.done $0x0  }
0xa5: {  	s25 =	simm.s32 $0x1B8E;
	s24 =	sld [smem:$0x3FFE];
	[sflag:s23] =	ssyncadd.s32 $0xFFFFFFFF  }
0xa6: {  	s26 =	simm.s32 $execute0_lowered;
	[smem:$0x3FD2] =	sst s25  }
0xa7: {  	s6 =	sshll.u32 s26, $0x1;
	_ =	strace $0x80000046;
	[dreg:$0x1] =	wrdreg $0xFFFFFFFF  }
0xa8: {  	s28 =	simm.s32 $_size_execute0_lowered;
	s4 =	sadd.s32 s4, s6;
	[dreg:$0x0] =	wrdreg $0x0  }
0xa9: {  	s6 =	sshll.u32 s28, $0x1;
	[dreg:$0x2] =	wrdreg s4  }
0xaa: {  	[dreg:$0x3] =	wrdreg s6  }
0xab: {  	[dreg:$0x4] =	wrdreg $0xC0  }
0xac: {  	_ =	task [dreg:s8], $0x5FFFF  }
0xad: {  	[dreg:$0x1] =	wrdreg $0xFFFFFFFF  }
0xae: {  	[dreg:$0x0] =	wrdreg $0x60  }
0xaf: {  	[dreg:$0x2] =	wrdreg s2  }
0xb0: {  	[dreg:$0x3] =	wrdreg s18  }
0xb1: {  	[dreg:$0x4] =	wrdreg s24  }
0xb2: {  	[dreg:$0x5] =	wrdreg $0x9  }
0xb3: {  	_ =	task.clear_ibuf [dreg:s8], $0x6FFFF;
	_ =	strace $0x90000046  }
0xb4: {  	s29 =	simm.s32 $0x9;
	_ =	strace $0x80000048  }
0xb5: {  	_ =	swait.ge [sflag:s29], $0x1  }
0xb6: {  	[sflag:s29] =	ssyncadd.s32 $0xFFFFFFFF  }
0xb7: {  	_ =	strace $0x90000048  }
0xb8: {  	_ =	sfence  }
0xb9: {  	s30 =	sld [smem:$0x0];
	_ =	sdelay $0x2  }
0xba: {  	s31 =	sshll.u32 s1, $0xD;
	s1 =	sshrl.u32 s1, $0x2  }
0xbb: {  	s3 =	sand.u32 $0x4000, s31;
	s1 =	sadd.s32 s1, s30  }
0xbc: {  	s0 =	sor.u32 s3, s0;
	s1 =	sshll.u32 s1, $0x11  }
0xbd: {  	s0 =	sor.u32 s1, s0  }
0xbe: {  	s0 =	sadd.s32 $0x8F2B, s0  }
0xbf: {  	[sflag:s0] =	ssyncadd.remote.s32 $0x1  }
0xc0: {  	_ =	sfence.sel $0xFFFF  }
0xc1: {  	[dreg:$0x0] =	wrdreg $0xFFFFFFFF;
	(pc) =	sbr.abs _section_cstart, $3  }
0xc2: {  	[dreg:$0x1] =	wrdreg $0xFFFFFFFF  }
0xc3: {  	_ =	task.clear_ibuf [dreg:s8], $0x2FFFF;
	_ =	strace $0x9FFFFFFF  }
0xc4: {  	(tm) =	ssettm $0x7FFFFFFF  }
0xc5: {  	_ =	shalt  }
tec
execute0_lowered:
.L_overlay_start_1:
0x0: {  	(tag) =	ssettag $0x1  }
0x1: {  	s0 =	rddreg [dreg:$0x0]  }
0x2: {  	s1 =	rddreg [dreg:$0x1];
	s2 =	srdreg.scid  }
0x3: {  	s10 =	stileid.u32;
	s3 =	rddreg [dreg:$0x2];
	s11 =	simm.s32 $0x1C00  }
0x4: {  	s28 =	simm.s32 $0x9880;
	s29 =	simm.s32 $0x9680;
	s30 =	simm.s32 $0x9780  }
0x5: {  	s31 =	simm.s32 $0x9700;
	s12 =	simm.s32 $0x9A80;
	s13 =	simm.s32 $0x9B00  }
0x6: {  	s14 =	simm.s32 $0x9B80;
	s15 =	simm.s32 $0x1;
	s16 =	simm.s32 $0xDC00  }
0x7: {  	s17 =	simm.s32 $0xDC80;
	s18 =	simm.s32 $0x0;
	s4 =	sand.u32 $0x1, s2  }
0x8: {  	s5 =	sshll.u32 s10, $0x1;
	s2 =	simm.s32 $0x0;
	s24 =	smul.u32 $0x1C00, s10  }
0x9: {  	s10 =	simm.s32 $0x2;
	s5 =	sor.u32 s4, s5;
	s26 =	smul.u32 $0xE00, s4  }
0xa: {  	[smem:$0x7FF] =	sst s2;
	s21 =	ssub.s32 $0x2, s4;
	s7 =	smul.u32 $0xE00, s5  }
0xb: {  	s6 =	sshll.u32 s5, $0x4;
	s22 =	sshrl.u32 s21, $0x1;
	s5 =	smul.u32 $0x7000, s5  }
0xc: {  	v0 =	vimm.s32 $0x0;
	v1 =	vlaneseq.u32;
	_ =	strace $0x80000047;
	s8 =	sadd.s32 s6, s3;
	s9 =	ssub.s32 s21, s22  }
0xd: {  	v2 =	vimm.s32 $0x7;
	v3 =	vimm.s32 $0xA;
	vm0 =	vmmov $0x1;
	s7 =	sadd.s32 $0x4000, s7;
	s25 =	sshrl.u32 s5, $0x3;
	s6 =	sadd.s32 $0xA00, s8  }
.Ltmp0:
0xe: {  	v5 =	vimm.s32 $0x1;
	v6 =	vimm.s32 $0x2;
	v7 =	vimm.s32 $0x3;
	s23 =	sshrl.u32 s7, $0x3;
	s4 =	sadd.s32 s0, s7;
	(pc) =	sbr.rel .LBB2_1-.Ltmp0, $4  }
0xf: {  	v8 =	vimm.s32 $0x4;
	v9 =	vimm.s32 $0x5;
	v10 =	vimm.s32 $0x6;
	s7 =	sadd.s32 $0xC00, s8;
	s8 =	smax.u32 s9, $0x1;
	s3 =	sadd.s32 s1, s23  }
0x10: {  	v11 =	vimm.s32 $0x8;
	v12 =	vimm.s32 $0x9;
	v13 =	vimm.s32 $0xB;
	s1 =	sadd.s32 s0, s25;
	s0 =	sadd.s32 s24, s0;
	s25 =	simm.s32 $0x9800  }
0x11: {  	v14 =	vimm.s32 $0xC;
	v15 =	vimm.s32 $0xD;
	v16 =	vimm.s32 $0xE;
	s5 =	sadd.s32 $0x4080, s1;
	s0 =	sadd.s32 s26, s0;
	s26 =	simm.s32 $0x9900  }
0x12: {  	v17 =	vimm.s32 $0xF;
	v18 =	vimm.f32 $1.000000000e+00;
	v4 =	vmul.u32 $0x8, v1;
	s1 =	simm.s32 $0x9600;
	s21 =	sadd.s32 $0x4100, s0;
	s0 =	simm.s32 $0x9580  }
.LBB2_5:
0x13: {  	[tilespmem:$0xDC00] =	vst v20  }
0x14: {  	[tilespmem:$0xDC80] =	vst v19  }
0x15: {  	[hbm4b:s6+s2] =	stream.linear.scatter [tilespmem:s16], [sflag:$0x2], $0x80, $0x38;
	[tilespmem:$0xDD00] =	vst v63  }
0x16: {  	s18 =	sadd.s32 $0x1, s18;
	_ =	swait.ge [sflag:s10], $0x80  }
0x17: {  	p0 =	sne.s32 s18, s8;
	[sflag:s10] =	ssyncset.done $0x0  }
.Ltmp1:
0x18: {  	[sflag:s10] =	ssyncadd.s32 $0xFFFFFF80;
	(pc) =	sbr.rel @!p0 .LBB2_6-.Ltmp1, $4  }
0x19: {  	[hbm4b:s7+s2] =	stream.linear.scatter [tilespmem:s17], [sflag:$0x2], $0x80, $0x38;
	[tilespmem:$0xDD00] =	vst v63  }
0x1a: {  	_ =	swait.ge [sflag:s10], $0x80  }
0x1b: {  	[sflag:s10] =	ssyncset.done $0x0  }
0x1c: {  	[sflag:s10] =	ssyncadd.s32 $0xFFFFFF80  }
.LBB2_1:
0x1d: {  	[tilespmem:s2], [sflag:$0x2] =	stream.linear.gather [hbm4b:s3+s2], $0xE00, $0x38;
	[tilespmem:$0xDD00] =	vst v63  }
0x1e: {  	_ =	swait.ge [sflag:s10], $0xE00  }
0x1f: {  	[sflag:s10] =	ssyncset.done $0x0  }
0x20: {  	[sflag:s10] =	ssyncadd.s32 $0xFFFFF200  }
0x21: {  	v19 =	vld [tilespmem:$0x0];
	_ =	sdelay $0x1  }
0x22: {  	v21 =	vld [tilespmem:$0x20]  }
0x23: {  	v20 =	vld [tilespmem:$0x10]  }
0x24: {  	v22 =	vld [tilespmem:$0x30]  }
0x25: {  	v23 =	vld [tilespmem:$0x40];
	vm1 =	veq.s32 v19, $0xFFFFFFFF  }
0x26: {  	v24 =	vld [tilespmem:$0x50];
	v19 =	vsel vm1, $0x0, v19  }
0x27: {  	v25 =	vld [tilespmem:$0x60];
	vm2 =	veq.s32 v21, $0xFFFFFFFF;
	v26 =	vshll.u32 v19, $0xA  }
0x28: {  	vm1 =	veq.s32 v20, $0xFFFFFFFF;
	v27 =	vand.u32 $0x7, v19;
	v26 =	vand.u32 $0xFFFFE000, v26  }
0x29: {  	[tilespmem:$0xE00] =	vst v19;
	v19 =	vsel vm1, $0x0, v20;
	v20 =	vsel vm2, $0x0, v21;
	v21 =	vld [tilespmem:$0x70];
	v26 =	vor.u32 v27, v26  }
0x2a: {  	vm1 =	veq.s32 v22, $0xFFFFFFFF;
	vm2 =	veq.s32 v23, $0xFFFFFFFF;
	[tilespmem:$0xE10] =	vst v19;
	v19 =	vperm.xlane v26, v0  }
0x2b: {  	[tilespmem:$0xE20] =	vst v20;
	v20 =	vsel vm1, $0x0, v22;
	v22 =	vsel vm2, $0x0, v23;
	vm1 =	veq.s32 v24, $0xFFFFFFFF  }
0x2c: {  	vm2 =	veq.s32 v25, $0xFFFFFFFF;
	[tilespmem:$0xE30] =	vst v20;
	v20 =	vperm.xlane v26, v5;
	v19 =	vadd.s32 v4, v19  }
0x2d: {  	[tilespmem:$0xE40] =	vst v22;
	v22 =	vsel vm1, $0x0, v24;
	v23 =	vsel vm2, $0x0, v25  }
0x2e: {  	[tilespmem:$0xE50] =	vst v22;
	v22 =	vperm.xlane v26, v6;
	vm1 =	veq.s32 v21, $0xFFFFFFFF;
	v20 =	vadd.s32 v4, v20  }
0x2f: {  	[tilespmem:$0xE60] =	vst v23;
	v21 =	vsel vm1, $0x0, v21  }
0x30: {  	[tilespmem:$0xE70] =	vst v21;
	v21 =	vadd.s32 v4, v22;
	v22 =	vperm.xlane v26, v7  }
0x31: {  	[tilespmem:s11], [sflag:$0x1] =	stream.indirect_vreg.gather [hbm4b:s4+s2], $0x80, v19, vm0, $0xb8;
	[tilespmem:$0xDD00] =	vst v63  }
0x32: {  	s9 =	simm.s32 $0x1C80;
	v19 =	vadd.s32 v4, v22;
	v22 =	vperm.xlane v26, v8  }
0x33: {  	[tilespmem:s9], [sflag:$0x1] =	stream.indirect_vreg.gather [hbm4b:s4+s2], $0x80, v20, vm0, $0xb8;
	[tilespmem:$0xDD00] =	vst v63  }
0x34: {  	s22 =	simm.s32 $0x1D00;
	v20 =	vadd.s32 v4, v22;
	v22 =	vperm.xlane v26, v9  }
0x35: {  	[tilespmem:s22], [sflag:$0x1] =	stream.indirect_vreg.gather [hbm4b:s4+s2], $0x80, v21, vm0, $0xb8;
	[tilespmem:$0xDD00] =	vst v63  }
0x36: {  	s23 =	simm.s32 $0x1D80;
	v21 =	vadd.s32 v4, v22;
	v22 =	vperm.xlane v26, v10  }
0x37: {  	[tilespmem:s23], [sflag:$0x1] =	stream.indirect_vreg.gather [hbm4b:s4+s2], $0x80, v19, vm0, $0xb8;
	[tilespmem:$0xDD00] =	vst v63  }
0x38: {  	s24 =	simm.s32 $0x1E00;
	v19 =	vadd.s32 v4, v22;
	v22 =	vperm.xlane v26, v2  }
0x39: {  	[tilespmem:s24], [sflag:$0x1] =	stream.indirect_vreg.gather [hbm4b:s4+s2], $0x80, v20, vm0, $0xb8;
	[tilespmem:$0xDD00] =	vst v63  }
0x3a: {  	s19 =	simm.s32 $0x1E80;
	v20 =	vadd.s32 v4, v22;
	v22 =	vperm.xlane v26, v11  }
0x3b: {  	[tilespmem:s19], [sflag:$0x1] =	stream.indirect_vreg.gather [hbm4b:s4+s2], $0x80, v21, vm0, $0xb8;
	[tilespmem:$0xDD00] =	vst v63  }
0x3c: {  	s20 =	simm.s32 $0x1F00;
	v21 =	vadd.s32 v4, v22;
	v22 =	vperm.xlane v26, v12  }
0x3d: {  	[tilespmem:s20], [sflag:$0x1] =	stream.indirect_vreg.gather [hbm4b:s4+s2], $0x80, v19, vm0, $0xb8;
	[tilespmem:$0xDD00] =	vst v63  }
0x3e: {  	s22 =	simm.s32 $0x1F80;
	v19 =	vadd.s32 v4, v22;
	v22 =	vperm.xlane v26, v3  }
0x3f: {  	[tilespmem:s22], [sflag:$0x1] =	stream.indirect_vreg.gather [hbm4b:s4+s2], $0x80, v20, vm0, $0xb8;
	[tilespmem:$0xDD00] =	vst v63  }
0x40: {  	s23 =	simm.s32 $0x2000;
	v20 =	vadd.s32 v4, v22;
	v22 =	vperm.xlane v26, v13  }
0x41: {  	[tilespmem:s23], [sflag:$0x1] =	stream.indirect_vreg.gather [hbm4b:s4+s2], $0x80, v21, vm0, $0xb8;
	[tilespmem:$0xDD00] =	vst v63  }
0x42: {  	s24 =	simm.s32 $0x2080;
	v21 =	vadd.s32 v4, v22;
	v22 =	vperm.xlane v26, v14  }
0x43: {  	[tilespmem:s24], [sflag:$0x1] =	stream.indirect_vreg.gather [hbm4b:s4+s2], $0x80, v19, vm0, $0xb8;
	[tilespmem:$0xDD00] =	vst v63  }
0x44: {  	s19 =	simm.s32 $0x2100;
	v19 =	vadd.s32 v4, v22;
	v22 =	vperm.xlane v26, v15  }
0x45: {  	[tilespmem:s19], [sflag:$0x1] =	stream.indirect_vreg.gather [hbm4b:s4+s2], $0x80, v20, vm0, $0xb8;
	[tilespmem:$0xDD00] =	vst v63  }
0x46: {  	s20 =	simm.s32 $0x2180;
	v20 =	vadd.s32 v4, v22;
	v22 =	vperm.xlane v26, v16  }
0x47: {  	[tilespmem:s20], [sflag:$0x1] =	stream.indirect_vreg.gather [hbm4b:s4+s2], $0x80, v21, vm0, $0xb8;
	[tilespmem:$0xDD00] =	vst v63  }
0x48: {  	s22 =	simm.s32 $0x2200;
	v21 =	vadd.s32 v4, v22;
	v22 =	vperm.xlane v26, v17  }
0x49: {  	[tilespmem:s22], [sflag:$0x1] =	stream.indirect_vreg.gather [hbm4b:s4+s2], $0x80, v19, vm0, $0xb8;
	[tilespmem:$0xDD00] =	vst v63  }
0x4a: {  	s23 =	simm.s32 $0x2280;
	v19 =	vadd.s32 v4, v22  }
0x4b: {  	[tilespmem:s23], [sflag:$0x1] =	stream.indirect_vreg.gather [hbm4b:s4+s2], $0x80, v20, vm0, $0xb8;
	[tilespmem:$0xDD00] =	vst v63  }
0x4c: {  	s24 =	simm.s32 $0x2300  }
0x4d: {  	[tilespmem:s24], [sflag:$0x1] =	stream.indirect_vreg.gather [hbm4b:s4+s2], $0x80, v21, vm0, $0xb8;
	[tilespmem:$0xDD00] =	vst v63  }
0x4e: {  	s19 =	simm.s32 $0x2380  }
0x4f: {  	[tilespmem:s19], [sflag:$0x1] =	stream.indirect_vreg.gather [hbm4b:s4+s2], $0x80, v19, vm0, $0xb8;
	[tilespmem:$0xDD00] =	vst v63  }
0x50: {  	v19 =	vld [tilespmem:$0xE10];
	_ =	sdelay $0x4  }
0x51: {  	v20 =	vshll.u32 v19, $0xA  }
0x52: {  	v19 =	vand.u32 $0x7, v19;
	v20 =	vand.u32 $0xFFFFE000, v20  }
0x53: {  	v19 =	vor.u32 v19, v20  }
0x54: {  	v20 =	vperm.xlane v19, v0;
	_ =	sdelay $0x1  }
0x55: {  	v21 =	vperm.xlane v19, v5;
	v20 =	vadd.s32 v4, v20;
	_ =	sdelay $0x1  }
0x56: {  	v22 =	vperm.xlane v19, v6;
	v21 =	vadd.s32 v4, v21;
	_ =	sdelay $0x1  }
0x57: {  	s20 =	simm.s32 $0x2400;
	v23 =	vperm.xlane v19, v7;
	v22 =	vadd.s32 v4, v22  }
0x58: {  	[tilespmem:s20], [sflag:$0x1] =	stream.indirect_vreg.gather [hbm4b:s4+s2], $0x80, v20, vm0, $0xb8;
	[tilespmem:$0xDD00] =	vst v63  }
0x59: {  	s22 =	simm.s32 $0x2480;
	v20 =	vadd.s32 v4, v23;
	v23 =	vperm.xlane v19, v8  }
0x5a: {  	[tilespmem:s22], [sflag:$0x1] =	stream.indirect_vreg.gather [hbm4b:s4+s2], $0x80, v21, vm0, $0xb8;
	[tilespmem:$0xDD00] =	vst v63  }
0x5b: {  	s23 =	simm.s32 $0x2500;
	v21 =	vadd.s32 v4, v23;
	v23 =	vperm.xlane v19, v9  }
0x5c: {  	[tilespmem:s23], [sflag:$0x1] =	stream.indirect_vreg.gather [hbm4b:s4+s2], $0x80, v22, vm0, $0xb8;
	[tilespmem:$0xDD00] =	vst v63  }
0x5d: {  	s24 =	simm.s32 $0x2580;
	v22 =	vadd.s32 v4, v23;
	v23 =	vperm.xlane v19, v10  }
0x5e: {  	[tilespmem:s24], [sflag:$0x1] =	stream.indirect_vreg.gather [hbm4b:s4+s2], $0x80, v20, vm0, $0xb8;
	[tilespmem:$0xDD00] =	vst v63  }
0x5f: {  	s19 =	simm.s32 $0x2600;
	v20 =	vadd.s32 v4, v23;
	v23 =	vperm.xlane v19, v2  }
0x60: {  	[tilespmem:s19], [sflag:$0x1] =	stream.indirect_vreg.gather [hbm4b:s4+s2], $0x80, v21, vm0, $0xb8;
	[tilespmem:$0xDD00] =	vst v63  }
0x61: {  	s20 =	simm.s32 $0x2680;
	v21 =	vadd.s32 v4, v23;
	v23 =	vperm.xlane v19, v11  }
0x62: {  	[tilespmem:s20], [sflag:$0x1] =	stream.indirect_vreg.gather [hbm4b:s4+s2], $0x80, v22, vm0, $0xb8;
	[tilespmem:$0xDD00] =	vst v63  }
0x63: {  	s22 =	simm.s32 $0x2700;
	v22 =	vadd.s32 v4, v23;
	v23 =	vperm.xlane v19, v12  }
0x64: {  	[tilespmem:s22], [sflag:$0x1] =	stream.indirect_vreg.gather [hbm4b:s4+s2], $0x80, v20, vm0, $0xb8;
	[tilespmem:$0xDD00] =	vst v63  }
0x65: {  	s23 =	simm.s32 $0x2780;
	v20 =	vadd.s32 v4, v23;
	v23 =	vperm.xlane v19, v3  }
0x66: {  	[tilespmem:s23], [sflag:$0x1] =	stream.indirect_vreg.gather [hbm4b:s4+s2], $0x80, v21, vm0, $0xb8;
	[tilespmem:$0xDD00] =	vst v63  }
0x67: {  	s24 =	simm.s32 $0x2800;
	v21 =	vadd.s32 v4, v23;
	v23 =	vperm.xlane v19, v13  }
0x68: {  	[tilespmem:s24], [sflag:$0x1] =	stream.indirect_vreg.gather [hbm4b:s4+s2], $0x80, v22, vm0, $0xb8;
	[tilespmem:$0xDD00] =	vst v63  }
0x69: {  	s19 =	simm.s32 $0x2880;
	v22 =	vadd.s32 v4, v23;
	v23 =	vperm.xlane v19, v14  }
0x6a: {  	[tilespmem:s19], [sflag:$0x1] =	stream.indirect_vreg.gather [hbm4b:s4+s2], $0x80, v20, vm0, $0xb8;
	[tilespmem:$0xDD00] =	vst v63  }
0x6b: {  	s20 =	simm.s32 $0x2900;
	v20 =	vadd.s32 v4, v23;
	v23 =	vperm.xlane v19, v15  }
0x6c: {  	[tilespmem:s20], [sflag:$0x1] =	stream.indirect_vreg.gather [hbm4b:s4+s2], $0x80, v21, vm0, $0xb8;
	[tilespmem:$0xDD00] =	vst v63  }
0x6d: {  	s22 =	simm.s32 $0x2980;
	v21 =	vadd.s32 v4, v23;
	v23 =	vperm.xlane v19, v16  }
0x6e: {  	[tilespmem:s22], [sflag:$0x1] =	stream.indirect_vreg.gather [hbm4b:s4+s2], $0x80, v22, vm0, $0xb8;
	[tilespmem:$0xDD00] =	vst v63  }
0x6f: {  	s23 =	simm.s32 $0x2A00;
	v19 =	vperm.xlane v19, v17;
	v22 =	vadd.s32 v4, v23  }
0x70: {  	[tilespmem:s23], [sflag:$0x1] =	stream.indirect_vreg.gather [hbm4b:s4+s2], $0x80, v20, vm0, $0xb8;
	[tilespmem:$0xDD00] =	vst v63  }
0x71: {  	s24 =	simm.s32 $0x2A80;
	v19 =	vadd.s32 v4, v19  }
0x72: {  	[tilespmem:s24], [sflag:$0x1] =	stream.indirect_vreg.gather [hbm4b:s4+s2], $0x80, v21, vm0, $0xb8;
	[tilespmem:$0xDD00] =	vst v63  }
0x73: {  	s19 =	simm.s32 $0x2B00  }
0x74: {  	[tilespmem:s19], [sflag:$0x1] =	stream.indirect_vreg.gather [hbm4b:s4+s2], $0x80, v22, vm0, $0xb8;
	[tilespmem:$0xDD00] =	vst v63  }
0x75: {  	s20 =	simm.s32 $0x2B80  }
0x76: {  	[tilespmem:s20], [sflag:$0x1] =	stream.indirect_vreg.gather [hbm4b:s4+s2], $0x80, v19, vm0, $0xb8;
	[tilespmem:$0xDD00] =	vst v63  }
0x77: {  	v19 =	vld [tilespmem:$0xE20];
	_ =	sdelay $0x4  }
0x78: {  	v20 =	vshll.u32 v19, $0xA  }
0x79: {  	v19 =	vand.u32 $0x7, v19;
	v20 =	vand.u32 $0xFFFFE000, v20  }
0x7a: {  	v19 =	vor.u32 v19, v20  }
0x7b: {  	v20 =	vperm.xlane v19, v0;
	_ =	sdelay $0x1  }
0x7c: {  	v21 =	vperm.xlane v19, v5;
	v20 =	vadd.s32 v4, v20;
	_ =	sdelay $0x1  }
0x7d: {  	v22 =	vperm.xlane v19, v6;
	v21 =	vadd.s32 v4, v21;
	_ =	sdelay $0x1  }
0x7e: {  	s22 =	simm.s32 $0x2C00;
	v23 =	vperm.xlane v19, v7;
	v22 =	vadd.s32 v4, v22  }
0x7f: {  	[tilespmem:s22], [sflag:$0x1] =	stream.indirect_vreg.gather [hbm4b:s4+s2], $0x80, v20, vm0, $0xb8;
	[tilespmem:$0xDD00] =	vst v63  }
0x80: {  	s23 =	simm.s32 $0x2C80;
	v20 =	vadd.s32 v4, v23;
	v23 =	vperm.xlane v19, v8  }
0x81: {  	[tilespmem:s23], [sflag:$0x1] =	stream.indirect_vreg.gather [hbm4b:s4+s2], $0x80, v21, vm0, $0xb8;
	[tilespmem:$0xDD00] =	vst v63  }
0x82: {  	s24 =	simm.s32 $0x2D00;
	v21 =	vadd.s32 v4, v23;
	v23 =	vperm.xlane v19, v9  }
0x83: {  	[tilespmem:s24], [sflag:$0x1] =	stream.indirect_vreg.gather [hbm4b:s4+s2], $0x80, v22, vm0, $0xb8;
	[tilespmem:$0xDD00] =	vst v63  }
0x84: {  	s19 =	simm.s32 $0x2D80;
	v22 =	vadd.s32 v4, v23;
	v23 =	vperm.xlane v19, v10  }
0x85: {  	[tilespmem:s19], [sflag:$0x1] =	stream.indirect_vreg.gather [hbm4b:s4+s2], $0x80, v20, vm0, $0xb8;
	[tilespmem:$0xDD00] =	vst v63  }
0x86: {  	s20 =	simm.s32 $0x2E00;
	v20 =	vadd.s32 v4, v23;
	v23 =	vperm.xlane v19, v2  }
0x87: {  	[tilespmem:s20], [sflag:$0x1] =	stream.indirect_vreg.gather [hbm4b:s4+s2], $0x80, v21, vm0, $0xb8;
	[tilespmem:$0xDD00] =	vst v63  }
0x88: {  	s22 =	simm.s32 $0x2E80;
	v21 =	vadd.s32 v4, v23;
	v23 =	vperm.xlane v19, v11  }
0x89: {  	[tilespmem:s22], [sflag:$0x1] =	stream.indirect_vreg.gather [hbm4b:s4+s2], $0x80, v22, vm0, $0xb8;
	[tilespmem:$0xDD00] =	vst v63  }
0x8a: {  	s23 =	simm.s32 $0x2F00;
	v22 =	vadd.s32 v4, v23;
	v23 =	vperm.xlane v19, v12  }
0x8b: {  	[tilespmem:s23], [sflag:$0x1] =	stream.indirect_vreg.gather [hbm4b:s4+s2], $0x80, v20, vm0, $0xb8;
	[tilespmem:$0xDD00] =	vst v63  }
0x8c: {  	s24 =	simm.s32 $0x2F80;
	v20 =	vadd.s32 v4, v23;
	v23 =	vperm.xlane v19, v3  }
0x8d: {  	[tilespmem:s24], [sflag:$0x1] =	stream.indirect_vreg.gather [hbm4b:s4+s2], $0x80, v21, vm0, $0xb8;
	[tilespmem:$0xDD00] =	vst v63  }
0x8e: {  	s19 =	simm.s32 $0x3000;
	v21 =	vadd.s32 v4, v23;
	v23 =	vperm.xlane v19, v13  }
0x8f: {  	[tilespmem:s19], [sflag:$0x1] =	stream.indirect_vreg.gather [hbm4b:s4+s2], $0x80, v22, vm0, $0xb8;
	[tilespmem:$0xDD00] =	vst v63  }
0x90: {  	s20 =	simm.s32 $0x3080;
	v22 =	vadd.s32 v4, v23;
	v23 =	vperm.xlane v19, v14  }
0x91: {  	[tilespmem:s20], [sflag:$0x1] =	stream.indirect_vreg.gather [hbm4b:s4+s2], $0x80, v20, vm0, $0xb8;
	[tilespmem:$0xDD00] =	vst v63  }
0x92: {  	s22 =	simm.s32 $0x3100;
	v20 =	vadd.s32 v4, v23;
	v23 =	vperm.xlane v19, v15  }
0x93: {  	[tilespmem:s22], [sflag:$0x1] =	stream.indirect_vreg.gather [hbm4b:s4+s2], $0x80, v21, vm0, $0xb8;
	[tilespmem:$0xDD00] =	vst v63  }
0x94: {  	s23 =	simm.s32 $0x3180;
	v21 =	vadd.s32 v4, v23;
	v23 =	vperm.xlane v19, v16  }
0x95: {  	[tilespmem:s23], [sflag:$0x1] =	stream.indirect_vreg.gather [hbm4b:s4+s2], $0x80, v22, vm0, $0xb8;
	[tilespmem:$0xDD00] =	vst v63  }
0x96: {  	s24 =	simm.s32 $0x3200;
	v19 =	vperm.xlane v19, v17;
	v22 =	vadd.s32 v4, v23  }
0x97: {  	[tilespmem:s24], [sflag:$0x1] =	stream.indirect_vreg.gather [hbm4b:s4+s2], $0x80, v20, vm0, $0xb8;
	[tilespmem:$0xDD00] =	vst v63  }
0x98: {  	s19 =	simm.s32 $0x3280;
	v19 =	vadd.s32 v4, v19  }
0x99: {  	[tilespmem:s19], [sflag:$0x1] =	stream.indirect_vreg.gather [hbm4b:s4+s2], $0x80, v21, vm0, $0xb8;
	[tilespmem:$0xDD00] =	vst v63  }
0x9a: {  	s20 =	simm.s32 $0x3300  }
0x9b: {  	[tilespmem:s20], [sflag:$0x1] =	stream.indirect_vreg.gather [hbm4b:s4+s2], $0x80, v22, vm0, $0xb8;
	[tilespmem:$0xDD00] =	vst v63  }
0x9c: {  	s22 =	simm.s32 $0x3380  }
0x9d: {  	[tilespmem:s22], [sflag:$0x1] =	stream.indirect_vreg.gather [hbm4b:s4+s2], $0x80, v19, vm0, $0xb8;
	[tilespmem:$0xDD00] =	vst v63  }
0x9e: {  	v19 =	vld [tilespmem:$0xE30];
	_ =	sdelay $0x4  }
0x9f: {  	v20 =	vshll.u32 v19, $0xA  }
0xa0: {  	v19 =	vand.u32 $0x7, v19;
	v20 =	vand.u32 $0xFFFFE000, v20  }
0xa1: {  	v19 =	vor.u32 v19, v20  }
0xa2: {  	v20 =	vperm.xlane v19, v0;
	_ =	sdelay $0x1  }
0xa3: {  	v21 =	vperm.xlane v19, v5;
	v20 =	vadd.s32 v4, v20;
	_ =	sdelay $0x1  }
0xa4: {  	v22 =	vperm.xlane v19, v6;
	v21 =	vadd.s32 v4, v21;
	_ =	sdelay $0x1  }
0xa5: {  	s23 =	simm.s32 $0x3400;
	v23 =	vperm.xlane v19, v7;
	v22 =	vadd.s32 v4, v22  }
0xa6: {  	[tilespmem:s23], [sflag:$0x1] =	stream.indirect_vreg.gather [hbm4b:s4+s2], $0x80, v20, vm0, $0xb8;
	[tilespmem:$0xDD00] =	vst v63  }
0xa7: {  	s24 =	simm.s32 $0x3480;
	v20 =	vadd.s32 v4, v23;
	v23 =	vperm.xlane v19, v8  }
0xa8: {  	[tilespmem:s24], [sflag:$0x1] =	stream.indirect_vreg.gather [hbm4b:s4+s2], $0x80, v21, vm0, $0xb8;
	[tilespmem:$0xDD00] =	vst v63  }
0xa9: {  	s19 =	simm.s32 $0x3500;
	v21 =	vadd.s32 v4, v23;
	v23 =	vperm.xlane v19, v9  }
0xaa: {  	[tilespmem:s19], [sflag:$0x1] =	stream.indirect_vreg.gather [hbm4b:s4+s2], $0x80, v22, vm0, $0xb8;
	[tilespmem:$0xDD00] =	vst v63  }
0xab: {  	s20 =	simm.s32 $0x3580;
	v22 =	vadd.s32 v4, v23;
	v23 =	vperm.xlane v19, v10  }
0xac: {  	[tilespmem:s20], [sflag:$0x1] =	stream.indirect_vreg.gather [hbm4b:s4+s2], $0x80, v20, vm0, $0xb8;
	[tilespmem:$0xDD00] =	vst v63  }
0xad: {  	s22 =	simm.s32 $0x3600;
	v20 =	vadd.s32 v4, v23;
	v23 =	vperm.xlane v19, v2  }
0xae: {  	[tilespmem:s22], [sflag:$0x1] =	stream.indirect_vreg.gather [hbm4b:s4+s2], $0x80, v21, vm0, $0xb8;
	[tilespmem:$0xDD00] =	vst v63  }
0xaf: {  	s23 =	simm.s32 $0x3680;
	v21 =	vadd.s32 v4, v23;
	v23 =	vperm.xlane v19, v11  }
0xb0: {  	[tilespmem:s23], [sflag:$0x1] =	stream.indirect_vreg.gather [hbm4b:s4+s2], $0x80, v22, vm0, $0xb8;
	[tilespmem:$0xDD00] =	vst v63  }
0xb1: {  	s24 =	simm.s32 $0x3700;
	v22 =	vadd.s32 v4, v23;
	v23 =	vperm.xlane v19, v12  }
0xb2: {  	[tilespmem:s24], [sflag:$0x1] =	stream.indirect_vreg.gather [hbm4b:s4+s2], $0x80, v20, vm0, $0xb8;
	[tilespmem:$0xDD00] =	vst v63  }
0xb3: {  	s19 =	simm.s32 $0x3780;
	v20 =	vadd.s32 v4, v23;
	v23 =	vperm.xlane v19, v3  }
0xb4: {  	[tilespmem:s19], [sflag:$0x1] =	stream.indirect_vreg.gather [hbm4b:s4+s2], $0x80, v21, vm0, $0xb8;
	[tilespmem:$0xDD00] =	vst v63  }
0xb5: {  	s20 =	simm.s32 $0x3800;
	v21 =	vadd.s32 v4, v23;
	v23 =	vperm.xlane v19, v13  }
0xb6: {  	[tilespmem:s20], [sflag:$0x1] =	stream.indirect_vreg.gather [hbm4b:s4+s2], $0x80, v22, vm0, $0xb8;
	[tilespmem:$0xDD00] =	vst v63  }
0xb7: {  	s22 =	simm.s32 $0x3880;
	v22 =	vadd.s32 v4, v23;
	v23 =	vperm.xlane v19, v14  }
0xb8: {  	[tilespmem:s22], [sflag:$0x1] =	stream.indirect_vreg.gather [hbm4b:s4+s2], $0x80, v20, vm0, $0xb8;
	[tilespmem:$0xDD00] =	vst v63  }
0xb9: {  	s23 =	simm.s32 $0x3900;
	v20 =	vadd.s32 v4, v23;
	v23 =	vperm.xlane v19, v15  }
0xba: {  	[tilespmem:s23], [sflag:$0x1] =	stream.indirect_vreg.gather [hbm4b:s4+s2], $0x80, v21, vm0, $0xb8;
	[tilespmem:$0xDD00] =	vst v63  }
0xbb: {  	s24 =	simm.s32 $0x3980;
	v21 =	vadd.s32 v4, v23;
	v23 =	vperm.xlane v19, v16  }
0xbc: {  	[tilespmem:s24], [sflag:$0x1] =	stream.indirect_vreg.gather [hbm4b:s4+s2], $0x80, v22, vm0, $0xb8;
	[tilespmem:$0xDD00] =	vst v63  }
0xbd: {  	s19 =	simm.s32 $0x3A00;
	v19 =	vperm.xlane v19, v17;
	v22 =	vadd.s32 v4, v23  }
0xbe: {  	[tilespmem:s19], [sflag:$0x1] =	stream.indirect_vreg.gather [hbm4b:s4+s2], $0x80, v20, vm0, $0xb8;
	[tilespmem:$0xDD00] =	vst v63  }
0xbf: {  	s20 =	simm.s32 $0x3A80;
	v19 =	vadd.s32 v4, v19  }
0xc0: {  	[tilespmem:s20], [sflag:$0x1] =	stream.indirect_vreg.gather [hbm4b:s4+s2], $0x80, v21, vm0, $0xb8;
	[tilespmem:$0xDD00] =	vst v63  }
0xc1: {  	s22 =	simm.s32 $0x3B00  }
0xc2: {  	[tilespmem:s22], [sflag:$0x1] =	stream.indirect_vreg.gather [hbm4b:s4+s2], $0x80, v22, vm0, $0xb8;
	[tilespmem:$0xDD00] =	vst v63  }
0xc3: {  	s23 =	simm.s32 $0x3B80  }
0xc4: {  	[tilespmem:s23], [sflag:$0x1] =	stream.indirect_vreg.gather [hbm4b:s4+s2], $0x80, v19, vm0, $0xb8;
	[tilespmem:$0xDD00] =	vst v63  }
0xc5: {  	v19 =	vld [tilespmem:$0xE40];
	_ =	sdelay $0x4  }
0xc6: {  	v20 =	vshll.u32 v19, $0xA  }
0xc7: {  	v19 =	vand.u32 $0x7, v19;
	v20 =	vand.u32 $0xFFFFE000, v20  }
0xc8: {  	v19 =	vor.u32 v19, v20  }
0xc9: {  	v20 =	vperm.xlane v19, v0;
	_ =	sdelay $0x1  }
0xca: {  	v21 =	vperm.xlane v19, v5;
	v20 =	vadd.s32 v4, v20;
	_ =	sdelay $0x1  }
0xcb: {  	v22 =	vperm.xlane v19, v6;
	v21 =	vadd.s32 v4, v21;
	_ =	sdelay $0x1  }
0xcc: {  	s24 =	simm.s32 $0x3C00;
	v23 =	vperm.xlane v19, v7;
	v22 =	vadd.s32 v4, v22  }
0xcd: {  	[tilespmem:s24], [sflag:$0x1] =	stream.indirect_vreg.gather [hbm4b:s4+s2], $0x80, v20, vm0, $0xb8;
	[tilespmem:$0xDD00] =	vst v63  }
0xce: {  	s19 =	simm.s32 $0x3C80;
	v20 =	vadd.s32 v4, v23;
	v23 =	vperm.xlane v19, v8  }
0xcf: {  	[tilespmem:s19], [sflag:$0x1] =	stream.indirect_vreg.gather [hbm4b:s4+s2], $0x80, v21, vm0, $0xb8;
	[tilespmem:$0xDD00] =	vst v63  }
0xd0: {  	s20 =	simm.s32 $0x3D00;
	v21 =	vadd.s32 v4, v23;
	v23 =	vperm.xlane v19, v9  }
0xd1: {  	[tilespmem:s20], [sflag:$0x1] =	stream.indirect_vreg.gather [hbm4b:s4+s2], $0x80, v22, vm0, $0xb8;
	[tilespmem:$0xDD00] =	vst v63  }
0xd2: {  	s22 =	simm.s32 $0x3D80;
	v22 =	vadd.s32 v4, v23;
	v23 =	vperm.xlane v19, v10  }
0xd3: {  	[tilespmem:s22], [sflag:$0x1] =	stream.indirect_vreg.gather [hbm4b:s4+s2], $0x80, v20, vm0, $0xb8;
	[tilespmem:$0xDD00] =	vst v63  }
0xd4: {  	s23 =	simm.s32 $0x3E00;
	v20 =	vadd.s32 v4, v23;
	v23 =	vperm.xlane v19, v2  }
0xd5: {  	[tilespmem:s23], [sflag:$0x1] =	stream.indirect_vreg.gather [hbm4b:s4+s2], $0x80, v21, vm0, $0xb8;
	[tilespmem:$0xDD00] =	vst v63  }
0xd6: {  	s24 =	simm.s32 $0x3E80;
	v21 =	vadd.s32 v4, v23;
	v23 =	vperm.xlane v19, v11  }
0xd7: {  	[tilespmem:s24], [sflag:$0x1] =	stream.indirect_vreg.gather [hbm4b:s4+s2], $0x80, v22, vm0, $0xb8;
	[tilespmem:$0xDD00] =	vst v63  }
0xd8: {  	s19 =	simm.s32 $0x3F00;
	v22 =	vadd.s32 v4, v23;
	v23 =	vperm.xlane v19, v12  }
0xd9: {  	[tilespmem:s19], [sflag:$0x1] =	stream.indirect_vreg.gather [hbm4b:s4+s2], $0x80, v20, vm0, $0xb8;
	[tilespmem:$0xDD00] =	vst v63  }
0xda: {  	s20 =	simm.s32 $0x3F80;
	v20 =	vadd.s32 v4, v23;
	v23 =	vperm.xlane v19, v3  }
0xdb: {  	[tilespmem:s20], [sflag:$0x1] =	stream.indirect_vreg.gather [hbm4b:s4+s2], $0x80, v21, vm0, $0xb8;
	[tilespmem:$0xDD00] =	vst v63  }
0xdc: {  	s22 =	simm.s32 $0x4000;
	v21 =	vadd.s32 v4, v23;
	v23 =	vperm.xlane v19, v13  }
0xdd: {  	[tilespmem:s22], [sflag:$0x1] =	stream.indirect_vreg.gather [hbm4b:s4+s2], $0x80, v22, vm0, $0xb8;
	[tilespmem:$0xDD00] =	vst v63  }
0xde: {  	s23 =	simm.s32 $0x4080;
	v22 =	vadd.s32 v4, v23;
	v23 =	vperm.xlane v19, v14  }
0xdf: {  	[tilespmem:s23], [sflag:$0x1] =	stream.indirect_vreg.gather [hbm4b:s4+s2], $0x80, v20, vm0, $0xb8;
	[tilespmem:$0xDD00] =	vst v63  }
0xe0: {  	s24 =	simm.s32 $0x4100;
	v20 =	vadd.s32 v4, v23;
	v23 =	vperm.xlane v19, v15  }
0xe1: {  	[tilespmem:s24], [sflag:$0x1] =	stream.indirect_vreg.gather [hbm4b:s4+s2], $0x80, v21, vm0, $0xb8;
	[tilespmem:$0xDD00] =	vst v63  }
0xe2: {  	s19 =	simm.s32 $0x4180;
	v21 =	vadd.s32 v4, v23;
	v23 =	vperm.xlane v19, v16  }
0xe3: {  	[tilespmem:s19], [sflag:$0x1] =	stream.indirect_vreg.gather [hbm4b:s4+s2], $0x80, v22, vm0, $0xb8;
	[tilespmem:$0xDD00] =	vst v63  }
0xe4: {  	s20 =	simm.s32 $0x4200;
	v19 =	vperm.xlane v19, v17;
	v22 =	vadd.s32 v4, v23  }
0xe5: {  	[tilespmem:s20], [sflag:$0x1] =	stream.indirect_vreg.gather [hbm4b:s4+s2], $0x80, v20, vm0, $0xb8;
	[tilespmem:$0xDD00] =	vst v63  }
0xe6: {  	s22 =	simm.s32 $0x4280;
	v19 =	vadd.s32 v4, v19  }
0xe7: {  	[tilespmem:s22], [sflag:$0x1] =	stream.indirect_vreg.gather [hbm4b:s4+s2], $0x80, v21, vm0, $0xb8;
	[tilespmem:$0xDD00] =	vst v63  }
0xe8: {  	s23 =	simm.s32 $0x4300  }
0xe9: {  	[tilespmem:s23], [sflag:$0x1] =	stream.indirect_vreg.gather [hbm4b:s4+s2], $0x80, v22, vm0, $0xb8;
	[tilespmem:$0xDD00] =	vst v63  }
0xea: {  	s24 =	simm.s32 $0x4380  }
0xeb: {  	[tilespmem:s24], [sflag:$0x1] =	stream.indirect_vreg.gather [hbm4b:s4+s2], $0x80, v19, vm0, $0xb8;
	[tilespmem:$0xDD00] =	vst v63  }
0xec: {  	v19 =	vld [tilespmem:$0xE50];
	_ =	sdelay $0x4  }
0xed: {  	v20 =	vshll.u32 v19, $0xA  }
0xee: {  	v19 =	vand.u32 $0x7, v19;
	v20 =	vand.u32 $0xFFFFE000, v20  }
0xef: {  	v19 =	vor.u32 v19, v20  }
0xf0: {  	v20 =	vperm.xlane v19, v0;
	_ =	sdelay $0x1  }
0xf1: {  	v21 =	vperm.xlane v19, v5;
	v20 =	vadd.s32 v4, v20;
	_ =	sdelay $0x1  }
0xf2: {  	v22 =	vperm.xlane v19, v6;
	v21 =	vadd.s32 v4, v21;
	_ =	sdelay $0x1  }
0xf3: {  	s19 =	simm.s32 $0x4400;
	v23 =	vperm.xlane v19, v7;
	v22 =	vadd.s32 v4, v22  }
0xf4: {  	[tilespmem:s19], [sflag:$0x1] =	stream.indirect_vreg.gather [hbm4b:s4+s2], $0x80, v20, vm0, $0xb8;
	[tilespmem:$0xDD00] =	vst v63  }
0xf5: {  	s20 =	simm.s32 $0x4480;
	v20 =	vadd.s32 v4, v23;
	v23 =	vperm.xlane v19, v8  }
0xf6: {  	[tilespmem:s20], [sflag:$0x1] =	stream.indirect_vreg.gather [hbm4b:s4+s2], $0x80, v21, vm0, $0xb8;
	[tilespmem:$0xDD00] =	vst v63  }
0xf7: {  	s22 =	simm.s32 $0x4500;
	v21 =	vadd.s32 v4, v23;
	v23 =	vperm.xlane v19, v9  }
0xf8: {  	[tilespmem:s22], [sflag:$0x1] =	stream.indirect_vreg.gather [hbm4b:s4+s2], $0x80, v22, vm0, $0xb8;
	[tilespmem:$0xDD00] =	vst v63  }
0xf9: {  	s23 =	simm.s32 $0x4580;
	v22 =	vadd.s32 v4, v23;
	v23 =	vperm.xlane v19, v10  }
0xfa: {  	[tilespmem:s23], [sflag:$0x1] =	stream.indirect_vreg.gather [hbm4b:s4+s2], $0x80, v20, vm0, $0xb8;
	[tilespmem:$0xDD00] =	vst v63  }
0xfb: {  	s24 =	simm.s32 $0x4600;
	v20 =	vadd.s32 v4, v23;
	v23 =	vperm.xlane v19, v2  }
0xfc: {  	[tilespmem:s24], [sflag:$0x1] =	stream.indirect_vreg.gather [hbm4b:s4+s2], $0x80, v21, vm0, $0xb8;
	[tilespmem:$0xDD00] =	vst v63  }
0xfd: {  	s19 =	simm.s32 $0x4680;
	v21 =	vadd.s32 v4, v23;
	v23 =	vperm.xlane v19, v11  }
0xfe: {  	[tilespmem:s19], [sflag:$0x1] =	stream.indirect_vreg.gather [hbm4b:s4+s2], $0x80, v22, vm0, $0xb8;
	[tilespmem:$0xDD00] =	vst v63  }
0xff: {  	s20 =	simm.s32 $0x4700;
	v22 =	vadd.s32 v4, v23;
	v23 =	vperm.xlane v19, v12  }
0x100: {  	[tilespmem:s20], [sflag:$0x1] =	stream.indirect_vreg.gather [hbm4b:s4+s2], $0x80, v20, vm0, $0xb8;
	[tilespmem:$0xDD00] =	vst v63  }
0x101: {  	s22 =	simm.s32 $0x4780;
	v20 =	vadd.s32 v4, v23;
	v23 =	vperm.xlane v19, v3  }
0x102: {  	[tilespmem:s22], [sflag:$0x1] =	stream.indirect_vreg.gather [hbm4b:s4+s2], $0x80, v21, vm0, $0xb8;
	[tilespmem:$0xDD00] =	vst v63  }
0x103: {  	s23 =	simm.s32 $0x4800;
	v21 =	vadd.s32 v4, v23;
	v23 =	vperm.xlane v19, v13  }
0x104: {  	[tilespmem:s23], [sflag:$0x1] =	stream.indirect_vreg.gather [hbm4b:s4+s2], $0x80, v22, vm0, $0xb8;
	[tilespmem:$0xDD00] =	vst v63  }
0x105: {  	s24 =	simm.s32 $0x4880;
	v22 =	vadd.s32 v4, v23;
	v23 =	vperm.xlane v19, v14  }
0x106: {  	[tilespmem:s24], [sflag:$0x1] =	stream.indirect_vreg.gather [hbm4b:s4+s2], $0x80, v20, vm0, $0xb8;
	[tilespmem:$0xDD00] =	vst v63  }
0x107: {  	s19 =	simm.s32 $0x4900;
	v20 =	vadd.s32 v4, v23;
	v23 =	vperm.xlane v19, v15  }
0x108: {  	[tilespmem:s19], [sflag:$0x1] =	stream.indirect_vreg.gather [hbm4b:s4+s2], $0x80, v21, vm0, $0xb8;
	[tilespmem:$0xDD00] =	vst v63  }
0x109: {  	s20 =	simm.s32 $0x4980;
	v21 =	vadd.s32 v4, v23;
	v23 =	vperm.xlane v19, v16  }
0x10a: {  	[tilespmem:s20], [sflag:$0x1] =	stream.indirect_vreg.gather [hbm4b:s4+s2], $0x80, v22, vm0, $0xb8;
	[tilespmem:$0xDD00] =	vst v63  }
0x10b: {  	s22 =	simm.s32 $0x4A00;
	v19 =	vperm.xlane v19, v17;
	v22 =	vadd.s32 v4, v23  }
0x10c: {  	[tilespmem:s22], [sflag:$0x1] =	stream.indirect_vreg.gather [hbm4b:s4+s2], $0x80, v20, vm0, $0xb8;
	[tilespmem:$0xDD00] =	vst v63  }
0x10d: {  	s23 =	simm.s32 $0x4A80;
	v19 =	vadd.s32 v4, v19  }
0x10e: {  	[tilespmem:s23], [sflag:$0x1] =	stream.indirect_vreg.gather [hbm4b:s4+s2], $0x80, v21, vm0, $0xb8;
	[tilespmem:$0xDD00] =	vst v63  }
0x10f: {  	s24 =	simm.s32 $0x4B00  }
0x110: {  	[tilespmem:s24], [sflag:$0x1] =	stream.indirect_vreg.gather [hbm4b:s4+s2], $0x80, v22, vm0, $0xb8;
	[tilespmem:$0xDD00] =	vst v63  }
0x111: {  	s19 =	simm.s32 $0x4B80  }
0x112: {  	[tilespmem:s19], [sflag:$0x1] =	stream.indirect_vreg.gather [hbm4b:s4+s2], $0x80, v19, vm0, $0xb8;
	[tilespmem:$0xDD00] =	vst v63  }
0x113: {  	v19 =	vld [tilespmem:$0xE60];
	_ =	sdelay $0x4  }
0x114: {  	v20 =	vshll.u32 v19, $0xA  }
0x115: {  	v19 =	vand.u32 $0x7, v19;
	v20 =	vand.u32 $0xFFFFE000, v20  }
0x116: {  	v19 =	vor.u32 v19, v20  }
0x117: {  	v20 =	vperm.xlane v19, v0;
	_ =	sdelay $0x1  }
0x118: {  	v21 =	vperm.xlane v19, v5;
	v20 =	vadd.s32 v4, v20;
	_ =	sdelay $0x1  }
0x119: {  	v22 =	vperm.xlane v19, v6;
	v21 =	vadd.s32 v4, v21;
	_ =	sdelay $0x1  }
0x11a: {  	s20 =	simm.s32 $0x4C00;
	v23 =	vperm.xlane v19, v7;
	v22 =	vadd.s32 v4, v22  }
0x11b: {  	[tilespmem:s20], [sflag:$0x1] =	stream.indirect_vreg.gather [hbm4b:s4+s2], $0x80, v20, vm0, $0xb8;
	[tilespmem:$0xDD00] =	vst v63  }
0x11c: {  	s22 =	simm.s32 $0x4C80;
	v20 =	vadd.s32 v4, v23;
	v23 =	vperm.xlane v19, v8  }
0x11d: {  	[tilespmem:s22], [sflag:$0x1] =	stream.indirect_vreg.gather [hbm4b:s4+s2], $0x80, v21, vm0, $0xb8;
	[tilespmem:$0xDD00] =	vst v63  }
0x11e: {  	s23 =	simm.s32 $0x4D00;
	v21 =	vadd.s32 v4, v23;
	v23 =	vperm.xlane v19, v9  }
0x11f: {  	[tilespmem:s23], [sflag:$0x1] =	stream.indirect_vreg.gather [hbm4b:s4+s2], $0x80, v22, vm0, $0xb8;
	[tilespmem:$0xDD00] =	vst v63  }
0x120: {  	s24 =	simm.s32 $0x4D80;
	v22 =	vadd.s32 v4, v23;
	v23 =	vperm.xlane v19, v10  }
0x121: {  	[tilespmem:s24], [sflag:$0x1] =	stream.indirect_vreg.gather [hbm4b:s4+s2], $0x80, v20, vm0, $0xb8;
	[tilespmem:$0xDD00] =	vst v63  }
0x122: {  	s19 =	simm.s32 $0x4E00;
	v20 =	vadd.s32 v4, v23;
	v23 =	vperm.xlane v19, v2  }
0x123: {  	[tilespmem:s19], [sflag:$0x1] =	stream.indirect_vreg.gather [hbm4b:s4+s2], $0x80, v21, vm0, $0xb8;
	[tilespmem:$0xDD00] =	vst v63  }
0x124: {  	s20 =	simm.s32 $0x4E80;
	v21 =	vadd.s32 v4, v23;
	v23 =	vperm.xlane v19, v11  }
0x125: {  	[tilespmem:s20], [sflag:$0x1] =	stream.indirect_vreg.gather [hbm4b:s4+s2], $0x80, v22, vm0, $0xb8;
	[tilespmem:$0xDD00] =	vst v63  }
0x126: {  	s22 =	simm.s32 $0x4F00;
	v22 =	vadd.s32 v4, v23;
	v23 =	vperm.xlane v19, v12  }
0x127: {  	[tilespmem:s22], [sflag:$0x1] =	stream.indirect_vreg.gather [hbm4b:s4+s2], $0x80, v20, vm0, $0xb8;
	[tilespmem:$0xDD00] =	vst v63  }
0x128: {  	s23 =	simm.s32 $0x4F80;
	v20 =	vadd.s32 v4, v23;
	v23 =	vperm.xlane v19, v3  }
0x129: {  	[tilespmem:s23], [sflag:$0x1] =	stream.indirect_vreg.gather [hbm4b:s4+s2], $0x80, v21, vm0, $0xb8;
	[tilespmem:$0xDD00] =	vst v63  }
0x12a: {  	s24 =	simm.s32 $0x5000;
	v21 =	vadd.s32 v4, v23;
	v23 =	vperm.xlane v19, v13  }
0x12b: {  	[tilespmem:s24], [sflag:$0x1] =	stream.indirect_vreg.gather [hbm4b:s4+s2], $0x80, v22, vm0, $0xb8;
	[tilespmem:$0xDD00] =	vst v63  }
0x12c: {  	s19 =	simm.s32 $0x5080;
	v22 =	vadd.s32 v4, v23;
	v23 =	vperm.xlane v19, v14  }
0x12d: {  	[tilespmem:s19], [sflag:$0x1] =	stream.indirect_vreg.gather [hbm4b:s4+s2], $0x80, v20, vm0, $0xb8;
	[tilespmem:$0xDD00] =	vst v63  }
0x12e: {  	s20 =	simm.s32 $0x5100;
	v20 =	vadd.s32 v4, v23;
	v23 =	vperm.xlane v19, v15  }
0x12f: {  	[tilespmem:s20], [sflag:$0x1] =	stream.indirect_vreg.gather [hbm4b:s4+s2], $0x80, v21, vm0, $0xb8;
	[tilespmem:$0xDD00] =	vst v63  }
0x130: {  	s22 =	simm.s32 $0x5180;
	v21 =	vadd.s32 v4, v23;
	v23 =	vperm.xlane v19, v16  }
0x131: {  	[tilespmem:s22], [sflag:$0x1] =	stream.indirect_vreg.gather [hbm4b:s4+s2], $0x80, v22, vm0, $0xb8;
	[tilespmem:$0xDD00] =	vst v63  }
0x132: {  	s23 =	simm.s32 $0x5200;
	v19 =	vperm.xlane v19, v17;
	v22 =	vadd.s32 v4, v23  }
0x133: {  	[tilespmem:s23], [sflag:$0x1] =	stream.indirect_vreg.gather [hbm4b:s4+s2], $0x80, v20, vm0, $0xb8;
	[tilespmem:$0xDD00] =	vst v63  }
0x134: {  	s24 =	simm.s32 $0x5280;
	v19 =	vadd.s32 v4, v19  }
0x135: {  	[tilespmem:s24], [sflag:$0x1] =	stream.indirect_vreg.gather [hbm4b:s4+s2], $0x80, v21, vm0, $0xb8;
	[tilespmem:$0xDD00] =	vst v63  }
0x136: {  	s19 =	simm.s32 $0x5300  }
0x137: {  	[tilespmem:s19], [sflag:$0x1] =	stream.indirect_vreg.gather [hbm4b:s4+s2], $0x80, v22, vm0, $0xb8;
	[tilespmem:$0xDD00] =	vst v63  }
0x138: {  	s20 =	simm.s32 $0x5380  }
0x139: {  	[tilespmem:s20], [sflag:$0x1] =	stream.indirect_vreg.gather [hbm4b:s4+s2], $0x80, v19, vm0, $0xb8;
	[tilespmem:$0xDD00] =	vst v63  }
0x13a: {  	v19 =	vld [tilespmem:$0xE70];
	_ =	sdelay $0x4  }
0x13b: {  	v20 =	vshll.u32 v19, $0xA  }
0x13c: {  	v19 =	vand.u32 $0x7, v19;
	v20 =	vand.u32 $0xFFFFE000, v20  }
0x13d: {  	v19 =	vor.u32 v19, v20  }
0x13e: {  	v20 =	vperm.xlane v19, v0;
	_ =	sdelay $0x1  }
0x13f: {  	v21 =	vperm.xlane v19, v5;
	v20 =	vadd.s32 v4, v20;
	_ =	sdelay $0x1  }
0x140: {  	v22 =	vperm.xlane v19, v6;
	v21 =	vadd.s32 v4, v21;
	_ =	sdelay $0x1  }
0x141: {  	s22 =	simm.s32 $0x5400;
	v23 =	vperm.xlane v19, v7;
	v22 =	vadd.s32 v4, v22  }
0x142: {  	[tilespmem:s22], [sflag:$0x1] =	stream.indirect_vreg.gather [hbm4b:s4+s2], $0x80, v20, vm0, $0xb8;
	[tilespmem:$0xDD00] =	vst v63  }
0x143: {  	s23 =	simm.s32 $0x5480;
	v20 =	vadd.s32 v4, v23;
	v23 =	vperm.xlane v19, v8  }
0x144: {  	[tilespmem:s23], [sflag:$0x1] =	stream.indirect_vreg.gather [hbm4b:s4+s2], $0x80, v21, vm0, $0xb8;
	[tilespmem:$0xDD00] =	vst v63  }
0x145: {  	s24 =	simm.s32 $0x5500;
	v21 =	vadd.s32 v4, v23;
	v23 =	vperm.xlane v19, v9  }
0x146: {  	[tilespmem:s24], [sflag:$0x1] =	stream.indirect_vreg.gather [hbm4b:s4+s2], $0x80, v22, vm0, $0xb8;
	[tilespmem:$0xDD00] =	vst v63  }
0x147: {  	s19 =	simm.s32 $0x5580;
	v22 =	vadd.s32 v4, v23;
	v23 =	vperm.xlane v19, v10  }
0x148: {  	[tilespmem:s19], [sflag:$0x1] =	stream.indirect_vreg.gather [hbm4b:s4+s2], $0x80, v20, vm0, $0xb8;
	[tilespmem:$0xDD00] =	vst v63  }
0x149: {  	s20 =	simm.s32 $0x5600;
	v20 =	vadd.s32 v4, v23;
	v23 =	vperm.xlane v19, v2  }
0x14a: {  	[tilespmem:s20], [sflag:$0x1] =	stream.indirect_vreg.gather [hbm4b:s4+s2], $0x80, v21, vm0, $0xb8;
	[tilespmem:$0xDD00] =	vst v63  }
0x14b: {  	s22 =	simm.s32 $0x5680;
	v21 =	vadd.s32 v4, v23;
	v23 =	vperm.xlane v19, v11  }
0x14c: {  	[tilespmem:s22], [sflag:$0x1] =	stream.indirect_vreg.gather [hbm4b:s4+s2], $0x80, v22, vm0, $0xb8;
	[tilespmem:$0xDD00] =	vst v63  }
0x14d: {  	s23 =	simm.s32 $0x5700;
	v22 =	vadd.s32 v4, v23;
	v23 =	vperm.xlane v19, v12  }
0x14e: {  	[tilespmem:s23], [sflag:$0x1] =	stream.indirect_vreg.gather [hbm4b:s4+s2], $0x80, v20, vm0, $0xb8;
	[tilespmem:$0xDD00] =	vst v63  }
0x14f: {  	s24 =	simm.s32 $0x5780;
	v20 =	vadd.s32 v4, v23;
	v23 =	vperm.xlane v19, v3  }
0x150: {  	[tilespmem:s24], [sflag:$0x1] =	stream.indirect_vreg.gather [hbm4b:s4+s2], $0x80, v21, vm0, $0xb8;
	[tilespmem:$0xDD00] =	vst v63  }
0x151: {  	s19 =	simm.s32 $0x5800;
	v21 =	vadd.s32 v4, v23;
	v23 =	vperm.xlane v19, v13  }
0x152: {  	[tilespmem:s19], [sflag:$0x1] =	stream.indirect_vreg.gather [hbm4b:s4+s2], $0x80, v22, vm0, $0xb8;
	[tilespmem:$0xDD00] =	vst v63  }
0x153: {  	s20 =	simm.s32 $0x5880;
	v22 =	vadd.s32 v4, v23;
	v23 =	vperm.xlane v19, v14  }
0x154: {  	[tilespmem:s20], [sflag:$0x1] =	stream.indirect_vreg.gather [hbm4b:s4+s2], $0x80, v20, vm0, $0xb8;
	[tilespmem:$0xDD00] =	vst v63  }
0x155: {  	s22 =	simm.s32 $0x5900;
	v20 =	vadd.s32 v4, v23;
	v23 =	vperm.xlane v19, v15  }
0x156: {  	[tilespmem:s22], [sflag:$0x1] =	stream.indirect_vreg.gather [hbm4b:s4+s2], $0x80, v21, vm0, $0xb8;
	[tilespmem:$0xDD00] =	vst v63  }
0x157: {  	s23 =	simm.s32 $0x5980;
	v21 =	vadd.s32 v4, v23;
	v23 =	vperm.xlane v19, v16  }
0x158: {  	[tilespmem:s23], [sflag:$0x1] =	stream.indirect_vreg.gather [hbm4b:s4+s2], $0x80, v22, vm0, $0xb8;
	[tilespmem:$0xDD00] =	vst v63  }
0x159: {  	s24 =	simm.s32 $0x5A00;
	v19 =	vperm.xlane v19, v17;
	v22 =	vadd.s32 v4, v23  }
0x15a: {  	[tilespmem:s24], [sflag:$0x1] =	stream.indirect_vreg.gather [hbm4b:s4+s2], $0x80, v20, vm0, $0xb8;
	[tilespmem:$0xDD00] =	vst v63  }
0x15b: {  	s19 =	simm.s32 $0x5A80;
	v19 =	vadd.s32 v4, v19  }
0x15c: {  	[tilespmem:s19], [sflag:$0x1] =	stream.indirect_vreg.gather [hbm4b:s4+s2], $0x80, v21, vm0, $0xb8;
	[tilespmem:$0xDD00] =	vst v63  }
0x15d: {  	s20 =	simm.s32 $0x5B00  }
0x15e: {  	[tilespmem:s20], [sflag:$0x1] =	stream.indirect_vreg.gather [hbm4b:s4+s2], $0x80, v22, vm0, $0xb8;
	[tilespmem:$0xDD00] =	vst v63  }
0x15f: {  	s22 =	simm.s32 $0x5B80  }
0x160: {  	[tilespmem:s22], [sflag:$0x1] =	stream.indirect_vreg.gather [hbm4b:s4+s2], $0x80, v19, vm0, $0xb8;
	[tilespmem:$0xDD00] =	vst v63  }
0x161: {  	v19 =	vld [tilespmem:$0x80];
	_ =	sdelay $0x1  }
0x162: {  	v21 =	vld [tilespmem:$0xA0]  }
0x163: {  	v20 =	vld [tilespmem:$0x90]  }
0x164: {  	v22 =	vld [tilespmem:$0xB0]  }
0x165: {  	v23 =	vld [tilespmem:$0xC0];
	vm1 =	veq.s32 v19, $0xFFFFFFFF  }
0x166: {  	v59 =	vld [tilespmem:$0xD0];
	v19 =	vsel vm1, $0x0, v19  }
0x167: {  	v60 =	vld [tilespmem:$0xE0];
	vm2 =	veq.s32 v21, $0xFFFFFFFF;
	v61 =	vshll.u32 v19, $0xA  }
0x168: {  	vm1 =	veq.s32 v20, $0xFFFFFFFF;
	v62 =	vand.u32 $0x7, v19;
	v26 =	vand.u32 $0xFFFFE000, v61  }
0x169: {  	v63 =	vld [tilespmem:$0xF0];
	[tilespmem:$0xE80] =	vst v19;
	v19 =	vsel vm1, $0x0, v20;
	v20 =	vsel vm2, $0x0, v21;
	v21 =	vor.u32 v62, v26  }
0x16a: {  	vm1 =	veq.s32 v22, $0xFFFFFFFF;
	vm2 =	veq.s32 v23, $0xFFFFFFFF;
	[tilespmem:$0xE90] =	vst v19;
	v19 =	vperm.xlane v21, v0  }
0x16b: {  	[tilespmem:$0xEA0] =	vst v20;
	v20 =	vsel vm1, $0x0, v22;
	v22 =	vsel vm2, $0x0, v23;
	vm1 =	veq.s32 v59, $0xFFFFFFFF  }
0x16c: {  	vm2 =	veq.s32 v60, $0xFFFFFFFF;
	[tilespmem:$0xEB0] =	vst v20;
	v20 =	vperm.xlane v21, v5;
	v19 =	vadd.s32 v4, v19  }
0x16d: {  	v23 =	vsel vm1, $0x0, v59;
	[tilespmem:$0xEC0] =	vst v22;
	v22 =	vsel vm2, $0x0, v60  }
0x16e: {  	vm1 =	veq.s32 v63, $0xFFFFFFFF;
	[tilespmem:$0xED0] =	vst v23;
	v23 =	vperm.xlane v21, v6;
	v20 =	vadd.s32 v4, v20  }
0x16f: {  	[tilespmem:$0xEE0] =	vst v22;
	v22 =	vsel vm1, $0x0, v63  }
0x170: {  	s23 =	simm.s32 $0x5C00;
	[tilespmem:$0xEF0] =	vst v22;
	v22 =	vadd.s32 v4, v23;
	v23 =	vperm.xlane v21, v7  }
0x171: {  	[tilespmem:s23], [sflag:$0x1] =	stream.indirect_vreg.gather [hbm4b:s5+s2], $0x80, v19, vm0, $0xb8;
	[tilespmem:$0xDD00] =	vst v63  }
0x172: {  	s24 =	simm.s32 $0x5C80;
	v19 =	vadd.s32 v4, v23;
	v23 =	vperm.xlane v21, v8  }
0x173: {  	[tilespmem:s24], [sflag:$0x1] =	stream.indirect_vreg.gather [hbm4b:s5+s2], $0x80, v20, vm0, $0xb8;
	[tilespmem:$0xDD00] =	vst v63  }
0x174: {  	s19 =	simm.s32 $0x5D00;
	v20 =	vadd.s32 v4, v23;
	v23 =	vperm.xlane v21, v9  }
0x175: {  	[tilespmem:s19], [sflag:$0x1] =	stream.indirect_vreg.gather [hbm4b:s5+s2], $0x80, v22, vm0, $0xb8;
	[tilespmem:$0xDD00] =	vst v63  }
0x176: {  	s20 =	simm.s32 $0x5D80;
	v22 =	vadd.s32 v4, v23;
	v23 =	vperm.xlane v21, v10  }
0x177: {  	[tilespmem:s20], [sflag:$0x1] =	stream.indirect_vreg.gather [hbm4b:s5+s2], $0x80, v19, vm0, $0xb8;
	[tilespmem:$0xDD00] =	vst v63  }
0x178: {  	s22 =	simm.s32 $0x5E00;
	v19 =	vadd.s32 v4, v23;
	v23 =	vperm.xlane v21, v2  }
0x179: {  	[tilespmem:s22], [sflag:$0x1] =	stream.indirect_vreg.gather [hbm4b:s5+s2], $0x80, v20, vm0, $0xb8;
	[tilespmem:$0xDD00] =	vst v63  }
0x17a: {  	s23 =	simm.s32 $0x5E80;
	v20 =	vadd.s32 v4, v23;
	v23 =	vperm.xlane v21, v11  }
0x17b: {  	[tilespmem:s23], [sflag:$0x1] =	stream.indirect_vreg.gather [hbm4b:s5+s2], $0x80, v22, vm0, $0xb8;
	[tilespmem:$0xDD00] =	vst v63  }
0x17c: {  	s24 =	simm.s32 $0x5F00;
	v22 =	vadd.s32 v4, v23;
	v23 =	vperm.xlane v21, v12  }
0x17d: {  	[tilespmem:s24], [sflag:$0x1] =	stream.indirect_vreg.gather [hbm4b:s5+s2], $0x80, v19, vm0, $0xb8;
	[tilespmem:$0xDD00] =	vst v63  }
0x17e: {  	s19 =	simm.s32 $0x5F80;
	v19 =	vadd.s32 v4, v23;
	v23 =	vperm.xlane v21, v3  }
0x17f: {  	[tilespmem:s19], [sflag:$0x1] =	stream.indirect_vreg.gather [hbm4b:s5+s2], $0x80, v20, vm0, $0xb8;
	[tilespmem:$0xDD00] =	vst v63  }
0x180: {  	s20 =	simm.s32 $0x6000;
	v20 =	vadd.s32 v4, v23;
	v23 =	vperm.xlane v21, v13  }
0x181: {  	[tilespmem:s20], [sflag:$0x1] =	stream.indirect_vreg.gather [hbm4b:s5+s2], $0x80, v22, vm0, $0xb8;
	[tilespmem:$0xDD00] =	vst v63  }
0x182: {  	s22 =	simm.s32 $0x6080;
	v22 =	vadd.s32 v4, v23;
	v23 =	vperm.xlane v21, v14  }
0x183: {  	[tilespmem:s22], [sflag:$0x1] =	stream.indirect_vreg.gather [hbm4b:s5+s2], $0x80, v19, vm0, $0xb8;
	[tilespmem:$0xDD00] =	vst v63  }
0x184: {  	s23 =	simm.s32 $0x6100;
	v19 =	vadd.s32 v4, v23;
	v23 =	vperm.xlane v21, v15  }
0x185: {  	[tilespmem:s23], [sflag:$0x1] =	stream.indirect_vreg.gather [hbm4b:s5+s2], $0x80, v20, vm0, $0xb8;
	[tilespmem:$0xDD00] =	vst v63  }
0x186: {  	s24 =	simm.s32 $0x6180;
	v20 =	vadd.s32 v4, v23;
	v23 =	vperm.xlane v21, v16  }
0x187: {  	[tilespmem:s24], [sflag:$0x1] =	stream.indirect_vreg.gather [hbm4b:s5+s2], $0x80, v22, vm0, $0xb8;
	[tilespmem:$0xDD00] =	vst v63  }
0x188: {  	s19 =	simm.s32 $0x6200;
	v21 =	vperm.xlane v21, v17;
	v22 =	vadd.s32 v4, v23  }
0x189: {  	[tilespmem:s19], [sflag:$0x1] =	stream.indirect_vreg.gather [hbm4b:s5+s2], $0x80, v19, vm0, $0xb8;
	[tilespmem:$0xDD00] =	vst v63  }
0x18a: {  	s20 =	simm.s32 $0x6280;
	v19 =	vadd.s32 v4, v21  }
0x18b: {  	[tilespmem:s20], [sflag:$0x1] =	stream.indirect_vreg.gather [hbm4b:s5+s2], $0x80, v20, vm0, $0xb8;
	[tilespmem:$0xDD00] =	vst v63  }
0x18c: {  	s22 =	simm.s32 $0x6300  }
0x18d: {  	[tilespmem:s22], [sflag:$0x1] =	stream.indirect_vreg.gather [hbm4b:s5+s2], $0x80, v22, vm0, $0xb8;
	[tilespmem:$0xDD00] =	vst v63  }
0x18e: {  	s23 =	simm.s32 $0x6380  }
0x18f: {  	[tilespmem:s23], [sflag:$0x1] =	stream.indirect_vreg.gather [hbm4b:s5+s2], $0x80, v19, vm0, $0xb8;
	[tilespmem:$0xDD00] =	vst v63  }
0x190: {  	v19 =	vld [tilespmem:$0xE90];
	_ =	sdelay $0x4  }
0x191: {  	v20 =	vshll.u32 v19, $0xA  }
0x192: {  	v19 =	vand.u32 $0x7, v19;
	v20 =	vand.u32 $0xFFFFE000, v20  }
0x193: {  	v19 =	vor.u32 v19, v20  }
0x194: {  	v20 =	vperm.xlane v19, v0;
	_ =	sdelay $0x1  }
0x195: {  	v21 =	vperm.xlane v19, v5;
	v20 =	vadd.s32 v4, v20;
	_ =	sdelay $0x1  }
0x196: {  	v22 =	vperm.xlane v19, v6;
	v21 =	vadd.s32 v4, v21;
	_ =	sdelay $0x1  }
0x197: {  	s24 =	simm.s32 $0x6400;
	v23 =	vperm.xlane v19, v7;
	v22 =	vadd.s32 v4, v22  }
0x198: {  	[tilespmem:s24], [sflag:$0x1] =	stream.indirect_vreg.gather [hbm4b:s5+s2], $0x80, v20, vm0, $0xb8;
	[tilespmem:$0xDD00] =	vst v63  }
0x199: {  	s19 =	simm.s32 $0x6480;
	v20 =	vadd.s32 v4, v23;
	v23 =	vperm.xlane v19, v8  }
0x19a: {  	[tilespmem:s19], [sflag:$0x1] =	stream.indirect_vreg.gather [hbm4b:s5+s2], $0x80, v21, vm0, $0xb8;
	[tilespmem:$0xDD00] =	vst v63  }
0x19b: {  	s20 =	simm.s32 $0x6500;
	v21 =	vadd.s32 v4, v23;
	v23 =	vperm.xlane v19, v9  }
0x19c: {  	[tilespmem:s20], [sflag:$0x1] =	stream.indirect_vreg.gather [hbm4b:s5+s2], $0x80, v22, vm0, $0xb8;
	[tilespmem:$0xDD00] =	vst v63  }
0x19d: {  	s22 =	simm.s32 $0x6580;
	v22 =	vadd.s32 v4, v23;
	v23 =	vperm.xlane v19, v10  }
0x19e: {  	[tilespmem:s22], [sflag:$0x1] =	stream.indirect_vreg.gather [hbm4b:s5+s2], $0x80, v20, vm0, $0xb8;
	[tilespmem:$0xDD00] =	vst v63  }
0x19f: {  	s23 =	simm.s32 $0x6600;
	v20 =	vadd.s32 v4, v23;
	v23 =	vperm.xlane v19, v2  }
0x1a0: {  	[tilespmem:s23], [sflag:$0x1] =	stream.indirect_vreg.gather [hbm4b:s5+s2], $0x80, v21, vm0, $0xb8;
	[tilespmem:$0xDD00] =	vst v63  }
0x1a1: {  	s24 =	simm.s32 $0x6680;
	v21 =	vadd.s32 v4, v23;
	v23 =	vperm.xlane v19, v11  }
0x1a2: {  	[tilespmem:s24], [sflag:$0x1] =	stream.indirect_vreg.gather [hbm4b:s5+s2], $0x80, v22, vm0, $0xb8;
	[tilespmem:$0xDD00] =	vst v63  }
0x1a3: {  	s19 =	simm.s32 $0x6700;
	v22 =	vadd.s32 v4, v23;
	v23 =	vperm.xlane v19, v12  }
0x1a4: {  	[tilespmem:s19], [sflag:$0x1] =	stream.indirect_vreg.gather [hbm4b:s5+s2], $0x80, v20, vm0, $0xb8;
	[tilespmem:$0xDD00] =	vst v63  }
0x1a5: {  	s20 =	simm.s32 $0x6780;
	v20 =	vadd.s32 v4, v23;
	v23 =	vperm.xlane v19, v3  }
0x1a6: {  	[tilespmem:s20], [sflag:$0x1] =	stream.indirect_vreg.gather [hbm4b:s5+s2], $0x80, v21, vm0, $0xb8;
	[tilespmem:$0xDD00] =	vst v63  }
0x1a7: {  	s22 =	simm.s32 $0x6800;
	v21 =	vadd.s32 v4, v23;
	v23 =	vperm.xlane v19, v13  }
0x1a8: {  	[tilespmem:s22], [sflag:$0x1] =	stream.indirect_vreg.gather [hbm4b:s5+s2], $0x80, v22, vm0, $0xb8;
	[tilespmem:$0xDD00] =	vst v63  }
0x1a9: {  	s23 =	simm.s32 $0x6880;
	v22 =	vadd.s32 v4, v23;
	v23 =	vperm.xlane v19, v14  }
0x1aa: {  	[tilespmem:s23], [sflag:$0x1] =	stream.indirect_vreg.gather [hbm4b:s5+s2], $0x80, v20, vm0, $0xb8;
	[tilespmem:$0xDD00] =	vst v63  }
0x1ab: {  	s24 =	simm.s32 $0x6900;
	v20 =	vadd.s32 v4, v23;
	v23 =	vperm.xlane v19, v15  }
0x1ac: {  	[tilespmem:s24], [sflag:$0x1] =	stream.indirect_vreg.gather [hbm4b:s5+s2], $0x80, v21, vm0, $0xb8;
	[tilespmem:$0xDD00] =	vst v63  }
0x1ad: {  	s19 =	simm.s32 $0x6980;
	v21 =	vadd.s32 v4, v23;
	v23 =	vperm.xlane v19, v16  }
0x1ae: {  	[tilespmem:s19], [sflag:$0x1] =	stream.indirect_vreg.gather [hbm4b:s5+s2], $0x80, v22, vm0, $0xb8;
	[tilespmem:$0xDD00] =	vst v63  }
0x1af: {  	s20 =	simm.s32 $0x6A00;
	v19 =	vperm.xlane v19, v17;
	v22 =	vadd.s32 v4, v23  }
0x1b0: {  	[tilespmem:s20], [sflag:$0x1] =	stream.indirect_vreg.gather [hbm4b:s5+s2], $0x80, v20, vm0, $0xb8;
	[tilespmem:$0xDD00] =	vst v63  }
0x1b1: {  	s22 =	simm.s32 $0x6A80;
	v19 =	vadd.s32 v4, v19  }
0x1b2: {  	[tilespmem:s22], [sflag:$0x1] =	stream.indirect_vreg.gather [hbm4b:s5+s2], $0x80, v21, vm0, $0xb8;
	[tilespmem:$0xDD00] =	vst v63  }
0x1b3: {  	s23 =	simm.s32 $0x6B00  }
0x1b4: {  	[tilespmem:s23], [sflag:$0x1] =	stream.indirect_vreg.gather [hbm4b:s5+s2], $0x80, v22, vm0, $0xb8;
	[tilespmem:$0xDD00] =	vst v63  }
0x1b5: {  	s24 =	simm.s32 $0x6B80  }
0x1b6: {  	[tilespmem:s24], [sflag:$0x1] =	stream.indirect_vreg.gather [hbm4b:s5+s2], $0x80, v19, vm0, $0xb8;
	[tilespmem:$0xDD00] =	vst v63  }
0x1b7: {  	v19 =	vld [tilespmem:$0xEA0];
	_ =	sdelay $0x4  }
0x1b8: {  	v20 =	vshll.u32 v19, $0xA  }
0x1b9: {  	v19 =	vand.u32 $0x7, v19;
	v20 =	vand.u32 $0xFFFFE000, v20  }
0x1ba: {  	v19 =	vor.u32 v19, v20  }
0x1bb: {  	v20 =	vperm.xlane v19, v0;
	_ =	sdelay $0x1  }
0x1bc: {  	v21 =	vperm.xlane v19, v5;
	v20 =	vadd.s32 v4, v20;
	_ =	sdelay $0x1  }
0x1bd: {  	v22 =	vperm.xlane v19, v6;
	v21 =	vadd.s32 v4, v21;
	_ =	sdelay $0x1  }
0x1be: {  	s19 =	simm.s32 $0x6C00;
	v23 =	vperm.xlane v19, v7;
	v22 =	vadd.s32 v4, v22  }
0x1bf: {  	[tilespmem:s19], [sflag:$0x1] =	stream.indirect_vreg.gather [hbm4b:s5+s2], $0x80, v20, vm0, $0xb8;
	[tilespmem:$0xDD00] =	vst v63  }
0x1c0: {  	s20 =	simm.s32 $0x6C80;
	v20 =	vadd.s32 v4, v23;
	v23 =	vperm.xlane v19, v8  }
0x1c1: {  	[tilespmem:s20], [sflag:$0x1] =	stream.indirect_vreg.gather [hbm4b:s5+s2], $0x80, v21, vm0, $0xb8;
	[tilespmem:$0xDD00] =	vst v63  }
0x1c2: {  	s22 =	simm.s32 $0x6D00;
	v21 =	vadd.s32 v4, v23;
	v23 =	vperm.xlane v19, v9  }
0x1c3: {  	[tilespmem:s22], [sflag:$0x1] =	stream.indirect_vreg.gather [hbm4b:s5+s2], $0x80, v22, vm0, $0xb8;
	[tilespmem:$0xDD00] =	vst v63  }
0x1c4: {  	s23 =	simm.s32 $0x6D80;
	v22 =	vadd.s32 v4, v23;
	v23 =	vperm.xlane v19, v10  }
0x1c5: {  	[tilespmem:s23], [sflag:$0x1] =	stream.indirect_vreg.gather [hbm4b:s5+s2], $0x80, v20, vm0, $0xb8;
	[tilespmem:$0xDD00] =	vst v63  }
0x1c6: {  	s24 =	simm.s32 $0x6E00;
	v20 =	vadd.s32 v4, v23;
	v23 =	vperm.xlane v19, v2  }
0x1c7: {  	[tilespmem:s24], [sflag:$0x1] =	stream.indirect_vreg.gather [hbm4b:s5+s2], $0x80, v21, vm0, $0xb8;
	[tilespmem:$0xDD00] =	vst v63  }
0x1c8: {  	s19 =	simm.s32 $0x6E80;
	v21 =	vadd.s32 v4, v23;
	v23 =	vperm.xlane v19, v11  }
0x1c9: {  	[tilespmem:s19], [sflag:$0x1] =	stream.indirect_vreg.gather [hbm4b:s5+s2], $0x80, v22, vm0, $0xb8;
	[tilespmem:$0xDD00] =	vst v63  }
0x1ca: {  	s20 =	simm.s32 $0x6F00;
	v22 =	vadd.s32 v4, v23;
	v23 =	vperm.xlane v19, v12  }
0x1cb: {  	[tilespmem:s20], [sflag:$0x1] =	stream.indirect_vreg.gather [hbm4b:s5+s2], $0x80, v20, vm0, $0xb8;
	[tilespmem:$0xDD00] =	vst v63  }
0x1cc: {  	s22 =	simm.s32 $0x6F80;
	v20 =	vadd.s32 v4, v23;
	v23 =	vperm.xlane v19, v3  }
0x1cd: {  	[tilespmem:s22], [sflag:$0x1] =	stream.indirect_vreg.gather [hbm4b:s5+s2], $0x80, v21, vm0, $0xb8;
	[tilespmem:$0xDD00] =	vst v63  }
0x1ce: {  	s23 =	simm.s32 $0x7000;
	v21 =	vadd.s32 v4, v23;
	v23 =	vperm.xlane v19, v13  }
0x1cf: {  	[tilespmem:s23], [sflag:$0x1] =	stream.indirect_vreg.gather [hbm4b:s5+s2], $0x80, v22, vm0, $0xb8;
	[tilespmem:$0xDD00] =	vst v63  }
0x1d0: {  	s24 =	simm.s32 $0x7080;
	v22 =	vadd.s32 v4, v23;
	v23 =	vperm.xlane v19, v14  }
0x1d1: {  	[tilespmem:s24], [sflag:$0x1] =	stream.indirect_vreg.gather [hbm4b:s5+s2], $0x80, v20, vm0, $0xb8;
	[tilespmem:$0xDD00] =	vst v63  }
0x1d2: {  	s19 =	simm.s32 $0x7100;
	v20 =	vadd.s32 v4, v23;
	v23 =	vperm.xlane v19, v15  }
0x1d3: {  	[tilespmem:s19], [sflag:$0x1] =	stream.indirect_vreg.gather [hbm4b:s5+s2], $0x80, v21, vm0, $0xb8;
	[tilespmem:$0xDD00] =	vst v63  }
0x1d4: {  	s20 =	simm.s32 $0x7180;
	v21 =	vadd.s32 v4, v23;
	v23 =	vperm.xlane v19, v16  }
0x1d5: {  	[tilespmem:s20], [sflag:$0x1] =	stream.indirect_vreg.gather [hbm4b:s5+s2], $0x80, v22, vm0, $0xb8;
	[tilespmem:$0xDD00] =	vst v63  }
0x1d6: {  	s22 =	simm.s32 $0x7200;
	v19 =	vperm.xlane v19, v17;
	v22 =	vadd.s32 v4, v23  }
0x1d7: {  	[tilespmem:s22], [sflag:$0x1] =	stream.indirect_vreg.gather [hbm4b:s5+s2], $0x80, v20, vm0, $0xb8;
	[tilespmem:$0xDD00] =	vst v63  }
0x1d8: {  	s23 =	simm.s32 $0x7280;
	v19 =	vadd.s32 v4, v19  }
0x1d9: {  	[tilespmem:s23], [sflag:$0x1] =	stream.indirect_vreg.gather [hbm4b:s5+s2], $0x80, v21, vm0, $0xb8;
	[tilespmem:$0xDD00] =	vst v63  }
0x1da: {  	s24 =	simm.s32 $0x7300  }
0x1db: {  	[tilespmem:s24], [sflag:$0x1] =	stream.indirect_vreg.gather [hbm4b:s5+s2], $0x80, v22, vm0, $0xb8;
	[tilespmem:$0xDD00] =	vst v63  }
0x1dc: {  	s19 =	simm.s32 $0x7380  }
0x1dd: {  	[tilespmem:s19], [sflag:$0x1] =	stream.indirect_vreg.gather [hbm4b:s5+s2], $0x80, v19, vm0, $0xb8;
	[tilespmem:$0xDD00] =	vst v63  }
0x1de: {  	v19 =	vld [tilespmem:$0xEB0];
	_ =	sdelay $0x4  }
0x1df: {  	v20 =	vshll.u32 v19, $0xA  }
0x1e0: {  	v19 =	vand.u32 $0x7, v19;
	v20 =	vand.u32 $0xFFFFE000, v20  }
0x1e1: {  	v19 =	vor.u32 v19, v20  }
0x1e2: {  	v20 =	vperm.xlane v19, v0;
	_ =	sdelay $0x1  }
0x1e3: {  	v21 =	vperm.xlane v19, v5;
	v20 =	vadd.s32 v4, v20;
	_ =	sdelay $0x1  }
0x1e4: {  	v22 =	vperm.xlane v19, v6;
	v21 =	vadd.s32 v4, v21;
	_ =	sdelay $0x1  }
0x1e5: {  	s20 =	simm.s32 $0x7400;
	v23 =	vperm.xlane v19, v7;
	v22 =	vadd.s32 v4, v22  }
0x1e6: {  	[tilespmem:s20], [sflag:$0x1] =	stream.indirect_vreg.gather [hbm4b:s5+s2], $0x80, v20, vm0, $0xb8;
	[tilespmem:$0xDD00] =	vst v63  }
0x1e7: {  	s22 =	simm.s32 $0x7480;
	v20 =	vadd.s32 v4, v23;
	v23 =	vperm.xlane v19, v8  }
0x1e8: {  	[tilespmem:s22], [sflag:$0x1] =	stream.indirect_vreg.gather [hbm4b:s5+s2], $0x80, v21, vm0, $0xb8;
	[tilespmem:$0xDD00] =	vst v63  }
0x1e9: {  	s23 =	simm.s32 $0x7500;
	v21 =	vadd.s32 v4, v23;
	v23 =	vperm.xlane v19, v9  }
0x1ea: {  	[tilespmem:s23], [sflag:$0x1] =	stream.indirect_vreg.gather [hbm4b:s5+s2], $0x80, v22, vm0, $0xb8;
	[tilespmem:$0xDD00] =	vst v63  }
0x1eb: {  	s24 =	simm.s32 $0x7580;
	v22 =	vadd.s32 v4, v23;
	v23 =	vperm.xlane v19, v10  }
0x1ec: {  	[tilespmem:s24], [sflag:$0x1] =	stream.indirect_vreg.gather [hbm4b:s5+s2], $0x80, v20, vm0, $0xb8;
	[tilespmem:$0xDD00] =	vst v63  }
0x1ed: {  	s19 =	simm.s32 $0x7600;
	v20 =	vadd.s32 v4, v23;
	v23 =	vperm.xlane v19, v2  }
0x1ee: {  	[tilespmem:s19], [sflag:$0x1] =	stream.indirect_vreg.gather [hbm4b:s5+s2], $0x80, v21, vm0, $0xb8;
	[tilespmem:$0xDD00] =	vst v63  }
0x1ef: {  	s20 =	simm.s32 $0x7680;
	v21 =	vadd.s32 v4, v23;
	v23 =	vperm.xlane v19, v11  }
0x1f0: {  	[tilespmem:s20], [sflag:$0x1] =	stream.indirect_vreg.gather [hbm4b:s5+s2], $0x80, v22, vm0, $0xb8;
	[tilespmem:$0xDD00] =	vst v63  }
0x1f1: {  	s22 =	simm.s32 $0x7700;
	v22 =	vadd.s32 v4, v23;
	v23 =	vperm.xlane v19, v12  }
0x1f2: {  	[tilespmem:s22], [sflag:$0x1] =	stream.indirect_vreg.gather [hbm4b:s5+s2], $0x80, v20, vm0, $0xb8;
	[tilespmem:$0xDD00] =	vst v63  }
0x1f3: {  	s23 =	simm.s32 $0x7780;
	v20 =	vadd.s32 v4, v23;
	v23 =	vperm.xlane v19, v3  }
0x1f4: {  	[tilespmem:s23], [sflag:$0x1] =	stream.indirect_vreg.gather [hbm4b:s5+s2], $0x80, v21, vm0, $0xb8;
	[tilespmem:$0xDD00] =	vst v63  }
0x1f5: {  	s24 =	simm.s32 $0x7800;
	v21 =	vadd.s32 v4, v23;
	v23 =	vperm.xlane v19, v13  }
0x1f6: {  	[tilespmem:s24], [sflag:$0x1] =	stream.indirect_vreg.gather [hbm4b:s5+s2], $0x80, v22, vm0, $0xb8;
	[tilespmem:$0xDD00] =	vst v63  }
0x1f7: {  	s19 =	simm.s32 $0x7880;
	v22 =	vadd.s32 v4, v23;
	v23 =	vperm.xlane v19, v14  }
0x1f8: {  	[tilespmem:s19], [sflag:$0x1] =	stream.indirect_vreg.gather [hbm4b:s5+s2], $0x80, v20, vm0, $0xb8;
	[tilespmem:$0xDD00] =	vst v63  }
0x1f9: {  	s20 =	simm.s32 $0x7900;
	v20 =	vadd.s32 v4, v23;
	v23 =	vperm.xlane v19, v15  }
0x1fa: {  	[tilespmem:s20], [sflag:$0x1] =	stream.indirect_vreg.gather [hbm4b:s5+s2], $0x80, v21, vm0, $0xb8;
	[tilespmem:$0xDD00] =	vst v63  }
0x1fb: {  	s22 =	simm.s32 $0x7980;
	v21 =	vadd.s32 v4, v23;
	v23 =	vperm.xlane v19, v16  }
0x1fc: {  	[tilespmem:s22], [sflag:$0x1] =	stream.indirect_vreg.gather [hbm4b:s5+s2], $0x80, v22, vm0, $0xb8;
	[tilespmem:$0xDD00] =	vst v63  }
0x1fd: {  	s23 =	simm.s32 $0x7A00;
	v19 =	vperm.xlane v19, v17;
	v22 =	vadd.s32 v4, v23  }
0x1fe: {  	[tilespmem:s23], [sflag:$0x1] =	stream.indirect_vreg.gather [hbm4b:s5+s2], $0x80, v20, vm0, $0xb8;
	[tilespmem:$0xDD00] =	vst v63  }
0x1ff: {  	s24 =	simm.s32 $0x7A80;
	v19 =	vadd.s32 v4, v19  }
0x200: {  	[tilespmem:s24], [sflag:$0x1] =	stream.indirect_vreg.gather [hbm4b:s5+s2], $0x80, v21, vm0, $0xb8;
	[tilespmem:$0xDD00] =	vst v63  }
0x201: {  	s19 =	simm.s32 $0x7B00  }
0x202: {  	[tilespmem:s19], [sflag:$0x1] =	stream.indirect_vreg.gather [hbm4b:s5+s2], $0x80, v22, vm0, $0xb8;
	[tilespmem:$0xDD00] =	vst v63  }
0x203: {  	s20 =	simm.s32 $0x7B80  }
0x204: {  	[tilespmem:s20], [sflag:$0x1] =	stream.indirect_vreg.gather [hbm4b:s5+s2], $0x80, v19, vm0, $0xb8;
	[tilespmem:$0xDD00] =	vst v63  }
0x205: {  	v19 =	vld [tilespmem:$0xEC0];
	_ =	sdelay $0x4  }
0x206: {  	v20 =	vshll.u32 v19, $0xA  }
0x207: {  	v19 =	vand.u32 $0x7, v19;
	v20 =	vand.u32 $0xFFFFE000, v20  }
0x208: {  	v19 =	vor.u32 v19, v20  }
0x209: {  	v20 =	vperm.xlane v19, v0;
	_ =	sdelay $0x1  }
0x20a: {  	v21 =	vperm.xlane v19, v5;
	v20 =	vadd.s32 v4, v20;
	_ =	sdelay $0x1  }
0x20b: {  	v22 =	vperm.xlane v19, v6;
	v21 =	vadd.s32 v4, v21;
	_ =	sdelay $0x1  }
0x20c: {  	s22 =	simm.s32 $0x7C00;
	v23 =	vperm.xlane v19, v7;
	v22 =	vadd.s32 v4, v22  }
0x20d: {  	[tilespmem:s22], [sflag:$0x1] =	stream.indirect_vreg.gather [hbm4b:s5+s2], $0x80, v20, vm0, $0xb8;
	[tilespmem:$0xDD00] =	vst v63  }
0x20e: {  	s23 =	simm.s32 $0x7C80;
	v20 =	vadd.s32 v4, v23;
	v23 =	vperm.xlane v19, v8  }
0x20f: {  	[tilespmem:s23], [sflag:$0x1] =	stream.indirect_vreg.gather [hbm4b:s5+s2], $0x80, v21, vm0, $0xb8;
	[tilespmem:$0xDD00] =	vst v63  }
0x210: {  	s24 =	simm.s32 $0x7D00;
	v21 =	vadd.s32 v4, v23;
	v23 =	vperm.xlane v19, v9  }
0x211: {  	[tilespmem:s24], [sflag:$0x1] =	stream.indirect_vreg.gather [hbm4b:s5+s2], $0x80, v22, vm0, $0xb8;
	[tilespmem:$0xDD00] =	vst v63  }
0x212: {  	s19 =	simm.s32 $0x7D80;
	v22 =	vadd.s32 v4, v23;
	v23 =	vperm.xlane v19, v10  }
0x213: {  	[tilespmem:s19], [sflag:$0x1] =	stream.indirect_vreg.gather [hbm4b:s5+s2], $0x80, v20, vm0, $0xb8;
	[tilespmem:$0xDD00] =	vst v63  }
0x214: {  	s20 =	simm.s32 $0x7E00;
	v20 =	vadd.s32 v4, v23;
	v23 =	vperm.xlane v19, v2  }
0x215: {  	[tilespmem:s20], [sflag:$0x1] =	stream.indirect_vreg.gather [hbm4b:s5+s2], $0x80, v21, vm0, $0xb8;
	[tilespmem:$0xDD00] =	vst v63  }
0x216: {  	s22 =	simm.s32 $0x7E80;
	v21 =	vadd.s32 v4, v23;
	v23 =	vperm.xlane v19, v11  }
0x217: {  	[tilespmem:s22], [sflag:$0x1] =	stream.indirect_vreg.gather [hbm4b:s5+s2], $0x80, v22, vm0, $0xb8;
	[tilespmem:$0xDD00] =	vst v63  }
0x218: {  	s23 =	simm.s32 $0x7F00;
	v22 =	vadd.s32 v4, v23;
	v23 =	vperm.xlane v19, v12  }
0x219: {  	[tilespmem:s23], [sflag:$0x1] =	stream.indirect_vreg.gather [hbm4b:s5+s2], $0x80, v20, vm0, $0xb8;
	[tilespmem:$0xDD00] =	vst v63  }
0x21a: {  	s24 =	simm.s32 $0x7F80;
	v20 =	vadd.s32 v4, v23;
	v23 =	vperm.xlane v19, v3  }
0x21b: {  	[tilespmem:s24], [sflag:$0x1] =	stream.indirect_vreg.gather [hbm4b:s5+s2], $0x80, v21, vm0, $0xb8;
	[tilespmem:$0xDD00] =	vst v63  }
0x21c: {  	s19 =	simm.s32 $0x8000;
	v21 =	vadd.s32 v4, v23;
	v23 =	vperm.xlane v19, v13  }
0x21d: {  	[tilespmem:s19], [sflag:$0x1] =	stream.indirect_vreg.gather [hbm4b:s5+s2], $0x80, v22, vm0, $0xb8;
	[tilespmem:$0xDD00] =	vst v63  }
0x21e: {  	s20 =	simm.s32 $0x8080;
	v22 =	vadd.s32 v4, v23;
	v23 =	vperm.xlane v19, v14  }
0x21f: {  	[tilespmem:s20], [sflag:$0x1] =	stream.indirect_vreg.gather [hbm4b:s5+s2], $0x80, v20, vm0, $0xb8;
	[tilespmem:$0xDD00] =	vst v63  }
0x220: {  	s22 =	simm.s32 $0x8100;
	v20 =	vadd.s32 v4, v23;
	v23 =	vperm.xlane v19, v15  }
0x221: {  	[tilespmem:s22], [sflag:$0x1] =	stream.indirect_vreg.gather [hbm4b:s5+s2], $0x80, v21, vm0, $0xb8;
	[tilespmem:$0xDD00] =	vst v63  }
0x222: {  	s23 =	simm.s32 $0x8180;
	v21 =	vadd.s32 v4, v23;
	v23 =	vperm.xlane v19, v16  }
0x223: {  	[tilespmem:s23], [sflag:$0x1] =	stream.indirect_vreg.gather [hbm4b:s5+s2], $0x80, v22, vm0, $0xb8;
	[tilespmem:$0xDD00] =	vst v63  }
0x224: {  	s24 =	simm.s32 $0x8200;
	v19 =	vperm.xlane v19, v17;
	v22 =	vadd.s32 v4, v23  }
0x225: {  	[tilespmem:s24], [sflag:$0x1] =	stream.indirect_vreg.gather [hbm4b:s5+s2], $0x80, v20, vm0, $0xb8;
	[tilespmem:$0xDD00] =	vst v63  }
0x226: {  	s19 =	simm.s32 $0x8280;
	v19 =	vadd.s32 v4, v19  }
0x227: {  	[tilespmem:s19], [sflag:$0x1] =	stream.indirect_vreg.gather [hbm4b:s5+s2], $0x80, v21, vm0, $0xb8;
	[tilespmem:$0xDD00] =	vst v63  }
0x228: {  	s20 =	simm.s32 $0x8300  }
0x229: {  	[tilespmem:s20], [sflag:$0x1] =	stream.indirect_vreg.gather [hbm4b:s5+s2], $0x80, v22, vm0, $0xb8;
	[tilespmem:$0xDD00] =	vst v63  }
0x22a: {  	s22 =	simm.s32 $0x8380  }
0x22b: {  	[tilespmem:s22], [sflag:$0x1] =	stream.indirect_vreg.gather [hbm4b:s5+s2], $0x80, v19, vm0, $0xb8;
	[tilespmem:$0xDD00] =	vst v63  }
0x22c: {  	v19 =	vld [tilespmem:$0xED0];
	_ =	sdelay $0x4  }
0x22d: {  	v20 =	vshll.u32 v19, $0xA  }
0x22e: {  	v19 =	vand.u32 $0x7, v19;
	v20 =	vand.u32 $0xFFFFE000, v20  }
0x22f: {  	v19 =	vor.u32 v19, v20  }
0x230: {  	v20 =	vperm.xlane v19, v0;
	_ =	sdelay $0x1  }
0x231: {  	v21 =	vperm.xlane v19, v5;
	v20 =	vadd.s32 v4, v20;
	_ =	sdelay $0x1  }
0x232: {  	v22 =	vperm.xlane v19, v6;
	v21 =	vadd.s32 v4, v21;
	_ =	sdelay $0x1  }
0x233: {  	s23 =	simm.s32 $0x8400;
	v23 =	vperm.xlane v19, v7;
	v22 =	vadd.s32 v4, v22  }
0x234: {  	[tilespmem:s23], [sflag:$0x1] =	stream.indirect_vreg.gather [hbm4b:s5+s2], $0x80, v20, vm0, $0xb8;
	[tilespmem:$0xDD00] =	vst v63  }
0x235: {  	s24 =	simm.s32 $0x8480;
	v20 =	vadd.s32 v4, v23;
	v23 =	vperm.xlane v19, v8  }
0x236: {  	[tilespmem:s24], [sflag:$0x1] =	stream.indirect_vreg.gather [hbm4b:s5+s2], $0x80, v21, vm0, $0xb8;
	[tilespmem:$0xDD00] =	vst v63  }
0x237: {  	s19 =	simm.s32 $0x8500;
	v21 =	vadd.s32 v4, v23;
	v23 =	vperm.xlane v19, v9  }
0x238: {  	[tilespmem:s19], [sflag:$0x1] =	stream.indirect_vreg.gather [hbm4b:s5+s2], $0x80, v22, vm0, $0xb8;
	[tilespmem:$0xDD00] =	vst v63  }
0x239: {  	s20 =	simm.s32 $0x8580;
	v22 =	vadd.s32 v4, v23;
	v23 =	vperm.xlane v19, v10  }
0x23a: {  	[tilespmem:s20], [sflag:$0x1] =	stream.indirect_vreg.gather [hbm4b:s5+s2], $0x80, v20, vm0, $0xb8;
	[tilespmem:$0xDD00] =	vst v63  }
0x23b: {  	s22 =	simm.s32 $0x8600;
	v20 =	vadd.s32 v4, v23;
	v23 =	vperm.xlane v19, v2  }
0x23c: {  	[tilespmem:s22], [sflag:$0x1] =	stream.indirect_vreg.gather [hbm4b:s5+s2], $0x80, v21, vm0, $0xb8;
	[tilespmem:$0xDD00] =	vst v63  }
0x23d: {  	s23 =	simm.s32 $0x8680;
	v21 =	vadd.s32 v4, v23;
	v23 =	vperm.xlane v19, v11  }
0x23e: {  	[tilespmem:s23], [sflag:$0x1] =	stream.indirect_vreg.gather [hbm4b:s5+s2], $0x80, v22, vm0, $0xb8;
	[tilespmem:$0xDD00] =	vst v63  }
0x23f: {  	s24 =	simm.s32 $0x8700;
	v22 =	vadd.s32 v4, v23;
	v23 =	vperm.xlane v19, v12  }
0x240: {  	[tilespmem:s24], [sflag:$0x1] =	stream.indirect_vreg.gather [hbm4b:s5+s2], $0x80, v20, vm0, $0xb8;
	[tilespmem:$0xDD00] =	vst v63  }
0x241: {  	s19 =	simm.s32 $0x8780;
	v20 =	vadd.s32 v4, v23;
	v23 =	vperm.xlane v19, v3  }
0x242: {  	[tilespmem:s19], [sflag:$0x1] =	stream.indirect_vreg.gather [hbm4b:s5+s2], $0x80, v21, vm0, $0xb8;
	[tilespmem:$0xDD00] =	vst v63  }
0x243: {  	s20 =	simm.s32 $0x8800;
	v21 =	vadd.s32 v4, v23;
	v23 =	vperm.xlane v19, v13  }
0x244: {  	[tilespmem:s20], [sflag:$0x1] =	stream.indirect_vreg.gather [hbm4b:s5+s2], $0x80, v22, vm0, $0xb8;
	[tilespmem:$0xDD00] =	vst v63  }
0x245: {  	s22 =	simm.s32 $0x8880;
	v22 =	vadd.s32 v4, v23;
	v23 =	vperm.xlane v19, v14  }
0x246: {  	[tilespmem:s22], [sflag:$0x1] =	stream.indirect_vreg.gather [hbm4b:s5+s2], $0x80, v20, vm0, $0xb8;
	[tilespmem:$0xDD00] =	vst v63  }
0x247: {  	s23 =	simm.s32 $0x8900;
	v20 =	vadd.s32 v4, v23;
	v23 =	vperm.xlane v19, v15  }
0x248: {  	[tilespmem:s23], [sflag:$0x1] =	stream.indirect_vreg.gather [hbm4b:s5+s2], $0x80, v21, vm0, $0xb8;
	[tilespmem:$0xDD00] =	vst v63  }
0x249: {  	s24 =	simm.s32 $0x8980;
	v21 =	vadd.s32 v4, v23;
	v23 =	vperm.xlane v19, v16  }
0x24a: {  	[tilespmem:s24], [sflag:$0x1] =	stream.indirect_vreg.gather [hbm4b:s5+s2], $0x80, v22, vm0, $0xb8;
	[tilespmem:$0xDD00] =	vst v63  }
0x24b: {  	s19 =	simm.s32 $0x8A00;
	v19 =	vperm.xlane v19, v17;
	v22 =	vadd.s32 v4, v23  }
0x24c: {  	[tilespmem:s19], [sflag:$0x1] =	stream.indirect_vreg.gather [hbm4b:s5+s2], $0x80, v20, vm0, $0xb8;
	[tilespmem:$0xDD00] =	vst v63  }
0x24d: {  	s20 =	simm.s32 $0x8A80;
	v19 =	vadd.s32 v4, v19  }
0x24e: {  	[tilespmem:s20], [sflag:$0x1] =	stream.indirect_vreg.gather [hbm4b:s5+s2], $0x80, v21, vm0, $0xb8;
	[tilespmem:$0xDD00] =	vst v63  }
0x24f: {  	s22 =	simm.s32 $0x8B00  }
0x250: {  	[tilespmem:s22], [sflag:$0x1] =	stream.indirect_vreg.gather [hbm4b:s5+s2], $0x80, v22, vm0, $0xb8;
	[tilespmem:$0xDD00] =	vst v63  }
0x251: {  	s23 =	simm.s32 $0x8B80  }
0x252: {  	[tilespmem:s23], [sflag:$0x1] =	stream.indirect_vreg.gather [hbm4b:s5+s2], $0x80, v19, vm0, $0xb8;
	[tilespmem:$0xDD00] =	vst v63  }
0x253: {  	v19 =	vld [tilespmem:$0xEE0];
	_ =	sdelay $0x4  }
0x254: {  	v20 =	vshll.u32 v19, $0xA  }
0x255: {  	v19 =	vand.u32 $0x7, v19;
	v20 =	vand.u32 $0xFFFFE000, v20  }
0x256: {  	v19 =	vor.u32 v19, v20  }
0x257: {  	v20 =	vperm.xlane v19, v0;
	_ =	sdelay $0x1  }
0x258: {  	v21 =	vperm.xlane v19, v5;
	v20 =	vadd.s32 v4, v20;
	_ =	sdelay $0x1  }
0x259: {  	v22 =	vperm.xlane v19, v6;
	v21 =	vadd.s32 v4, v21;
	_ =	sdelay $0x1  }
0x25a: {  	s24 =	simm.s32 $0x8C00;
	v23 =	vperm.xlane v19, v7;
	v22 =	vadd.s32 v4, v22  }
0x25b: {  	[tilespmem:s24], [sflag:$0x1] =	stream.indirect_vreg.gather [hbm4b:s5+s2], $0x80, v20, vm0, $0xb8;
	[tilespmem:$0xDD00] =	vst v63  }
0x25c: {  	s19 =	simm.s32 $0x8C80;
	v20 =	vadd.s32 v4, v23;
	v23 =	vperm.xlane v19, v8  }
0x25d: {  	[tilespmem:s19], [sflag:$0x1] =	stream.indirect_vreg.gather [hbm4b:s5+s2], $0x80, v21, vm0, $0xb8;
	[tilespmem:$0xDD00] =	vst v63  }
0x25e: {  	s20 =	simm.s32 $0x8D00;
	v21 =	vadd.s32 v4, v23;
	v23 =	vperm.xlane v19, v9  }
0x25f: {  	[tilespmem:s20], [sflag:$0x1] =	stream.indirect_vreg.gather [hbm4b:s5+s2], $0x80, v22, vm0, $0xb8;
	[tilespmem:$0xDD00] =	vst v63  }
0x260: {  	s22 =	simm.s32 $0x8D80;
	v22 =	vadd.s32 v4, v23;
	v23 =	vperm.xlane v19, v10  }
0x261: {  	[tilespmem:s22], [sflag:$0x1] =	stream.indirect_vreg.gather [hbm4b:s5+s2], $0x80, v20, vm0, $0xb8;
	[tilespmem:$0xDD00] =	vst v63  }
0x262: {  	s23 =	simm.s32 $0x8E00;
	v20 =	vadd.s32 v4, v23;
	v23 =	vperm.xlane v19, v2  }
0x263: {  	[tilespmem:s23], [sflag:$0x1] =	stream.indirect_vreg.gather [hbm4b:s5+s2], $0x80, v21, vm0, $0xb8;
	[tilespmem:$0xDD00] =	vst v63  }
0x264: {  	s24 =	simm.s32 $0x8E80;
	v21 =	vadd.s32 v4, v23;
	v23 =	vperm.xlane v19, v11  }
0x265: {  	[tilespmem:s24], [sflag:$0x1] =	stream.indirect_vreg.gather [hbm4b:s5+s2], $0x80, v22, vm0, $0xb8;
	[tilespmem:$0xDD00] =	vst v63  }
0x266: {  	s19 =	simm.s32 $0x8F00;
	v22 =	vadd.s32 v4, v23;
	v23 =	vperm.xlane v19, v12  }
0x267: {  	[tilespmem:s19], [sflag:$0x1] =	stream.indirect_vreg.gather [hbm4b:s5+s2], $0x80, v20, vm0, $0xb8;
	[tilespmem:$0xDD00] =	vst v63  }
0x268: {  	s20 =	simm.s32 $0x8F80;
	v20 =	vadd.s32 v4, v23;
	v23 =	vperm.xlane v19, v3  }
0x269: {  	[tilespmem:s20], [sflag:$0x1] =	stream.indirect_vreg.gather [hbm4b:s5+s2], $0x80, v21, vm0, $0xb8;
	[tilespmem:$0xDD00] =	vst v63  }
0x26a: {  	s22 =	simm.s32 $0x9000;
	v21 =	vadd.s32 v4, v23;
	v23 =	vperm.xlane v19, v13  }
0x26b: {  	[tilespmem:s22], [sflag:$0x1] =	stream.indirect_vreg.gather [hbm4b:s5+s2], $0x80, v22, vm0, $0xb8;
	[tilespmem:$0xDD00] =	vst v63  }
0x26c: {  	s23 =	simm.s32 $0x9080;
	v22 =	vadd.s32 v4, v23;
	v23 =	vperm.xlane v19, v14  }
0x26d: {  	[tilespmem:s23], [sflag:$0x1] =	stream.indirect_vreg.gather [hbm4b:s5+s2], $0x80, v20, vm0, $0xb8;
	[tilespmem:$0xDD00] =	vst v63  }
0x26e: {  	s24 =	simm.s32 $0x9100;
	v20 =	vadd.s32 v4, v23;
	v23 =	vperm.xlane v19, v15  }
0x26f: {  	[tilespmem:s24], [sflag:$0x1] =	stream.indirect_vreg.gather [hbm4b:s5+s2], $0x80, v21, vm0, $0xb8;
	[tilespmem:$0xDD00] =	vst v63  }
0x270: {  	s19 =	simm.s32 $0x9180;
	v21 =	vadd.s32 v4, v23;
	v23 =	vperm.xlane v19, v16  }
0x271: {  	[tilespmem:s19], [sflag:$0x1] =	stream.indirect_vreg.gather [hbm4b:s5+s2], $0x80, v22, vm0, $0xb8;
	[tilespmem:$0xDD00] =	vst v63  }
0x272: {  	s20 =	simm.s32 $0x9200;
	v19 =	vperm.xlane v19, v17;
	v22 =	vadd.s32 v4, v23  }
0x273: {  	[tilespmem:s20], [sflag:$0x1] =	stream.indirect_vreg.gather [hbm4b:s5+s2], $0x80, v20, vm0, $0xb8;
	[tilespmem:$0xDD00] =	vst v63  }
0x274: {  	s22 =	simm.s32 $0x9280;
	v19 =	vadd.s32 v4, v19  }
0x275: {  	[tilespmem:s22], [sflag:$0x1] =	stream.indirect_vreg.gather [hbm4b:s5+s2], $0x80, v21, vm0, $0xb8;
	[tilespmem:$0xDD00] =	vst v63  }
0x276: {  	s23 =	simm.s32 $0x9300  }
0x277: {  	[tilespmem:s23], [sflag:$0x1] =	stream.indirect_vreg.gather [hbm4b:s5+s2], $0x80, v22, vm0, $0xb8;
	[tilespmem:$0xDD00] =	vst v63  }
0x278: {  	s24 =	simm.s32 $0x9380  }
0x279: {  	[tilespmem:s24], [sflag:$0x1] =	stream.indirect_vreg.gather [hbm4b:s5+s2], $0x80, v19, vm0, $0xb8;
	[tilespmem:$0xDD00] =	vst v63  }
0x27a: {  	v19 =	vld [tilespmem:$0xEF0];
	_ =	sdelay $0x4  }
0x27b: {  	v20 =	vshll.u32 v19, $0xA  }
0x27c: {  	v19 =	vand.u32 $0x7, v19;
	v20 =	vand.u32 $0xFFFFE000, v20  }
0x27d: {  	v19 =	vor.u32 v19, v20  }
0x27e: {  	v20 =	vperm.xlane v19, v0;
	_ =	sdelay $0x1  }
0x27f: {  	v21 =	vperm.xlane v19, v5;
	v20 =	vadd.s32 v4, v20;
	_ =	sdelay $0x1  }
0x280: {  	v22 =	vperm.xlane v19, v6;
	v21 =	vadd.s32 v4, v21;
	_ =	sdelay $0x1  }
0x281: {  	s19 =	simm.s32 $0x9400;
	v23 =	vperm.xlane v19, v7;
	v22 =	vadd.s32 v4, v22  }
0x282: {  	[tilespmem:s19], [sflag:$0x1] =	stream.indirect_vreg.gather [hbm4b:s5+s2], $0x80, v20, vm0, $0xb8;
	[tilespmem:$0xDD00] =	vst v63  }
0x283: {  	s20 =	simm.s32 $0x9480;
	v20 =	vadd.s32 v4, v23;
	v23 =	vperm.xlane v19, v8  }
0x284: {  	[tilespmem:s20], [sflag:$0x1] =	stream.indirect_vreg.gather [hbm4b:s5+s2], $0x80, v21, vm0, $0xb8;
	[tilespmem:$0xDD00] =	vst v63  }
0x285: {  	s22 =	simm.s32 $0x9500;
	v21 =	vadd.s32 v4, v23;
	v23 =	vperm.xlane v19, v9  }
0x286: {  	[tilespmem:s22], [sflag:$0x1] =	stream.indirect_vreg.gather [hbm4b:s5+s2], $0x80, v22, vm0, $0xb8;
	[tilespmem:$0xDD00] =	vst v63  }
0x287: {  	v22 =	vadd.s32 v4, v23;
	v23 =	vperm.xlane v19, v10  }
0x288: {  	[tilespmem:s0], [sflag:$0x1] =	stream.indirect_vreg.gather [hbm4b:s5+s2], $0x80, v20, vm0, $0xb8;
	[tilespmem:$0xDD00] =	vst v63  }
0x289: {  	v20 =	vadd.s32 v4, v23;
	v23 =	vperm.xlane v19, v2  }
0x28a: {  	[tilespmem:s1], [sflag:$0x1] =	stream.indirect_vreg.gather [hbm4b:s5+s2], $0x80, v21, vm0, $0xb8;
	[tilespmem:$0xDD00] =	vst v63  }
0x28b: {  	v21 =	vadd.s32 v4, v23;
	v23 =	vperm.xlane v19, v11  }
0x28c: {  	[tilespmem:s29], [sflag:$0x1] =	stream.indirect_vreg.gather [hbm4b:s5+s2], $0x80, v22, vm0, $0xb8;
	[tilespmem:$0xDD00] =	vst v63  }
0x28d: {  	v22 =	vadd.s32 v4, v23;
	v23 =	vperm.xlane v19, v12  }
0x28e: {  	[tilespmem:s31], [sflag:$0x1] =	stream.indirect_vreg.gather [hbm4b:s5+s2], $0x80, v20, vm0, $0xb8;
	[tilespmem:$0xDD00] =	vst v63  }
0x28f: {  	v20 =	vadd.s32 v4, v23;
	v23 =	vperm.xlane v19, v3  }
0x290: {  	[tilespmem:s30], [sflag:$0x1] =	stream.indirect_vreg.gather [hbm4b:s5+s2], $0x80, v21, vm0, $0xb8;
	[tilespmem:$0xDD00] =	vst v63  }
0x291: {  	v21 =	vadd.s32 v4, v23;
	v23 =	vperm.xlane v19, v13  }
0x292: {  	[tilespmem:s25], [sflag:$0x1] =	stream.indirect_vreg.gather [hbm4b:s5+s2], $0x80, v22, vm0, $0xb8;
	[tilespmem:$0xDD00] =	vst v63  }
0x293: {  	v22 =	vadd.s32 v4, v23;
	v23 =	vperm.xlane v19, v14  }
0x294: {  	[tilespmem:s28], [sflag:$0x1] =	stream.indirect_vreg.gather [hbm4b:s5+s2], $0x80, v20, vm0, $0xb8;
	[tilespmem:$0xDD00] =	vst v63  }
0x295: {  	v20 =	vadd.s32 v4, v23;
	v23 =	vperm.xlane v19, v15  }
0x296: {  	[tilespmem:s26], [sflag:$0x1] =	stream.indirect_vreg.gather [hbm4b:s5+s2], $0x80, v21, vm0, $0xb8;
	[tilespmem:$0xDD00] =	vst v63  }
0x297: {  	s23 =	simm.s32 $0x9980;
	v21 =	vadd.s32 v4, v23  }
0x298: {  	v23 =	vperm.xlane v19, v16;
	[tilespmem:s23], [sflag:$0x1] =	stream.indirect_vreg.gather [hbm4b:s5+s2], $0x80, v22, vm0, $0xb8;
	[tilespmem:$0xDD00] =	vst v63  }
0x299: {  	s24 =	simm.s32 $0x9A00  }
0x29a: {  	v19 =	vperm.xlane v19, v17;
	v22 =	vadd.s32 v4, v23;
	[tilespmem:s24], [sflag:$0x1] =	stream.indirect_vreg.gather [hbm4b:s5+s2], $0x80, v20, vm0, $0xb8;
	[tilespmem:$0xDD00] =	vst v63  }
0x29b: {  	_ = 	snop  }
0x29c: {  	v19 =	vadd.s32 v4, v19;
	[tilespmem:s12], [sflag:$0x1] =	stream.indirect_vreg.gather [hbm4b:s5+s2], $0x80, v21, vm0, $0xb8;
	[tilespmem:$0xDD00] =	vst v63  }
.Ltmp2:
0x29d: {  	_ = 	snop;
	(pc) =	sbr.rel .LBB2_2-.Ltmp2, $4  }
0x29e: {  	s9 =	smov.u32 s21  }
0x29f: {  	[tilespmem:s13], [sflag:$0x1] =	stream.indirect_vreg.gather [hbm4b:s5+s2], $0x80, v22, vm0, $0xb8;
	[tilespmem:$0xDD00] =	vst v63  }
0x2a0: {  	s19 =	simm.s32 $0xF70;
	s20 =	simm.s32 $0x100;
	s22 =	simm.s32 $0x0  }
0x2a1: {  	v20 =	vimm.f32 $0.0e+00;
	[tilespmem:s14], [sflag:$0x1] =	stream.indirect_vreg.gather [hbm4b:s5+s2], $0x80, v19, vm0, $0xb8;
	v19 =	vimm.f32 $0.0e+00;
	[tilespmem:$0xDD00] =	vst v63  }
.LBB2_4:
0x2a2: {  	s23 =	smulhi.u32 $0xAAAAAAAB, s22;
	_ =	sdelay $0x1  }
0x2a3: {  	s23 =	sshrl.u32 s23, $0x1  }
0x2a4: {  	s23 =	smul.u32 $0xFFFFFFFD, s23;
	_ =	sdelay $0x1  }
0x2a5: {  	v21 =	vmul.u32 $0x81, v1;
	s23 =	sadd.s32 s23, s22  }
0x2a6: {  	s23 =	sshll.u32 s23, $0xE  }
0x2a7: {  	v22 =	vor.u32 s23, v21;
	_ =	sdelay $0x1  }
0x2a8: {  	_ =	swait.ge [sflag:s15], $0x4000  }
0x2a9: {  	[sflag:s15] =	ssyncset.done $0x0;
	v23 =	vadd.s32 $0x810, v21  }
0x2aa: {  	[sflag:s15] =	ssyncadd.s32 $0xFFFFC000;
	v23 =	vor.u32 s23, v23  }
0x2ab: {  	v22 =	vld.idx.msk [tilespmem:v22+s11+$0x0], $0xffff  }
0x2ac: {  	v25 =	vadd.s32 $0x1020, v21  }
0x2ad: {  	v24 =	vld [tilespmem:s20+$0xFFFFFF00];
	v25 =	vor.u32 s23, v25  }
0x2ae: {  	v26 =	vadd.s32 $0x1830, v21  }
0x2af: {  	v27 =	vadd.s32 $0x2040, v21;
	v26 =	vor.u32 s23, v26;
	v23 =	vld.idx.msk [tilespmem:v23+s11+$0x0], $0xffff  }
0x2b0: {  	v27 =	vor.u32 s23, v27;
	v22 =	vsub.f32 $1.000000000e+00, v22  }
0x2b1: {  	v30 =	vadd.s32 $0x2850, v21;
	v52 =	vld [tilespmem:s20+$0xFFFFFF10]  }
0x2b2: {  	v30 =	vor.u32 s23, v30;
	vm1 =	veq.s32 v24, $0xFFFFFFFF;
	v25 =	vld.idx.msk [tilespmem:v25+s11+$0x0], $0xffff;
	v22 =	vmul.f32 v22, v22  }
0x2b3: {  	v29 =	vld [tilespmem:s20+$0xFFFFFF20];
	v28 =	vsel vm1, $0x0, v18  }
0x2b4: {  	v26 =	vld.idx.msk [tilespmem:v26+s11+$0x0], $0xffff;
	v23 =	vsub.f32 $1.000000000e+00, v23;
	v22 =	vmul.f32 v28, v22  }
0x2b5: {  	v53 =	vadd.s32 $0x3060, v21;
	v21 =	vadd.s32 $0x3870, v21;
	v27 =	vld.idx.msk [tilespmem:v27+s11+$0x0], $0xffff  }
0x2b6: {  	vm1 =	veq.s32 v52, $0xFFFFFFFF;
	v20 =	vadd.f32 v22, v20;
	v22 =	vmul.f32 v23, v23;
	v23 =	vld [tilespmem:s20+$0xFFFFFF30]  }
0x2b7: {  	v24 =	vor.u32 s23, v53;
	v54 =	vsel vm1, $0x0, v18;
	v30 =	vld.idx.msk [tilespmem:v30+s11+$0x0], $0xffff;
	v25 =	vsub.f32 $1.000000000e+00, v25  }
0x2b8: {  	v21 =	vor.u32 s23, v21;
	v19 =	vadd.f32 v28, v19;
	v22 =	vmul.f32 v54, v22  }
0x2b9: {  	v55 =	vld [tilespmem:s20+$0xFFFFFF40];
	vm1 =	veq.s32 v29, $0xFFFFFFFF;
	v26 =	vsub.f32 $1.000000000e+00, v26;
	v25 =	vmul.f32 v25, v25  }
0x2ba: {  	v19 =	vadd.f32 v54, v19;
	v20 =	vadd.f32 v22, v20;
	v22 =	vsel vm1, $0x0, v18  }
0x2bb: {  	v56 =	vld [tilespmem:s20+$0xFFFFFF50];
	v25 =	vmul.f32 v22, v25;
	vm1 =	veq.s32 v23, $0xFFFFFFFF;
	v23 =	vmul.f32 v26, v26  }
0x2bc: {  	v24 =	vld.idx.msk [tilespmem:v24+s11+$0x0], $0xffff;
	v27 =	vsub.f32 $1.000000000e+00, v27;
	v59 =	vsub.f32 $1.000000000e+00, v30;
	v57 =	vsel vm1, $0x0, v18  }
0x2bd: {  	v21 =	vld.idx.msk [tilespmem:v21+s11+$0x0], $0xffff;
	v19 =	vadd.f32 v22, v19;
	v20 =	vadd.f32 v25, v20;
	v22 =	vmul.f32 v57, v23  }
0x2be: {  	v58 =	vmul.f32 v27, v27;
	vm1 =	veq.s32 v55, $0xFFFFFFFF;
	v23 =	vld [tilespmem:s20+$0xFFFFFF60]  }
0x2bf: {  	v60 =	vmul.f32 v59, v59;
	v20 =	vadd.f32 v22, v20;
	v22 =	vsel vm1, $0x0, v18  }
0x2c0: {  	v61 =	vld [tilespmem:s20+$0xFFFFFF70];
	v19 =	vadd.f32 v57, v19;
	vm1 =	veq.s32 v56, $0xFFFFFFFF;
	v25 =	vmul.f32 v22, v58  }
0x2c1: {  	v24 =	vsub.f32 $1.000000000e+00, v24;
	v62 =	vsel vm1, $0x0, v18  }
0x2c2: {  	v19 =	vadd.f32 v22, v19;
	v22 =	vmul.f32 v62, v60;
	v20 =	vadd.f32 v25, v20  }
0x2c3: {  	v21 =	vsub.f32 $1.000000000e+00, v21;
	vm1 =	veq.s32 v23, $0xFFFFFFFF;
	v23 =	vmul.f32 v24, v24  }
0x2c4: {  	s22 =	sadd.s32 $0x1, s22;
	v20 =	vadd.f32 v22, v20;
	v22 =	vsel vm1, $0x0, v18  }
0x2c5: {  	p0 =	sne.s32 s22, $0x1C;
	v21 =	vmul.f32 v21, v21;
	vm1 =	veq.s32 v61, $0xFFFFFFFF;
	v23 =	vmul.f32 v22, v23  }
.Ltmp3:
0x2c6: {  	v19 =	vadd.f32 v62, v19;
	v63 =	vsel vm1, $0x0, v18;
	(pc) =	sbr.rel @!p0 .LBB2_5-.Ltmp3, $4  }
0x2c7: {  	v21 =	vmul.f32 v63, v21;
	v20 =	vadd.f32 v23, v20  }
0x2c8: {  	v19 =	vadd.f32 v22, v19  }
0x2c9: {  	v20 =	vadd.f32 v21, v20  }
0x2ca: {  	s19 =	sadd.s32 $0x80, s19;
	s9 =	sadd.s32 $0x80, s9;
	s20 =	sadd.s32 $0x80, s20;
	v19 =	vadd.f32 v63, v19  }
.LBB2_2:
0x2cb: {  	p0 =	sgt.u32 s22, $0x19  }
.Ltmp4:
0x2cc: {  	_ = 	snop;
	(pc) =	sbr.rel @p0 .LBB2_4-.Ltmp4, $1  }
0x2cd: {  	_ =	sdelay $0x3  }
0x2ce: {  	v21 =	vld [tilespmem:s20+$0x0];
	_ =	sdelay $0x4  }
0x2cf: {  	vm1 =	veq.s32 v21, $0xFFFFFFFF  }
0x2d0: {  	v21 =	vsel vm1, $0x0, v21  }
0x2d1: {  	[tilespmem:s19+$0xFFFFFF90] =	vst v21  }
0x2d2: {  	v21 =	vld [tilespmem:s20+$0x10];
	_ =	sdelay $0x4  }
0x2d3: {  	vm1 =	veq.s32 v21, $0xFFFFFFFF  }
0x2d4: {  	v21 =	vsel vm1, $0x0, v21  }
0x2d5: {  	[tilespmem:s19+$0xFFFFFFA0] =	vst v21  }
0x2d6: {  	v21 =	vld [tilespmem:s20+$0x20];
	_ =	sdelay $0x4  }
0x2d7: {  	vm1 =	veq.s32 v21, $0xFFFFFFFF  }
0x2d8: {  	v21 =	vsel vm1, $0x0, v21  }
0x2d9: {  	[tilespmem:s19+$0xFFFFFFB0] =	vst v21  }
0x2da: {  	v21 =	vld [tilespmem:s20+$0x30];
	_ =	sdelay $0x4  }
0x2db: {  	vm1 =	veq.s32 v21, $0xFFFFFFFF  }
0x2dc: {  	v21 =	vsel vm1, $0x0, v21  }
0x2dd: {  	[tilespmem:s19+$0xFFFFFFC0] =	vst v21  }
0x2de: {  	v21 =	vld [tilespmem:s20+$0x40];
	_ =	sdelay $0x4  }
0x2df: {  	vm1 =	veq.s32 v21, $0xFFFFFFFF  }
0x2e0: {  	v21 =	vsel vm1, $0x0, v21  }
0x2e1: {  	[tilespmem:s19+$0xFFFFFFD0] =	vst v21  }
0x2e2: {  	v21 =	vld [tilespmem:s20+$0x50];
	_ =	sdelay $0x4  }
0x2e3: {  	vm1 =	veq.s32 v21, $0xFFFFFFFF  }
0x2e4: {  	v21 =	vsel vm1, $0x0, v21  }
0x2e5: {  	[tilespmem:s19+$0xFFFFFFE0] =	vst v21  }
0x2e6: {  	v21 =	vld [tilespmem:s20+$0x60]  }
0x2e7: {  	v22 =	vld [tilespmem:s19+$0xFFFFFF90];
	_ =	sdelay $0x3  }
0x2e8: {  	s23 =	sadd.s32 $0x2, s22;
	vm1 =	veq.s32 v21, $0xFFFFFFFF  }
0x2e9: {  	s24 =	smul.u32 $0xAB, s23;
	v23 =	vshll.u32 v22, $0xA;
	v21 =	vsel vm1, $0x0, v21  }
0x2ea: {  	[tilespmem:s19+$0xFFFFFFF0] =	vst v21;
	v21 =	vand.u32 $0x7, v22;
	v22 =	vand.u32 $0xFFFFE000, v23  }
0x2eb: {  	s24 =	sshrl.u32 s24, $0x9;
	v23 =	vld [tilespmem:s20+$0x70];
	v21 =	vor.u32 v21, v22  }
0x2ec: {  	s24 =	sand.u32 $0x7F, s24;
	v22 =	vperm.xlane v21, v0  }
0x2ed: {  	s24 =	smul.u32 $0x3, s24  }
0x2ee: {  	v24 =	vperm.xlane v21, v5;
	v22 =	vadd.s32 v4, v22  }
0x2ef: {  	s23 =	ssub.s32 s23, s24  }
0x2f0: {  	s23 =	sand.u32 $0xFF, s23;
	v25 =	vperm.xlane v21, v6;
	v24 =	vadd.s32 v4, v24;
	vm1 =	veq.s32 v23, $0xFFFFFFFF  }
0x2f1: {  	s23 =	sshll.u32 s23, $0xE;
	v23 =	vsel vm1, $0x0, v23  }
0x2f2: {  	s24 =	sor.u32 $0x1C00, s23;
	v37 =	vperm.xlane v21, v7;
	[tilespmem:s19+$0x0] =	vst v23;
	v23 =	vadd.s32 v4, v25  }
0x2f3: {  	[tilespmem:s24], [sflag:$0x1] =	stream.indirect_vreg.gather [hbm4b:s9+s2], $0x80, v22, vm0, $0xb8;
	[tilespmem:$0xDD00] =	vst v63  }
0x2f4: {  	v38 =	vperm.xlane v21, v8;
	s24 =	sor.u32 $0x1C80, s23;
	v22 =	vadd.s32 v4, v37  }
0x2f5: {  	[tilespmem:s24], [sflag:$0x1] =	stream.indirect_vreg.gather [hbm4b:s9+s2], $0x80, v24, vm0, $0xb8;
	[tilespmem:$0xDD00] =	vst v63  }
0x2f6: {  	v40 =	vperm.xlane v21, v9;
	v39 =	vadd.s32 v4, v38;
	s24 =	sor.u32 $0x1D00, s23  }
0x2f7: {  	[tilespmem:s24], [sflag:$0x1] =	stream.indirect_vreg.gather [hbm4b:s9+s2], $0x80, v23, vm0, $0xb8;
	[tilespmem:$0xDD00] =	vst v63  }
0x2f8: {  	v41 =	vperm.xlane v21, v10;
	s24 =	sor.u32 $0x1D80, s23;
	v23 =	vadd.s32 v4, v40  }
0x2f9: {  	[tilespmem:s24], [sflag:$0x1] =	stream.indirect_vreg.gather [hbm4b:s9+s2], $0x80, v22, vm0, $0xb8;
	[tilespmem:$0xDD00] =	vst v63  }
0x2fa: {  	v42 =	vperm.xlane v21, v2;
	s24 =	sor.u32 $0x1E00, s23;
	v22 =	vadd.s32 v4, v41  }
0x2fb: {  	[tilespmem:s24], [sflag:$0x1] =	stream.indirect_vreg.gather [hbm4b:s9+s2], $0x80, v39, vm0, $0xb8;
	[tilespmem:$0xDD00] =	vst v63  }
0x2fc: {  	v44 =	vperm.xlane v21, v11;
	v43 =	vadd.s32 v4, v42;
	s24 =	sor.u32 $0x1E80, s23  }
0x2fd: {  	[tilespmem:s24], [sflag:$0x1] =	stream.indirect_vreg.gather [hbm4b:s9+s2], $0x80, v23, vm0, $0xb8;
	[tilespmem:$0xDD00] =	vst v63  }
0x2fe: {  	v45 =	vperm.xlane v21, v12;
	s24 =	sor.u32 $0x1F00, s23;
	v23 =	vadd.s32 v4, v44  }
0x2ff: {  	[tilespmem:s24], [sflag:$0x1] =	stream.indirect_vreg.gather [hbm4b:s9+s2], $0x80, v22, vm0, $0xb8;
	[tilespmem:$0xDD00] =	vst v63  }
0x300: {  	v46 =	vperm.xlane v21, v3;
	s24 =	sor.u32 $0x1F80, s23;
	v22 =	vadd.s32 v4, v45  }
0x301: {  	[tilespmem:s24], [sflag:$0x1] =	stream.indirect_vreg.gather [hbm4b:s9+s2], $0x80, v43, vm0, $0xb8;
	[tilespmem:$0xDD00] =	vst v63  }
0x302: {  	v48 =	vperm.xlane v21, v13;
	v47 =	vadd.s32 v4, v46;
	s24 =	sor.u32 $0x2000, s23  }
0x303: {  	[tilespmem:s24], [sflag:$0x1] =	stream.indirect_vreg.gather [hbm4b:s9+s2], $0x80, v23, vm0, $0xb8;
	[tilespmem:$0xDD00] =	vst v63  }
0x304: {  	v49 =	vperm.xlane v21, v14;
	s24 =	sor.u32 $0x2080, s23;
	v23 =	vadd.s32 v4, v48  }
0x305: {  	[tilespmem:s24], [sflag:$0x1] =	stream.indirect_vreg.gather [hbm4b:s9+s2], $0x80, v22, vm0, $0xb8;
	[tilespmem:$0xDD00] =	vst v63  }
0x306: {  	v50 =	vperm.xlane v21, v15;
	s24 =	sor.u32 $0x2100, s23;
	v22 =	vadd.s32 v4, v49  }
0x307: {  	[tilespmem:s24], [sflag:$0x1] =	stream.indirect_vreg.gather [hbm4b:s9+s2], $0x80, v47, vm0, $0xb8;
	[tilespmem:$0xDD00] =	vst v63  }
0x308: {  	v52 =	vperm.xlane v21, v16;
	v51 =	vadd.s32 v4, v50;
	s24 =	sor.u32 $0x2180, s23  }
0x309: {  	[tilespmem:s24], [sflag:$0x1] =	stream.indirect_vreg.gather [hbm4b:s9+s2], $0x80, v23, vm0, $0xb8;
	[tilespmem:$0xDD00] =	vst v63  }
0x30a: {  	v21 =	vperm.xlane v21, v17;
	s24 =	sor.u32 $0x2200, s23;
	v23 =	vadd.s32 v4, v52  }
0x30b: {  	[tilespmem:s24], [sflag:$0x1] =	stream.indirect_vreg.gather [hbm4b:s9+s2], $0x80, v22, vm0, $0xb8;
	[tilespmem:$0xDD00] =	vst v63  }
0x30c: {  	v21 =	vadd.s32 v4, v21;
	s24 =	sor.u32 $0x2280, s23  }
0x30d: {  	[tilespmem:s24], [sflag:$0x1] =	stream.indirect_vreg.gather [hbm4b:s9+s2], $0x80, v51, vm0, $0xb8;
	[tilespmem:$0xDD00] =	vst v63  }
0x30e: {  	s24 =	sor.u32 $0x2300, s23  }
0x30f: {  	[tilespmem:s24], [sflag:$0x1] =	stream.indirect_vreg.gather [hbm4b:s9+s2], $0x80, v23, vm0, $0xb8;
	[tilespmem:$0xDD00] =	vst v63  }
0x310: {  	s24 =	sor.u32 $0x2380, s23  }
0x311: {  	[tilespmem:s24], [sflag:$0x1] =	stream.indirect_vreg.gather [hbm4b:s9+s2], $0x80, v21, vm0, $0xb8;
	[tilespmem:$0xDD00] =	vst v63  }
0x312: {  	v21 =	vld [tilespmem:s19+$0xFFFFFFA0];
	_ =	sdelay $0x4  }
0x313: {  	v22 =	vshll.u32 v21, $0xA  }
0x314: {  	v21 =	vand.u32 $0x7, v21;
	v22 =	vand.u32 $0xFFFFE000, v22  }
0x315: {  	v21 =	vor.u32 v21, v22  }
0x316: {  	v22 =	vperm.xlane v21, v0;
	_ =	sdelay $0x1  }
0x317: {  	v23 =	vperm.xlane v21, v5;
	v22 =	vadd.s32 v4, v22;
	_ =	sdelay $0x1  }
0x318: {  	v53 =	vperm.xlane v21, v6;
	v23 =	vadd.s32 v4, v23;
	_ =	sdelay $0x1  }
0x319: {  	s24 =	sor.u32 $0x2400, s23;
	v54 =	vperm.xlane v21, v7;
	v24 =	vadd.s32 v4, v53  }
0x31a: {  	[tilespmem:s24], [sflag:$0x1] =	stream.indirect_vreg.gather [hbm4b:s9+s2], $0x80, v22, vm0, $0xb8;
	[tilespmem:$0xDD00] =	vst v63  }
0x31b: {  	v55 =	vperm.xlane v21, v8;
	s24 =	sor.u32 $0x2480, s23;
	v22 =	vadd.s32 v4, v54  }
0x31c: {  	[tilespmem:s24], [sflag:$0x1] =	stream.indirect_vreg.gather [hbm4b:s9+s2], $0x80, v23, vm0, $0xb8;
	[tilespmem:$0xDD00] =	vst v63  }
0x31d: {  	v56 =	vperm.xlane v21, v9;
	s24 =	sor.u32 $0x2500, s23;
	v23 =	vadd.s32 v4, v55  }
0x31e: {  	[tilespmem:s24], [sflag:$0x1] =	stream.indirect_vreg.gather [hbm4b:s9+s2], $0x80, v24, vm0, $0xb8;
	[tilespmem:$0xDD00] =	vst v63  }
0x31f: {  	v58 =	vperm.xlane v21, v10;
	v57 =	vadd.s32 v4, v56;
	s24 =	sor.u32 $0x2580, s23  }
0x320: {  	[tilespmem:s24], [sflag:$0x1] =	stream.indirect_vreg.gather [hbm4b:s9+s2], $0x80, v22, vm0, $0xb8;
	[tilespmem:$0xDD00] =	vst v63  }
0x321: {  	v59 =	vperm.xlane v21, v2;
	s24 =	sor.u32 $0x2600, s23;
	v22 =	vadd.s32 v4, v58  }
0x322: {  	[tilespmem:s24], [sflag:$0x1] =	stream.indirect_vreg.gather [hbm4b:s9+s2], $0x80, v23, vm0, $0xb8;
	[tilespmem:$0xDD00] =	vst v63  }
0x323: {  	v60 =	vperm.xlane v21, v11;
	s24 =	sor.u32 $0x2680, s23;
	v23 =	vadd.s32 v4, v59  }
0x324: {  	[tilespmem:s24], [sflag:$0x1] =	stream.indirect_vreg.gather [hbm4b:s9+s2], $0x80, v57, vm0, $0xb8;
	[tilespmem:$0xDD00] =	vst v63  }
0x325: {  	v62 =	vperm.xlane v21, v12;
	v61 =	vadd.s32 v4, v60;
	s24 =	sor.u32 $0x2700, s23  }
0x326: {  	[tilespmem:s24], [sflag:$0x1] =	stream.indirect_vreg.gather [hbm4b:s9+s2], $0x80, v22, vm0, $0xb8;
	[tilespmem:$0xDD00] =	vst v63  }
0x327: {  	v63 =	vperm.xlane v21, v3;
	s24 =	sor.u32 $0x2780, s23;
	v22 =	vadd.s32 v4, v62  }
0x328: {  	[tilespmem:s24], [sflag:$0x1] =	stream.indirect_vreg.gather [hbm4b:s9+s2], $0x80, v23, vm0, $0xb8;
	[tilespmem:$0xDD00] =	vst v63  }
0x329: {  	v28 =	vperm.xlane v21, v13;
	s24 =	sor.u32 $0x2800, s23;
	v23 =	vadd.s32 v4, v63  }
0x32a: {  	[tilespmem:s24], [sflag:$0x1] =	stream.indirect_vreg.gather [hbm4b:s9+s2], $0x80, v61, vm0, $0xb8;
	[tilespmem:$0xDD00] =	vst v63  }
0x32b: {  	v30 =	vperm.xlane v21, v14;
	v29 =	vadd.s32 v4, v28;
	s24 =	sor.u32 $0x2880, s23  }
0x32c: {  	[tilespmem:s24], [sflag:$0x1] =	stream.indirect_vreg.gather [hbm4b:s9+s2], $0x80, v22, vm0, $0xb8;
	[tilespmem:$0xDD00] =	vst v63  }
0x32d: {  	v31 =	vperm.xlane v21, v15;
	s24 =	sor.u32 $0x2900, s23;
	v22 =	vadd.s32 v4, v30  }
0x32e: {  	[tilespmem:s24], [sflag:$0x1] =	stream.indirect_vreg.gather [hbm4b:s9+s2], $0x80, v23, vm0, $0xb8;
	[tilespmem:$0xDD00] =	vst v63  }
0x32f: {  	v32 =	vperm.xlane v21, v16;
	s24 =	sor.u32 $0x2980, s23;
	v23 =	vadd.s32 v4, v31  }
0x330: {  	[tilespmem:s24], [sflag:$0x1] =	stream.indirect_vreg.gather [hbm4b:s9+s2], $0x80, v29, vm0, $0xb8;
	[tilespmem:$0xDD00] =	vst v63  }
0x331: {  	v21 =	vperm.xlane v21, v17;
	v33 =	vadd.s32 v4, v32;
	s24 =	sor.u32 $0x2A00, s23  }
0x332: {  	[tilespmem:s24], [sflag:$0x1] =	stream.indirect_vreg.gather [hbm4b:s9+s2], $0x80, v22, vm0, $0xb8;
	[tilespmem:$0xDD00] =	vst v63  }
0x333: {  	v21 =	vadd.s32 v4, v21;
	s24 =	sor.u32 $0x2A80, s23  }
0x334: {  	[tilespmem:s24], [sflag:$0x1] =	stream.indirect_vreg.gather [hbm4b:s9+s2], $0x80, v23, vm0, $0xb8;
	[tilespmem:$0xDD00] =	vst v63  }
0x335: {  	s24 =	sor.u32 $0x2B00, s23  }
0x336: {  	[tilespmem:s24], [sflag:$0x1] =	stream.indirect_vreg.gather [hbm4b:s9+s2], $0x80, v33, vm0, $0xb8;
	[tilespmem:$0xDD00] =	vst v63  }
0x337: {  	s24 =	sor.u32 $0x2B80, s23  }
0x338: {  	[tilespmem:s24], [sflag:$0x1] =	stream.indirect_vreg.gather [hbm4b:s9+s2], $0x80, v21, vm0, $0xb8;
	[tilespmem:$0xDD00] =	vst v63  }
0x339: {  	v21 =	vld [tilespmem:s19+$0xFFFFFFB0];
	_ =	sdelay $0x4  }
0x33a: {  	v22 =	vshll.u32 v21, $0xA  }
0x33b: {  	v21 =	vand.u32 $0x7, v21;
	v22 =	vand.u32 $0xFFFFE000, v22  }
0x33c: {  	v21 =	vor.u32 v21, v22  }
0x33d: {  	v22 =	vperm.xlane v21, v0;
	_ =	sdelay $0x1  }
0x33e: {  	v23 =	vperm.xlane v21, v5;
	v22 =	vadd.s32 v4, v22;
	_ =	sdelay $0x1  }
0x33f: {  	v34 =	vperm.xlane v21, v6;
	v23 =	vadd.s32 v4, v23;
	_ =	sdelay $0x1  }
0x340: {  	s24 =	sor.u32 $0x2C00, s23;
	v35 =	vperm.xlane v21, v7;
	v24 =	vadd.s32 v4, v34  }
0x341: {  	[tilespmem:s24], [sflag:$0x1] =	stream.indirect_vreg.gather [hbm4b:s9+s2], $0x80, v22, vm0, $0xb8;
	[tilespmem:$0xDD00] =	vst v63  }
0x342: {  	v36 =	vperm.xlane v21, v8;
	s24 =	sor.u32 $0x2C80, s23;
	v22 =	vadd.s32 v4, v35  }
0x343: {  	[tilespmem:s24], [sflag:$0x1] =	stream.indirect_vreg.gather [hbm4b:s9+s2], $0x80, v23, vm0, $0xb8;
	[tilespmem:$0xDD00] =	vst v63  }
0x344: {  	v37 =	vperm.xlane v21, v9;
	s24 =	sor.u32 $0x2D00, s23;
	v23 =	vadd.s32 v4, v36  }
0x345: {  	[tilespmem:s24], [sflag:$0x1] =	stream.indirect_vreg.gather [hbm4b:s9+s2], $0x80, v24, vm0, $0xb8;
	[tilespmem:$0xDD00] =	vst v63  }
0x346: {  	v39 =	vperm.xlane v21, v10;
	v38 =	vadd.s32 v4, v37;
	s24 =	sor.u32 $0x2D80, s23  }
0x347: {  	[tilespmem:s24], [sflag:$0x1] =	stream.indirect_vreg.gather [hbm4b:s9+s2], $0x80, v22, vm0, $0xb8;
	[tilespmem:$0xDD00] =	vst v63  }
0x348: {  	v40 =	vperm.xlane v21, v2;
	s24 =	sor.u32 $0x2E00, s23;
	v22 =	vadd.s32 v4, v39  }
0x349: {  	[tilespmem:s24], [sflag:$0x1] =	stream.indirect_vreg.gather [hbm4b:s9+s2], $0x80, v23, vm0, $0xb8;
	[tilespmem:$0xDD00] =	vst v63  }
0x34a: {  	v41 =	vperm.xlane v21, v11;
	s24 =	sor.u32 $0x2E80, s23;
	v23 =	vadd.s32 v4, v40  }
0x34b: {  	[tilespmem:s24], [sflag:$0x1] =	stream.indirect_vreg.gather [hbm4b:s9+s2], $0x80, v38, vm0, $0xb8;
	[tilespmem:$0xDD00] =	vst v63  }
0x34c: {  	v43 =	vperm.xlane v21, v12;
	v42 =	vadd.s32 v4, v41;
	s24 =	sor.u32 $0x2F00, s23  }
0x34d: {  	[tilespmem:s24], [sflag:$0x1] =	stream.indirect_vreg.gather [hbm4b:s9+s2], $0x80, v22, vm0, $0xb8;
	[tilespmem:$0xDD00] =	vst v63  }
0x34e: {  	v44 =	vperm.xlane v21, v3;
	s24 =	sor.u32 $0x2F80, s23;
	v22 =	vadd.s32 v4, v43  }
0x34f: {  	[tilespmem:s24], [sflag:$0x1] =	stream.indirect_vreg.gather [hbm4b:s9+s2], $0x80, v23, vm0, $0xb8;
	[tilespmem:$0xDD00] =	vst v63  }
0x350: {  	v45 =	vperm.xlane v21, v13;
	s24 =	sor.u32 $0x3000, s23;
	v23 =	vadd.s32 v4, v44  }
0x351: {  	[tilespmem:s24], [sflag:$0x1] =	stream.indirect_vreg.gather [hbm4b:s9+s2], $0x80, v42, vm0, $0xb8;
	[tilespmem:$0xDD00] =	vst v63  }
0x352: {  	v47 =	vperm.xlane v21, v14;
	v46 =	vadd.s32 v4, v45;
	s24 =	sor.u32 $0x3080, s23  }
0x353: {  	[tilespmem:s24], [sflag:$0x1] =	stream.indirect_vreg.gather [hbm4b:s9+s2], $0x80, v22, vm0, $0xb8;
	[tilespmem:$0xDD00] =	vst v63  }
0x354: {  	v48 =	vperm.xlane v21, v15;
	s24 =	sor.u32 $0x3100, s23;
	v22 =	vadd.s32 v4, v47  }
0x355: {  	[tilespmem:s24], [sflag:$0x1] =	stream.indirect_vreg.gather [hbm4b:s9+s2], $0x80, v23, vm0, $0xb8;
	[tilespmem:$0xDD00] =	vst v63  }
0x356: {  	v49 =	vperm.xlane v21, v16;
	s24 =	sor.u32 $0x3180, s23;
	v23 =	vadd.s32 v4, v48  }
0x357: {  	[tilespmem:s24], [sflag:$0x1] =	stream.indirect_vreg.gather [hbm4b:s9+s2], $0x80, v46, vm0, $0xb8;
	[tilespmem:$0xDD00] =	vst v63  }
0x358: {  	v21 =	vperm.xlane v21, v17;
	v50 =	vadd.s32 v4, v49;
	s24 =	sor.u32 $0x3200, s23  }
0x359: {  	[tilespmem:s24], [sflag:$0x1] =	stream.indirect_vreg.gather [hbm4b:s9+s2], $0x80, v22, vm0, $0xb8;
	[tilespmem:$0xDD00] =	vst v63  }
0x35a: {  	v21 =	vadd.s32 v4, v21;
	s24 =	sor.u32 $0x3280, s23  }
0x35b: {  	[tilespmem:s24], [sflag:$0x1] =	stream.indirect_vreg.gather [hbm4b:s9+s2], $0x80, v23, vm0, $0xb8;
	[tilespmem:$0xDD00] =	vst v63  }
0x35c: {  	s24 =	sor.u32 $0x3300, s23  }
0x35d: {  	[tilespmem:s24], [sflag:$0x1] =	stream.indirect_vreg.gather [hbm4b:s9+s2], $0x80, v50, vm0, $0xb8;
	[tilespmem:$0xDD00] =	vst v63  }
0x35e: {  	s24 =	sor.u32 $0x3380, s23  }
0x35f: {  	[tilespmem:s24], [sflag:$0x1] =	stream.indirect_vreg.gather [hbm4b:s9+s2], $0x80, v21, vm0, $0xb8;
	[tilespmem:$0xDD00] =	vst v63  }
0x360: {  	v21 =	vld [tilespmem:s19+$0xFFFFFFC0];
	_ =	sdelay $0x4  }
0x361: {  	v22 =	vshll.u32 v21, $0xA  }
0x362: {  	v21 =	vand.u32 $0x7, v21;
	v22 =	vand.u32 $0xFFFFE000, v22  }
0x363: {  	v21 =	vor.u32 v21, v22  }
0x364: {  	v22 =	vperm.xlane v21, v0;
	_ =	sdelay $0x1  }
0x365: {  	v23 =	vperm.xlane v21, v5;
	v22 =	vadd.s32 v4, v22;
	_ =	sdelay $0x1  }
0x366: {  	v51 =	vperm.xlane v21, v6;
	v23 =	vadd.s32 v4, v23;
	_ =	sdelay $0x1  }
0x367: {  	s24 =	sor.u32 $0x3400, s23;
	v52 =	vperm.xlane v21, v7;
	v24 =	vadd.s32 v4, v51  }
0x368: {  	[tilespmem:s24], [sflag:$0x1] =	stream.indirect_vreg.gather [hbm4b:s9+s2], $0x80, v22, vm0, $0xb8;
	[tilespmem:$0xDD00] =	vst v63  }
0x369: {  	v53 =	vperm.xlane v21, v8;
	s24 =	sor.u32 $0x3480, s23;
	v22 =	vadd.s32 v4, v52  }
0x36a: {  	[tilespmem:s24], [sflag:$0x1] =	stream.indirect_vreg.gather [hbm4b:s9+s2], $0x80, v23, vm0, $0xb8;
	[tilespmem:$0xDD00] =	vst v63  }
0x36b: {  	v54 =	vperm.xlane v21, v9;
	s24 =	sor.u32 $0x3500, s23;
	v23 =	vadd.s32 v4, v53  }
0x36c: {  	[tilespmem:s24], [sflag:$0x1] =	stream.indirect_vreg.gather [hbm4b:s9+s2], $0x80, v24, vm0, $0xb8;
	[tilespmem:$0xDD00] =	vst v63  }
0x36d: {  	v56 =	vperm.xlane v21, v10;
	v55 =	vadd.s32 v4, v54;
	s24 =	sor.u32 $0x3580, s23  }
0x36e: {  	[tilespmem:s24], [sflag:$0x1] =	stream.indirect_vreg.gather [hbm4b:s9+s2], $0x80, v22, vm0, $0xb8;
	[tilespmem:$0xDD00] =	vst v63  }
0x36f: {  	v57 =	vperm.xlane v21, v2;
	s24 =	sor.u32 $0x3600, s23;
	v22 =	vadd.s32 v4, v56  }
0x370: {  	[tilespmem:s24], [sflag:$0x1] =	stream.indirect_vreg.gather [hbm4b:s9+s2], $0x80, v23, vm0, $0xb8;
	[tilespmem:$0xDD00] =	vst v63  }
0x371: {  	v58 =	vperm.xlane v21, v11;
	s24 =	sor.u32 $0x3680, s23;
	v23 =	vadd.s32 v4, v57  }
0x372: {  	[tilespmem:s24], [sflag:$0x1] =	stream.indirect_vreg.gather [hbm4b:s9+s2], $0x80, v55, vm0, $0xb8;
	[tilespmem:$0xDD00] =	vst v63  }
0x373: {  	v60 =	vperm.xlane v21, v12;
	v59 =	vadd.s32 v4, v58;
	s24 =	sor.u32 $0x3700, s23  }
0x374: {  	[tilespmem:s24], [sflag:$0x1] =	stream.indirect_vreg.gather [hbm4b:s9+s2], $0x80, v22, vm0, $0xb8;
	[tilespmem:$0xDD00] =	vst v63  }
0x375: {  	v61 =	vperm.xlane v21, v3;
	s24 =	sor.u32 $0x3780, s23;
	v22 =	vadd.s32 v4, v60  }
0x376: {  	[tilespmem:s24], [sflag:$0x1] =	stream.indirect_vreg.gather [hbm4b:s9+s2], $0x80, v23, vm0, $0xb8;
	[tilespmem:$0xDD00] =	vst v63  }
0x377: {  	v62 =	vperm.xlane v21, v13;
	s24 =	sor.u32 $0x3800, s23;
	v23 =	vadd.s32 v4, v61  }
0x378: {  	[tilespmem:s24], [sflag:$0x1] =	stream.indirect_vreg.gather [hbm4b:s9+s2], $0x80, v59, vm0, $0xb8;
	[tilespmem:$0xDD00] =	vst v63  }
0x379: {  	v28 =	vperm.xlane v21, v14;
	v63 =	vadd.s32 v4, v62;
	s24 =	sor.u32 $0x3880, s23  }
0x37a: {  	[tilespmem:s24], [sflag:$0x1] =	stream.indirect_vreg.gather [hbm4b:s9+s2], $0x80, v22, vm0, $0xb8;
	[tilespmem:$0xDD00] =	vst v63  }
0x37b: {  	v29 =	vperm.xlane v21, v15;
	s24 =	sor.u32 $0x3900, s23;
	v22 =	vadd.s32 v4, v28  }
0x37c: {  	[tilespmem:s24], [sflag:$0x1] =	stream.indirect_vreg.gather [hbm4b:s9+s2], $0x80, v23, vm0, $0xb8;
	[tilespmem:$0xDD00] =	vst v63  }
0x37d: {  	v30 =	vperm.xlane v21, v16;
	s24 =	sor.u32 $0x3980, s23;
	v23 =	vadd.s32 v4, v29  }
0x37e: {  	[tilespmem:s24], [sflag:$0x1] =	stream.indirect_vreg.gather [hbm4b:s9+s2], $0x80, v63, vm0, $0xb8;
	[tilespmem:$0xDD00] =	vst v63  }
0x37f: {  	v21 =	vperm.xlane v21, v17;
	v31 =	vadd.s32 v4, v30;
	s24 =	sor.u32 $0x3A00, s23  }
0x380: {  	[tilespmem:s24], [sflag:$0x1] =	stream.indirect_vreg.gather [hbm4b:s9+s2], $0x80, v22, vm0, $0xb8;
	[tilespmem:$0xDD00] =	vst v63  }
0x381: {  	v21 =	vadd.s32 v4, v21;
	s24 =	sor.u32 $0x3A80, s23  }
0x382: {  	[tilespmem:s24], [sflag:$0x1] =	stream.indirect_vreg.gather [hbm4b:s9+s2], $0x80, v23, vm0, $0xb8;
	[tilespmem:$0xDD00] =	vst v63  }
0x383: {  	s24 =	sor.u32 $0x3B00, s23  }
0x384: {  	[tilespmem:s24], [sflag:$0x1] =	stream.indirect_vreg.gather [hbm4b:s9+s2], $0x80, v31, vm0, $0xb8;
	[tilespmem:$0xDD00] =	vst v63  }
0x385: {  	s24 =	sor.u32 $0x3B80, s23  }
0x386: {  	[tilespmem:s24], [sflag:$0x1] =	stream.indirect_vreg.gather [hbm4b:s9+s2], $0x80, v21, vm0, $0xb8;
	[tilespmem:$0xDD00] =	vst v63  }
0x387: {  	v21 =	vld [tilespmem:s19+$0xFFFFFFD0];
	_ =	sdelay $0x4  }
0x388: {  	v22 =	vshll.u32 v21, $0xA  }
0x389: {  	v21 =	vand.u32 $0x7, v21;
	v22 =	vand.u32 $0xFFFFE000, v22  }
0x38a: {  	v21 =	vor.u32 v21, v22  }
0x38b: {  	v22 =	vperm.xlane v21, v0;
	_ =	sdelay $0x1  }
0x38c: {  	v23 =	vperm.xlane v21, v5;
	v22 =	vadd.s32 v4, v22;
	_ =	sdelay $0x1  }
0x38d: {  	v32 =	vperm.xlane v21, v6;
	v23 =	vadd.s32 v4, v23;
	_ =	sdelay $0x1  }
0x38e: {  	s24 =	sor.u32 $0x3C00, s23;
	v33 =	vperm.xlane v21, v7;
	v24 =	vadd.s32 v4, v32  }
0x38f: {  	[tilespmem:s24], [sflag:$0x1] =	stream.indirect_vreg.gather [hbm4b:s9+s2], $0x80, v22, vm0, $0xb8;
	[tilespmem:$0xDD00] =	vst v63  }
0x390: {  	v34 =	vperm.xlane v21, v8;
	s24 =	sor.u32 $0x3C80, s23;
	v22 =	vadd.s32 v4, v33  }
0x391: {  	[tilespmem:s24], [sflag:$0x1] =	stream.indirect_vreg.gather [hbm4b:s9+s2], $0x80, v23, vm0, $0xb8;
	[tilespmem:$0xDD00] =	vst v63  }
0x392: {  	v35 =	vperm.xlane v21, v9;
	s24 =	sor.u32 $0x3D00, s23;
	v23 =	vadd.s32 v4, v34  }
0x393: {  	[tilespmem:s24], [sflag:$0x1] =	stream.indirect_vreg.gather [hbm4b:s9+s2], $0x80, v24, vm0, $0xb8;
	[tilespmem:$0xDD00] =	vst v63  }
0x394: {  	v37 =	vperm.xlane v21, v10;
	v36 =	vadd.s32 v4, v35;
	s24 =	sor.u32 $0x3D80, s23  }
0x395: {  	[tilespmem:s24], [sflag:$0x1] =	stream.indirect_vreg.gather [hbm4b:s9+s2], $0x80, v22, vm0, $0xb8;
	[tilespmem:$0xDD00] =	vst v63  }
0x396: {  	v38 =	vperm.xlane v21, v2;
	s24 =	sor.u32 $0x3E00, s23;
	v22 =	vadd.s32 v4, v37  }
0x397: {  	[tilespmem:s24], [sflag:$0x1] =	stream.indirect_vreg.gather [hbm4b:s9+s2], $0x80, v23, vm0, $0xb8;
	[tilespmem:$0xDD00] =	vst v63  }
0x398: {  	v39 =	vperm.xlane v21, v11;
	s24 =	sor.u32 $0x3E80, s23;
	v23 =	vadd.s32 v4, v38  }
0x399: {  	[tilespmem:s24], [sflag:$0x1] =	stream.indirect_vreg.gather [hbm4b:s9+s2], $0x80, v36, vm0, $0xb8;
	[tilespmem:$0xDD00] =	vst v63  }
0x39a: {  	v41 =	vperm.xlane v21, v12;
	v40 =	vadd.s32 v4, v39;
	s24 =	sor.u32 $0x3F00, s23  }
0x39b: {  	[tilespmem:s24], [sflag:$0x1] =	stream.indirect_vreg.gather [hbm4b:s9+s2], $0x80, v22, vm0, $0xb8;
	[tilespmem:$0xDD00] =	vst v63  }
0x39c: {  	v42 =	vperm.xlane v21, v3;
	s24 =	sor.u32 $0x3F80, s23;
	v22 =	vadd.s32 v4, v41  }
0x39d: {  	[tilespmem:s24], [sflag:$0x1] =	stream.indirect_vreg.gather [hbm4b:s9+s2], $0x80, v23, vm0, $0xb8;
	[tilespmem:$0xDD00] =	vst v63  }
0x39e: {  	v43 =	vperm.xlane v21, v13;
	s24 =	sadd.s32 $0x4000, s23;
	v23 =	vadd.s32 v4, v42  }
0x39f: {  	[tilespmem:s24], [sflag:$0x1] =	stream.indirect_vreg.gather [hbm4b:s9+s2], $0x80, v40, vm0, $0xb8;
	[tilespmem:$0xDD00] =	vst v63  }
0x3a0: {  	v45 =	vperm.xlane v21, v14;
	v44 =	vadd.s32 v4, v43;
	s24 =	sadd.s32 $0x4080, s23  }
0x3a1: {  	[tilespmem:s24], [sflag:$0x1] =	stream.indirect_vreg.gather [hbm4b:s9+s2], $0x80, v22, vm0, $0xb8;
	[tilespmem:$0xDD00] =	vst v63  }
0x3a2: {  	v46 =	vperm.xlane v21, v15;
	s24 =	sadd.s32 $0x4100, s23;
	v22 =	vadd.s32 v4, v45  }
0x3a3: {  	[tilespmem:s24], [sflag:$0x1] =	stream.indirect_vreg.gather [hbm4b:s9+s2], $0x80, v23, vm0, $0xb8;
	[tilespmem:$0xDD00] =	vst v63  }
0x3a4: {  	v47 =	vperm.xlane v21, v16;
	s24 =	sadd.s32 $0x4180, s23;
	v23 =	vadd.s32 v4, v46  }
0x3a5: {  	[tilespmem:s24], [sflag:$0x1] =	stream.indirect_vreg.gather [hbm4b:s9+s2], $0x80, v44, vm0, $0xb8;
	[tilespmem:$0xDD00] =	vst v63  }
0x3a6: {  	v21 =	vperm.xlane v21, v17;
	v48 =	vadd.s32 v4, v47;
	s24 =	sadd.s32 $0x4200, s23  }
0x3a7: {  	[tilespmem:s24], [sflag:$0x1] =	stream.indirect_vreg.gather [hbm4b:s9+s2], $0x80, v22, vm0, $0xb8;
	[tilespmem:$0xDD00] =	vst v63  }
0x3a8: {  	v21 =	vadd.s32 v4, v21;
	s24 =	sadd.s32 $0x4280, s23  }
0x3a9: {  	[tilespmem:s24], [sflag:$0x1] =	stream.indirect_vreg.gather [hbm4b:s9+s2], $0x80, v23, vm0, $0xb8;
	[tilespmem:$0xDD00] =	vst v63  }
0x3aa: {  	s24 =	sadd.s32 $0x4300, s23  }
0x3ab: {  	[tilespmem:s24], [sflag:$0x1] =	stream.indirect_vreg.gather [hbm4b:s9+s2], $0x80, v48, vm0, $0xb8;
	[tilespmem:$0xDD00] =	vst v63  }
0x3ac: {  	s24 =	sadd.s32 $0x4380, s23  }
0x3ad: {  	[tilespmem:s24], [sflag:$0x1] =	stream.indirect_vreg.gather [hbm4b:s9+s2], $0x80, v21, vm0, $0xb8;
	[tilespmem:$0xDD00] =	vst v63  }
0x3ae: {  	v21 =	vld [tilespmem:s19+$0xFFFFFFE0];
	_ =	sdelay $0x4  }
0x3af: {  	v22 =	vshll.u32 v21, $0xA  }
0x3b0: {  	v21 =	vand.u32 $0x7, v21;
	v22 =	vand.u32 $0xFFFFE000, v22  }
0x3b1: {  	v21 =	vor.u32 v21, v22  }
0x3b2: {  	v22 =	vperm.xlane v21, v0;
	_ =	sdelay $0x1  }
0x3b3: {  	v23 =	vperm.xlane v21, v5;
	v22 =	vadd.s32 v4, v22;
	_ =	sdelay $0x1  }
0x3b4: {  	v49 =	vperm.xlane v21, v6;
	v23 =	vadd.s32 v4, v23;
	_ =	sdelay $0x1  }
0x3b5: {  	s24 =	sadd.s32 $0x4400, s23;
	v50 =	vperm.xlane v21, v7;
	v24 =	vadd.s32 v4, v49  }
0x3b6: {  	[tilespmem:s24], [sflag:$0x1] =	stream.indirect_vreg.gather [hbm4b:s9+s2], $0x80, v22, vm0, $0xb8;
	[tilespmem:$0xDD00] =	vst v63  }
0x3b7: {  	v51 =	vperm.xlane v21, v8;
	s24 =	sadd.s32 $0x4480, s23;
	v22 =	vadd.s32 v4, v50  }
0x3b8: {  	[tilespmem:s24], [sflag:$0x1] =	stream.indirect_vreg.gather [hbm4b:s9+s2], $0x80, v23, vm0, $0xb8;
	[tilespmem:$0xDD00] =	vst v63  }
0x3b9: {  	v52 =	vperm.xlane v21, v9;
	s24 =	sadd.s32 $0x4500, s23;
	v23 =	vadd.s32 v4, v51  }
0x3ba: {  	[tilespmem:s24], [sflag:$0x1] =	stream.indirect_vreg.gather [hbm4b:s9+s2], $0x80, v24, vm0, $0xb8;
	[tilespmem:$0xDD00] =	vst v63  }
0x3bb: {  	v54 =	vperm.xlane v21, v10;
	v53 =	vadd.s32 v4, v52;
	s24 =	sadd.s32 $0x4580, s23  }
0x3bc: {  	[tilespmem:s24], [sflag:$0x1] =	stream.indirect_vreg.gather [hbm4b:s9+s2], $0x80, v22, vm0, $0xb8;
	[tilespmem:$0xDD00] =	vst v63  }
0x3bd: {  	v55 =	vperm.xlane v21, v2;
	s24 =	sadd.s32 $0x4600, s23;
	v22 =	vadd.s32 v4, v54  }
0x3be: {  	[tilespmem:s24], [sflag:$0x1] =	stream.indirect_vreg.gather [hbm4b:s9+s2], $0x80, v23, vm0, $0xb8;
	[tilespmem:$0xDD00] =	vst v63  }
0x3bf: {  	v56 =	vperm.xlane v21, v11;
	s24 =	sadd.s32 $0x4680, s23;
	v23 =	vadd.s32 v4, v55  }
0x3c0: {  	[tilespmem:s24], [sflag:$0x1] =	stream.indirect_vreg.gather [hbm4b:s9+s2], $0x80, v53, vm0, $0xb8;
	[tilespmem:$0xDD00] =	vst v63  }
0x3c1: {  	v58 =	vperm.xlane v21, v12;
	v57 =	vadd.s32 v4, v56;
	s24 =	sadd.s32 $0x4700, s23  }
0x3c2: {  	[tilespmem:s24], [sflag:$0x1] =	stream.indirect_vreg.gather [hbm4b:s9+s2], $0x80, v22, vm0, $0xb8;
	[tilespmem:$0xDD00] =	vst v63  }
0x3c3: {  	v59 =	vperm.xlane v21, v3;
	s24 =	sadd.s32 $0x4780, s23;
	v22 =	vadd.s32 v4, v58  }
0x3c4: {  	[tilespmem:s24], [sflag:$0x1] =	stream.indirect_vreg.gather [hbm4b:s9+s2], $0x80, v23, vm0, $0xb8;
	[tilespmem:$0xDD00] =	vst v63  }
0x3c5: {  	v60 =	vperm.xlane v21, v13;
	s24 =	sadd.s32 $0x4800, s23;
	v23 =	vadd.s32 v4, v59  }
0x3c6: {  	[tilespmem:s24], [sflag:$0x1] =	stream.indirect_vreg.gather [hbm4b:s9+s2], $0x80, v57, vm0, $0xb8;
	[tilespmem:$0xDD00] =	vst v63  }
0x3c7: {  	v62 =	vperm.xlane v21, v14;
	v61 =	vadd.s32 v4, v60;
	s24 =	sadd.s32 $0x4880, s23  }
0x3c8: {  	[tilespmem:s24], [sflag:$0x1] =	stream.indirect_vreg.gather [hbm4b:s9+s2], $0x80, v22, vm0, $0xb8;
	[tilespmem:$0xDD00] =	vst v63  }
0x3c9: {  	v63 =	vperm.xlane v21, v15;
	s24 =	sadd.s32 $0x4900, s23;
	v22 =	vadd.s32 v4, v62  }
0x3ca: {  	[tilespmem:s24], [sflag:$0x1] =	stream.indirect_vreg.gather [hbm4b:s9+s2], $0x80, v23, vm0, $0xb8;
	[tilespmem:$0xDD00] =	vst v63  }
0x3cb: {  	v28 =	vperm.xlane v21, v16;
	s24 =	sadd.s32 $0x4980, s23;
	v23 =	vadd.s32 v4, v63  }
0x3cc: {  	[tilespmem:s24], [sflag:$0x1] =	stream.indirect_vreg.gather [hbm4b:s9+s2], $0x80, v61, vm0, $0xb8;
	[tilespmem:$0xDD00] =	vst v63  }
0x3cd: {  	v21 =	vperm.xlane v21, v17;
	v29 =	vadd.s32 v4, v28;
	s24 =	sadd.s32 $0x4A00, s23  }
0x3ce: {  	[tilespmem:s24], [sflag:$0x1] =	stream.indirect_vreg.gather [hbm4b:s9+s2], $0x80, v22, vm0, $0xb8;
	[tilespmem:$0xDD00] =	vst v63  }
0x3cf: {  	v21 =	vadd.s32 v4, v21;
	s24 =	sadd.s32 $0x4A80, s23  }
0x3d0: {  	[tilespmem:s24], [sflag:$0x1] =	stream.indirect_vreg.gather [hbm4b:s9+s2], $0x80, v23, vm0, $0xb8;
	[tilespmem:$0xDD00] =	vst v63  }
0x3d1: {  	s24 =	sadd.s32 $0x4B00, s23  }
0x3d2: {  	[tilespmem:s24], [sflag:$0x1] =	stream.indirect_vreg.gather [hbm4b:s9+s2], $0x80, v29, vm0, $0xb8;
	[tilespmem:$0xDD00] =	vst v63  }
0x3d3: {  	s24 =	sadd.s32 $0x4B80, s23  }
0x3d4: {  	[tilespmem:s24], [sflag:$0x1] =	stream.indirect_vreg.gather [hbm4b:s9+s2], $0x80, v21, vm0, $0xb8;
	[tilespmem:$0xDD00] =	vst v63  }
0x3d5: {  	v21 =	vld [tilespmem:s19+$0xFFFFFFF0];
	_ =	sdelay $0x4  }
0x3d6: {  	v22 =	vshll.u32 v21, $0xA  }
0x3d7: {  	v21 =	vand.u32 $0x7, v21;
	v22 =	vand.u32 $0xFFFFE000, v22  }
0x3d8: {  	v21 =	vor.u32 v21, v22  }
0x3d9: {  	v22 =	vperm.xlane v21, v0;
	_ =	sdelay $0x1  }
0x3da: {  	v23 =	vperm.xlane v21, v5;
	v22 =	vadd.s32 v4, v22;
	_ =	sdelay $0x1  }
0x3db: {  	v30 =	vperm.xlane v21, v6;
	v23 =	vadd.s32 v4, v23;
	_ =	sdelay $0x1  }
0x3dc: {  	s24 =	sadd.s32 $0x4C00, s23;
	v31 =	vperm.xlane v21, v7;
	v24 =	vadd.s32 v4, v30  }
0x3dd: {  	[tilespmem:s24], [sflag:$0x1] =	stream.indirect_vreg.gather [hbm4b:s9+s2], $0x80, v22, vm0, $0xb8;
	[tilespmem:$0xDD00] =	vst v63  }
0x3de: {  	v32 =	vperm.xlane v21, v8;
	s24 =	sadd.s32 $0x4C80, s23;
	v22 =	vadd.s32 v4, v31  }
0x3df: {  	[tilespmem:s24], [sflag:$0x1] =	stream.indirect_vreg.gather [hbm4b:s9+s2], $0x80, v23, vm0, $0xb8;
	[tilespmem:$0xDD00] =	vst v63  }
0x3e0: {  	v33 =	vperm.xlane v21, v9;
	s24 =	sadd.s32 $0x4D00, s23;
	v23 =	vadd.s32 v4, v32  }
0x3e1: {  	[tilespmem:s24], [sflag:$0x1] =	stream.indirect_vreg.gather [hbm4b:s9+s2], $0x80, v24, vm0, $0xb8;
	[tilespmem:$0xDD00] =	vst v63  }
0x3e2: {  	v35 =	vperm.xlane v21, v10;
	v34 =	vadd.s32 v4, v33;
	s24 =	sadd.s32 $0x4D80, s23  }
0x3e3: {  	[tilespmem:s24], [sflag:$0x1] =	stream.indirect_vreg.gather [hbm4b:s9+s2], $0x80, v22, vm0, $0xb8;
	[tilespmem:$0xDD00] =	vst v63  }
0x3e4: {  	v36 =	vperm.xlane v21, v2;
	s24 =	sadd.s32 $0x4E00, s23;
	v22 =	vadd.s32 v4, v35  }
0x3e5: {  	[tilespmem:s24], [sflag:$0x1] =	stream.indirect_vreg.gather [hbm4b:s9+s2], $0x80, v23, vm0, $0xb8;
	[tilespmem:$0xDD00] =	vst v63  }
0x3e6: {  	v37 =	vperm.xlane v21, v11;
	s24 =	sadd.s32 $0x4E80, s23;
	v23 =	vadd.s32 v4, v36  }
0x3e7: {  	[tilespmem:s24], [sflag:$0x1] =	stream.indirect_vreg.gather [hbm4b:s9+s2], $0x80, v34, vm0, $0xb8;
	[tilespmem:$0xDD00] =	vst v63  }
0x3e8: {  	v39 =	vperm.xlane v21, v12;
	v38 =	vadd.s32 v4, v37;
	s24 =	sadd.s32 $0x4F00, s23  }
0x3e9: {  	[tilespmem:s24], [sflag:$0x1] =	stream.indirect_vreg.gather [hbm4b:s9+s2], $0x80, v22, vm0, $0xb8;
	[tilespmem:$0xDD00] =	vst v63  }
0x3ea: {  	v40 =	vperm.xlane v21, v3;
	s24 =	sadd.s32 $0x4F80, s23;
	v22 =	vadd.s32 v4, v39  }
0x3eb: {  	[tilespmem:s24], [sflag:$0x1] =	stream.indirect_vreg.gather [hbm4b:s9+s2], $0x80, v23, vm0, $0xb8;
	[tilespmem:$0xDD00] =	vst v63  }
0x3ec: {  	v41 =	vperm.xlane v21, v13;
	s24 =	sadd.s32 $0x5000, s23;
	v23 =	vadd.s32 v4, v40  }
0x3ed: {  	[tilespmem:s24], [sflag:$0x1] =	stream.indirect_vreg.gather [hbm4b:s9+s2], $0x80, v38, vm0, $0xb8;
	[tilespmem:$0xDD00] =	vst v63  }
0x3ee: {  	v43 =	vperm.xlane v21, v14;
	v42 =	vadd.s32 v4, v41;
	s24 =	sadd.s32 $0x5080, s23  }
0x3ef: {  	[tilespmem:s24], [sflag:$0x1] =	stream.indirect_vreg.gather [hbm4b:s9+s2], $0x80, v22, vm0, $0xb8;
	[tilespmem:$0xDD00] =	vst v63  }
0x3f0: {  	v44 =	vperm.xlane v21, v15;
	s24 =	sadd.s32 $0x5100, s23;
	v22 =	vadd.s32 v4, v43  }
0x3f1: {  	[tilespmem:s24], [sflag:$0x1] =	stream.indirect_vreg.gather [hbm4b:s9+s2], $0x80, v23, vm0, $0xb8;
	[tilespmem:$0xDD00] =	vst v63  }
0x3f2: {  	v45 =	vperm.xlane v21, v16;
	s24 =	sadd.s32 $0x5180, s23;
	v23 =	vadd.s32 v4, v44  }
0x3f3: {  	[tilespmem:s24], [sflag:$0x1] =	stream.indirect_vreg.gather [hbm4b:s9+s2], $0x80, v42, vm0, $0xb8;
	[tilespmem:$0xDD00] =	vst v63  }
0x3f4: {  	v21 =	vperm.xlane v21, v17;
	v46 =	vadd.s32 v4, v45;
	s24 =	sadd.s32 $0x5200, s23  }
0x3f5: {  	[tilespmem:s24], [sflag:$0x1] =	stream.indirect_vreg.gather [hbm4b:s9+s2], $0x80, v22, vm0, $0xb8;
	[tilespmem:$0xDD00] =	vst v63  }
0x3f6: {  	v21 =	vadd.s32 v4, v21;
	s24 =	sadd.s32 $0x5280, s23  }
0x3f7: {  	[tilespmem:s24], [sflag:$0x1] =	stream.indirect_vreg.gather [hbm4b:s9+s2], $0x80, v23, vm0, $0xb8;
	[tilespmem:$0xDD00] =	vst v63  }
0x3f8: {  	s24 =	sadd.s32 $0x5300, s23  }
0x3f9: {  	[tilespmem:s24], [sflag:$0x1] =	stream.indirect_vreg.gather [hbm4b:s9+s2], $0x80, v46, vm0, $0xb8;
	[tilespmem:$0xDD00] =	vst v63  }
0x3fa: {  	s24 =	sadd.s32 $0x5380, s23  }
0x3fb: {  	[tilespmem:s24], [sflag:$0x1] =	stream.indirect_vreg.gather [hbm4b:s9+s2], $0x80, v21, vm0, $0xb8;
	[tilespmem:$0xDD00] =	vst v63  }
0x3fc: {  	v21 =	vld [tilespmem:s19+$0x0];
	_ =	sdelay $0x4  }
0x3fd: {  	v22 =	vshll.u32 v21, $0xA  }
0x3fe: {  	v21 =	vand.u32 $0x7, v21;
	v22 =	vand.u32 $0xFFFFE000, v22  }
0x3ff: {  	v21 =	vor.u32 v21, v22  }
0x400: {  	v22 =	vperm.xlane v21, v0;
	_ =	sdelay $0x1  }
0x401: {  	v23 =	vperm.xlane v21, v5;
	v22 =	vadd.s32 v4, v22;
	_ =	sdelay $0x1  }
0x402: {  	v47 =	vperm.xlane v21, v6;
	v23 =	vadd.s32 v4, v23;
	_ =	sdelay $0x1  }
0x403: {  	s24 =	sadd.s32 $0x5400, s23;
	v48 =	vperm.xlane v21, v7;
	v24 =	vadd.s32 v4, v47  }
0x404: {  	[tilespmem:s24], [sflag:$0x1] =	stream.indirect_vreg.gather [hbm4b:s9+s2], $0x80, v22, vm0, $0xb8;
	[tilespmem:$0xDD00] =	vst v63  }
0x405: {  	v49 =	vperm.xlane v21, v8;
	s24 =	sadd.s32 $0x5480, s23;
	v22 =	vadd.s32 v4, v48  }
0x406: {  	[tilespmem:s24], [sflag:$0x1] =	stream.indirect_vreg.gather [hbm4b:s9+s2], $0x80, v23, vm0, $0xb8;
	[tilespmem:$0xDD00] =	vst v63  }
0x407: {  	v50 =	vperm.xlane v21, v9;
	s24 =	sadd.s32 $0x5500, s23;
	v23 =	vadd.s32 v4, v49  }
0x408: {  	[tilespmem:s24], [sflag:$0x1] =	stream.indirect_vreg.gather [hbm4b:s9+s2], $0x80, v24, vm0, $0xb8;
	[tilespmem:$0xDD00] =	vst v63  }
0x409: {  	v52 =	vperm.xlane v21, v10;
	v51 =	vadd.s32 v4, v50;
	s24 =	sadd.s32 $0x5580, s23  }
0x40a: {  	[tilespmem:s24], [sflag:$0x1] =	stream.indirect_vreg.gather [hbm4b:s9+s2], $0x80, v22, vm0, $0xb8;
	[tilespmem:$0xDD00] =	vst v63  }
0x40b: {  	v53 =	vperm.xlane v21, v2;
	s24 =	sadd.s32 $0x5600, s23;
	v22 =	vadd.s32 v4, v52  }
0x40c: {  	[tilespmem:s24], [sflag:$0x1] =	stream.indirect_vreg.gather [hbm4b:s9+s2], $0x80, v23, vm0, $0xb8;
	[tilespmem:$0xDD00] =	vst v63  }
0x40d: {  	v54 =	vperm.xlane v21, v11;
	s24 =	sadd.s32 $0x5680, s23;
	v23 =	vadd.s32 v4, v53  }
0x40e: {  	[tilespmem:s24], [sflag:$0x1] =	stream.indirect_vreg.gather [hbm4b:s9+s2], $0x80, v51, vm0, $0xb8;
	[tilespmem:$0xDD00] =	vst v63  }
0x40f: {  	v56 =	vperm.xlane v21, v12;
	v55 =	vadd.s32 v4, v54;
	s24 =	sadd.s32 $0x5700, s23  }
0x410: {  	[tilespmem:s24], [sflag:$0x1] =	stream.indirect_vreg.gather [hbm4b:s9+s2], $0x80, v22, vm0, $0xb8;
	[tilespmem:$0xDD00] =	vst v63  }
0x411: {  	v57 =	vperm.xlane v21, v3;
	s24 =	sadd.s32 $0x5780, s23;
	v22 =	vadd.s32 v4, v56  }
0x412: {  	[tilespmem:s24], [sflag:$0x1] =	stream.indirect_vreg.gather [hbm4b:s9+s2], $0x80, v23, vm0, $0xb8;
	[tilespmem:$0xDD00] =	vst v63  }
0x413: {  	v58 =	vperm.xlane v21, v13;
	s24 =	sadd.s32 $0x5800, s23;
	v23 =	vadd.s32 v4, v57  }
0x414: {  	[tilespmem:s24], [sflag:$0x1] =	stream.indirect_vreg.gather [hbm4b:s9+s2], $0x80, v55, vm0, $0xb8;
	[tilespmem:$0xDD00] =	vst v63  }
0x415: {  	v60 =	vperm.xlane v21, v14;
	v59 =	vadd.s32 v4, v58;
	s24 =	sadd.s32 $0x5880, s23  }
0x416: {  	[tilespmem:s24], [sflag:$0x1] =	stream.indirect_vreg.gather [hbm4b:s9+s2], $0x80, v22, vm0, $0xb8;
	[tilespmem:$0xDD00] =	vst v63  }
0x417: {  	v61 =	vperm.xlane v21, v15;
	s24 =	sadd.s32 $0x5900, s23;
	v22 =	vadd.s32 v4, v60  }
0x418: {  	[tilespmem:s24], [sflag:$0x1] =	stream.indirect_vreg.gather [hbm4b:s9+s2], $0x80, v23, vm0, $0xb8;
	[tilespmem:$0xDD00] =	vst v63  }
0x419: {  	s24 =	sadd.s32 $0x5980, s23;
	v23 =	vadd.s32 v4, v61  }
0x41a: {  	v62 =	vperm.xlane v21, v16;
	[tilespmem:s24], [sflag:$0x1] =	stream.indirect_vreg.gather [hbm4b:s9+s2], $0x80, v59, vm0, $0xb8;
	[tilespmem:$0xDD00] =	vst v63  }
0x41b: {  	s24 =	sadd.s32 $0x5A00, s23  }
0x41c: {  	v21 =	vperm.xlane v21, v17;
	v63 =	vadd.s32 v4, v62;
	[tilespmem:s24], [sflag:$0x1] =	stream.indirect_vreg.gather [hbm4b:s9+s2], $0x80, v22, vm0, $0xb8;
	[tilespmem:$0xDD00] =	vst v63  }
0x41d: {  	s24 =	sadd.s32 $0x5A80, s23  }
0x41e: {  	v21 =	vadd.s32 v4, v21;
	[tilespmem:s24], [sflag:$0x1] =	stream.indirect_vreg.gather [hbm4b:s9+s2], $0x80, v23, vm0, $0xb8;
	[tilespmem:$0xDD00] =	vst v63  }
.Ltmp5:
0x41f: {  	_ = 	snop;
	(pc) =	sbr.rel .LBB2_4-.Ltmp5, $4  }
0x420: {  	s24 =	sadd.s32 $0x5B00, s23  }
0x421: {  	[tilespmem:s24], [sflag:$0x1] =	stream.indirect_vreg.gather [hbm4b:s9+s2], $0x80, v63, vm0, $0xb8;
	[tilespmem:$0xDD00] =	vst v63  }
0x422: {  	s23 =	sadd.s32 $0x5B80, s23  }
0x423: {  	[tilespmem:s23], [sflag:$0x1] =	stream.indirect_vreg.gather [hbm4b:s9+s2], $0x80, v21, vm0, $0xb8;
	[tilespmem:$0xDD00] =	vst v63  }
.LBB2_6:
0x424: {  	_ =	sfence.sel $0x180000  }
0x425: {  	[bflag:$0x0] =	sbarrier.arrive $0xFFFF  }
0x426: {  	_ =	strace $0x90000047  }
0x427: {  	s0 =	stileid.u32;
	[bflag:$0x2] =	sbarrier.arrive $0xFFFF  }
0x428: {  	p0 =	sne.s32 s0, $0x0;
	s0 =	rddreg [dreg:$0x3]  }
0x429: {  	s0 =	sadd.s32 @!p0 $0x100000, s0  }
0x42a: {  	[sflag:s0] =	ssyncadd.tile.s32 @!p0 $0x1;
	_ =	shalt  }
.Lfunc_end2:
_tile_overlayer_lowered:
.L_overlay_start_2:
0x42b: {  	(tag) =	ssettag $0x2  }
0x42c: {  	s0 =	rddreg [dreg:$0x0];
	s2 =	stileid.u32  }
0x42d: {  	s1 =	rddreg [dreg:$0x1];
	p0 =	sne.s32 s2, $0x0  }
0x42e: {  	s3 =	rddreg [dreg:$0x2];
	[bflag:$0x3] =	sbarrier.arrive $0xFFFF;
	s2 =	simm.s32 @!p0 $0x1C02  }
0x42f: {  	[timem:s3], [sflag:s2] =	dma.local @!p0 [hbm:s0], s1  }
0x430: {  	s0 =	simm.s32 @!p0 $0x2  }
0x431: {  	_ =	swait.ge @!p0 [sflag:s0], s1  }
0x432: {  	s1 =	ssub.s32 @!p0 $0x0, s1;
	[sflag:s0] =	ssyncset.done @!p0 $0x0  }
0x433: {  	[sflag:s0] =	ssyncadd.s32 @!p0 s1  }
0x434: {  	[bflag:$0x3] =	sbarrier.arrive $0xFFFF  }
0x435: {  	_ =	shalt  }

</sc_bundles>
